<compile_context>
chip_gen: v7x
topology: tpu7x:2x2x1
jax: 0.10.2.dev20260603
libtpu: 0.0.44.dev20260713+nightly
codegen_flags: <defaults>
</compile_context>

<pallas_src>
import functools

import jax
import jax.numpy as jnp
from jax import lax
from jax.experimental import pallas as pl
from jax.experimental.pallas import tpu as pltpu
from jax.experimental.pallas import tpu_sc as plsc

_L = 16
_U = 8


@functools.lru_cache(maxsize=None)
def _build(total_out: int, gx: int, gy: int):
    info = plsc.get_sparse_core_info()
    nw = info.num_cores * info.num_subcores
    assert total_out % nw == 0
    per_w_out = total_out // nw
    chunk_out = min(8192, per_w_out)
    assert per_w_out % chunk_out == 0
    n_chunks = per_w_out // chunk_out
    chunk_in = 2 * chunk_out
    n_vec = chunk_out // _L
    assert n_vec % _U == 0

    tbl_n = gx * gy
    sx = float(gx * gy * _L)
    mx = (gx - 1) * gy * _L
    sy = float(gy * _L)
    my = (gy - 1) * _L

    mesh = plsc.VectorSubcoreMesh(core_axis_name="c", subcore_axis_name="s")

    @functools.partial(
        pl.kernel,
        mesh=mesh,
        out_type=jax.ShapeDtypeStruct((total_out,), jnp.float32),
        compiler_params=pltpu.CompilerParams(needs_layout_passes=False),
        scratch_types=[
            pltpu.VMEM((chunk_in,), jnp.float32),
            pltpu.VMEM((chunk_in,), jnp.float32),
            pltpu.VMEM((chunk_out,), jnp.float32),
            pltpu.VMEM((chunk_out,), jnp.float32),
            pltpu.VMEM((tbl_n * _L,), jnp.float32),
            pltpu.SemaphoreType.DMA,
            pltpu.SemaphoreType.DMA,
            pltpu.SemaphoreType.DMA,
        ],
    )
    def grid_lookup(din_hbm, tbl_hbm, out_hbm, in0, in1, o0, o1, tblv,
                    sin, so0, so1):
        ins = (in0, in1)
        outs = (o0, o1)
        souts = (so0, so1)
        wid = lax.axis_index("s") * info.num_cores + lax.axis_index("c")
        in_base = wid * (2 * per_w_out)
        out_base = wid * per_w_out

        pltpu.sync_copy(tbl_hbm, tblv)

        iota = lax.iota(jnp.int32, _L)
        idx_e0 = iota * 2

        def start_in(c):
            return pltpu.async_copy(
                din_hbm.at[pl.ds(in_base + c * chunk_in, chunk_in)],
                ins[c % 2], sin)

        in_h = start_in(0)
        out_h = {}
        for c in range(n_chunks):
            in_h.wait()
            if c + 1 < n_chunks:
                in_h = start_in(c + 1)
            if c >= 2:
                out_h[c - 2].wait()
            inv = ins[c % 2]
            outv = outs[c % 2]

            @plsc.parallel_loop(0, n_vec, unroll=_U)
            def _(i):
                ie = idx_e0 + i * (2 * _L)
                io = ie + 1
                xs = plsc.load_gather(inv, [ie])
                ys = plsc.load_gather(inv, [io])
                fx = (xs * sx).astype(jnp.int32) & mx
                fy = (ys * sy).astype(jnp.int32) & my
                w = plsc.load_gather(tblv, [fx | fy | iota])
                outv[pl.ds(i * _L, _L)] = w

            out_h[c] = pltpu.async_copy(
                outv,
                out_hbm.at[pl.ds(out_base + c * chunk_out, chunk_out)],
                souts[c % 2])
        out_h[n_chunks - 2].wait()
        out_h[n_chunks - 1].wait()

    return grid_lookup


def kernel(diagrams, grid):
    b, n, _ = diagrams.shape
    gx, gy = grid.shape
    din = diagrams.reshape(-1)
    tbl_rep = jnp.broadcast_to(grid.reshape(-1)[:, None], (gx * gy, _L))
    out = _build(b * n, gx, gy)(din, tbl_rep.reshape(-1))
    return out.reshape(b, n)

# --- scband reference (transcript-rebuilt; emitter-appended) ---
"""Pipeline reference for scband-grid-perslay-weight-1614907703766 (READ-ONLY COPY).

The authoritative reference and input builder live on the scoring server;
editing this copy changes nothing except your own understanding.
"""

import jax, jax.numpy as jnp
import numpy as np

GRID_BNDS = ((0.0, 1.0), (0.0, 1.0))


def setup_inputs(seed: int = 0) -> dict:
    key = jax.random.key(seed)
    diagrams = jax.random.uniform(key, (4096, 512, 2), dtype=jnp.float32)
    # learned 16x16 grid of weights, matching the init_kwargs literal (arange(256)*0.01)
    grid = (jnp.arange(256, dtype=jnp.float32) * 0.01).reshape(16, 16)
    return {"diagrams": diagrams, "grid": grid}


def reference(diagrams, grid):
    # Faithful translation of GridPerslayWeight.call:
    # for each of the 2 coordinate dims, map coords into integer grid indices,
    # then gather_nd from the 2D grid -> grid[ix, iy].
    idx = []
    for dim in range(2):
        m, M = GRID_BNDS[dim]
        coords = diagrams[:, :, dim]
        ids = (grid.shape[dim] * (coords - m) / (M - m)).astype(jnp.int32)
        idx.append(ids)
    weight = grid[idx[0], idx[1]]  # equivalent of tf.gather_nd(grid, concat(indices))
    return weight

if __name__ == "__main__":
    import jax
    _d = setup_inputs()
    print(jax.jit(kernel)(*tuple(_d.values())))

</pallas_src>

<mosaic_0001>
#map = affine_map<(d0, d1) -> (0)>
module attributes {stable_mosaic.version = 14 : i64} {
  func.func @grid_lookup(%arg0: i32, %arg1: i32, %arg2: memref<4194304xf32, #tpu.memory_space<hbm>>, %arg3: memref<4096xf32, #tpu.memory_space<hbm>>, %arg4: memref<2097152xf32, #tpu.memory_space<hbm>>, %arg5: memref<16384xf32, #tpu.memory_space<vmem>>, %arg6: memref<16384xf32, #tpu.memory_space<vmem>>, %arg7: memref<8192xf32, #tpu.memory_space<vmem>>, %arg8: memref<8192xf32, #tpu.memory_space<vmem>>, %arg9: memref<4096xf32, #tpu.memory_space<vmem>>, %arg10: memref<!tpu.dma_semaphore, #tpu.memory_space<semaphore_mem>>, %arg11: memref<!tpu.dma_semaphore, #tpu.memory_space<semaphore_mem>>, %arg12: memref<!tpu.dma_semaphore, #tpu.memory_space<semaphore_mem>>) attributes {dimension_semantics = [#tpu.dimension_semantics<core_parallel>, #tpu.dimension_semantics<subcore_parallel>], iteration_bounds = array<i64: 2, 16>, scalar_prefetch = 0 : i64, scratch_operands = 8 : i64, tpu.core_type = #tpu.core_type<sc_vector_subcore>, window_params = [{transform_indices = #map}, {transform_indices = #map}, {transform_indices = #map}]} {
    %mul3A = arith.constant 2 : i32
    %mul3A_0 = arith.muli %arg1, %mul3A : i32
    %add3A = arith.addi %mul3A_0, %arg0 : i32
    %mul3A_1 = arith.constant 131072 : i32
    %mul3A_2 = arith.muli %add3A, %mul3A_1 : i32
    %mul3A_3 = arith.constant 65536 : i32
    %mul3A_4 = arith.muli %add3A, %mul3A_3 : i32
    "tpu.region"() ({
      %run_scoped3A = tpu.sem_alloc : memref<!tpu.dma_semaphore, #tpu.memory_space<semaphore_mem>>
      tpu.enqueue_dma source(%arg3 : memref<4096xf32, #tpu.memory_space<hbm>>) target(%arg9 : memref<4096xf32, #tpu.memory_space<vmem>>) target_semaphore(%run_scoped3A : memref<!tpu.dma_semaphore, #tpu.memory_space<semaphore_mem>>)
      tpu.wait_dma2 semaphore(%run_scoped3A : memref<!tpu.dma_semaphore, #tpu.memory_space<semaphore_mem>>) src(%arg3 : memref<4096xf32, #tpu.memory_space<hbm>>) dst(%arg9 : memref<4096xf32, #tpu.memory_space<vmem>>)
      tpu.yield
    }) : () -> ()
    %iota3A = tpu.iota {dimensions = array<i32: 0>} : vector<16xi32>
    %mul3A_5 = arith.constant 2 : i32
    %mul3A_6 = vector.broadcast %mul3A_5 : i32 to vector<16xi32>
    %mul3A_7 = arith.muli %iota3A, %mul3A_6 : vector<16xi32>
    %add3A_8 = arith.constant 0 : i32
    %add3A_9 = arith.addi %mul3A_2, %add3A_8 : i32
    %dma_start3A = tpu.memref_slice %arg2[%add3A_9] : memref<4194304xf32, #tpu.memory_space<hbm>> -> memref<16384xf32, #tpu.memory_space<hbm>>
    %dma_start3A_10 = tpu.memref_slice %arg2[%add3A_9] : memref<4194304xf32, #tpu.memory_space<hbm>> -> memref<16384xf32, #tpu.memory_space<hbm>>
    tpu.enqueue_dma source(%dma_start3A_10 : memref<16384xf32, #tpu.memory_space<hbm>>) target(%arg5 : memref<16384xf32, #tpu.memory_space<vmem>>) target_semaphore(%arg10 : memref<!tpu.dma_semaphore, #tpu.memory_space<semaphore_mem>>)
    %dma_wait3A = tpu.memref_slice %arg2[%add3A_9] : memref<4194304xf32, #tpu.memory_space<hbm>> -> memref<16384xf32, #tpu.memory_space<hbm>>
    %dma_wait3A_11 = tpu.memref_slice %arg2[%add3A_9] : memref<4194304xf32, #tpu.memory_space<hbm>> -> memref<16384xf32, #tpu.memory_space<hbm>>
    tpu.wait_dma2 semaphore(%arg10 : memref<!tpu.dma_semaphore, #tpu.memory_space<semaphore_mem>>) src(%dma_wait3A_11 : memref<16384xf32, #tpu.memory_space<hbm>>) dst(%arg5 : memref<16384xf32, #tpu.memory_space<vmem>>)
    %add3A_12 = arith.constant 16384 : i32
    %add3A_13 = arith.addi %mul3A_2, %add3A_12 : i32
    %dma_start3A_14 = tpu.memref_slice %arg2[%add3A_13] : memref<4194304xf32, #tpu.memory_space<hbm>> -> memref<16384xf32, #tpu.memory_space<hbm>>
    %dma_start3A_15 = tpu.memref_slice %arg2[%add3A_13] : memref<4194304xf32, #tpu.memory_space<hbm>> -> memref<16384xf32, #tpu.memory_space<hbm>>
    tpu.enqueue_dma source(%dma_start3A_15 : memref<16384xf32, #tpu.memory_space<hbm>>) target(%arg6 : memref<16384xf32, #tpu.memory_space<vmem>>) target_semaphore(%arg10 : memref<!tpu.dma_semaphore, #tpu.memory_space<semaphore_mem>>)
    %parallel_loop3A = arith.constant 0 : i32
    %parallel_loop3A_16 = arith.constant 512 : i32
    %parallel_loop3A_17 = arith.constant 1 : i32
    scf.for %parallel_loop3A_125 = %parallel_loop3A to %parallel_loop3A_16 step %parallel_loop3A_17  : i32 {
      %parallel_loop3A_126 = arith.constant 32 : i32
      %parallel_loop3A_127 = arith.muli %parallel_loop3A_125, %parallel_loop3A_126 : i32
      %parallel_loop3A_128 = vector.broadcast %parallel_loop3A_127 : i32 to vector<16xi32>
      %parallel_loop3A_129 = arith.addi %mul3A_7, %parallel_loop3A_128 : vector<16xi32>
      %parallel_loop3A_130 = arith.constant 1 : i32
      %parallel_loop3A_131 = vector.broadcast %parallel_loop3A_130 : i32 to vector<16xi32>
      %parallel_loop3A_132 = arith.addi %parallel_loop3A_129, %parallel_loop3A_131 : vector<16xi32>
      %parallel_loop3A_133 = tpu.vector_load_idx %arg5[%parallel_loop3A_129] : memref<16384xf32, #tpu.memory_space<vmem>>[vector<16xi32>], vector<16xf32>,
      %parallel_loop3A_134 = tpu.vector_load_idx %arg5[%parallel_loop3A_132] : memref<16384xf32, #tpu.memory_space<vmem>>[vector<16xi32>], vector<16xf32>,
      %parallel_loop3A_135 = arith.constant 4.096000e+03 : f32
      %parallel_loop3A_136 = vector.broadcast %parallel_loop3A_135 : f32 to vector<16xf32>
      %parallel_loop3A_137 = arith.mulf %parallel_loop3A_133, %parallel_loop3A_136 : vector<16xf32>
      %parallel_loop3A_138 = arith.fptosi %parallel_loop3A_137 : vector<16xf32> to vector<16xi32>
      %parallel_loop3A_139 = arith.constant 3840 : i32
      %parallel_loop3A_140 = vector.broadcast %parallel_loop3A_139 : i32 to vector<16xi32>
      %parallel_loop3A_141 = arith.andi %parallel_loop3A_138, %parallel_loop3A_140 : vector<16xi32>
      %parallel_loop3A_142 = arith.constant 2.560000e+02 : f32
      %parallel_loop3A_143 = vector.broadcast %parallel_loop3A_142 : f32 to vector<16xf32>
      %parallel_loop3A_144 = arith.mulf %parallel_loop3A_134, %parallel_loop3A_143 : vector<16xf32>
      %parallel_loop3A_145 = arith.fptosi %parallel_loop3A_144 : vector<16xf32> to vector<16xi32>
      %parallel_loop3A_146 = arith.constant 240 : i32
      %parallel_loop3A_147 = vector.broadcast %parallel_loop3A_146 : i32 to vector<16xi32>
      %parallel_loop3A_148 = arith.andi %parallel_loop3A_145, %parallel_loop3A_147 : vector<16xi32>
      %parallel_loop3A_149 = arith.ori %parallel_loop3A_141, %parallel_loop3A_148 : vector<16xi32>
      %parallel_loop3A_150 = arith.ori %parallel_loop3A_149, %iota3A : vector<16xi32>
      %parallel_loop3A_151 = tpu.vector_load_idx %arg9[%parallel_loop3A_150] : memref<4096xf32, #tpu.memory_space<vmem>>[vector<16xi32>], vector<16xf32>,
      %parallel_loop3A_152 = arith.constant 16 : i32
      %parallel_loop3A_153 = arith.muli %parallel_loop3A_125, %parallel_loop3A_152 : i32
      %parallel_loop3A_154 = arith.index_cast %parallel_loop3A_153 : i32 to index
      %parallel_loop3A_155 = tpu.vector_load %arg7[%parallel_loop3A_154] {strides = array<i32>} : memref<8192xf32, #tpu.memory_space<vmem>>, vector<16xf32>,
      tpu.vector_store %arg7[%parallel_loop3A_154], %parallel_loop3A_151 {strides = array<i32>} : memref<8192xf32, #tpu.memory_space<vmem>>, vector<16xf32>,
    } {sc.loop_unroll_factor = 8 : i64, sc.parallel_access}
    %add3A_18 = arith.constant 0 : i32
    %add3A_19 = arith.addi %mul3A_4, %add3A_18 : i32
    %dma_start3A_20 = tpu.memref_slice %arg4[%add3A_19] : memref<2097152xf32, #tpu.memory_space<hbm>> -> memref<8192xf32, #tpu.memory_space<hbm>>
    %dma_start3A_21 = tpu.memref_slice %arg4[%add3A_19] : memref<2097152xf32, #tpu.memory_space<hbm>> -> memref<8192xf32, #tpu.memory_space<hbm>>
    tpu.enqueue_dma source(%arg7 : memref<8192xf32, #tpu.memory_space<vmem>>) target(%dma_start3A_21 : memref<8192xf32, #tpu.memory_space<hbm>>) target_semaphore(%arg11 : memref<!tpu.dma_semaphore, #tpu.memory_space<semaphore_mem>>)
    %dma_wait3A_22 = tpu.memref_slice %arg2[%add3A_13] : memref<4194304xf32, #tpu.memory_space<hbm>> -> memref<16384xf32, #tpu.memory_space<hbm>>
    %dma_wait3A_23 = tpu.memref_slice %arg2[%add3A_13] : memref<4194304xf32, #tpu.memory_space<hbm>> -> memref<16384xf32, #tpu.memory_space<hbm>>
    tpu.wait_dma2 semaphore(%arg10 : memref<!tpu.dma_semaphore, #tpu.memory_space<semaphore_mem>>) src(%dma_wait3A_23 : memref<16384xf32, #tpu.memory_space<hbm>>) dst(%arg6 : memref<16384xf32, #tpu.memory_space<vmem>>)
    %add3A_24 = arith.constant 32768 : i32
    %add3A_25 = arith.addi %mul3A_2, %add3A_24 : i32
    %dma_start3A_26 = tpu.memref_slice %arg2[%add3A_25] : memref<4194304xf32, #tpu.memory_space<hbm>> -> memref<16384xf32, #tpu.memory_space<hbm>>
    %dma_start3A_27 = tpu.memref_slice %arg2[%add3A_25] : memref<4194304xf32, #tpu.memory_space<hbm>> -> memref<16384xf32, #tpu.memory_space<hbm>>
    tpu.enqueue_dma source(%dma_start3A_27 : memref<16384xf32, #tpu.memory_space<hbm>>) target(%arg5 : memref<16384xf32, #tpu.memory_space<vmem>>) target_semaphore(%arg10 : memref<!tpu.dma_semaphore, #tpu.memory_space<semaphore_mem>>)
    %parallel_loop3A_28 = arith.constant 0 : i32
    %parallel_loop3A_29 = arith.constant 512 : i32
    %parallel_loop3A_30 = arith.constant 1 : i32
    scf.for %parallel_loop3A_125 = %parallel_loop3A_28 to %parallel_loop3A_29 step %parallel_loop3A_30  : i32 {
      %parallel_loop3A_126 = arith.constant 32 : i32
      %parallel_loop3A_127 = arith.muli %parallel_loop3A_125, %parallel_loop3A_126 : i32
      %parallel_loop3A_128 = vector.broadcast %parallel_loop3A_127 : i32 to vector<16xi32>
      %parallel_loop3A_129 = arith.addi %mul3A_7, %parallel_loop3A_128 : vector<16xi32>
      %parallel_loop3A_130 = arith.constant 1 : i32
      %parallel_loop3A_131 = vector.broadcast %parallel_loop3A_130 : i32 to vector<16xi32>
      %parallel_loop3A_132 = arith.addi %parallel_loop3A_129, %parallel_loop3A_131 : vector<16xi32>
      %parallel_loop3A_133 = tpu.vector_load_idx %arg6[%parallel_loop3A_129] : memref<16384xf32, #tpu.memory_space<vmem>>[vector<16xi32>], vector<16xf32>,
      %parallel_loop3A_134 = tpu.vector_load_idx %arg6[%parallel_loop3A_132] : memref<16384xf32, #tpu.memory_space<vmem>>[vector<16xi32>], vector<16xf32>,
      %parallel_loop3A_135 = arith.constant 4.096000e+03 : f32
      %parallel_loop3A_136 = vector.broadcast %parallel_loop3A_135 : f32 to vector<16xf32>
      %parallel_loop3A_137 = arith.mulf %parallel_loop3A_133, %parallel_loop3A_136 : vector<16xf32>
      %parallel_loop3A_138 = arith.fptosi %parallel_loop3A_137 : vector<16xf32> to vector<16xi32>
      %parallel_loop3A_139 = arith.constant 3840 : i32
      %parallel_loop3A_140 = vector.broadcast %parallel_loop3A_139 : i32 to vector<16xi32>
      %parallel_loop3A_141 = arith.andi %parallel_loop3A_138, %parallel_loop3A_140 : vector<16xi32>
      %parallel_loop3A_142 = arith.constant 2.560000e+02 : f32
      %parallel_loop3A_143 = vector.broadcast %parallel_loop3A_142 : f32 to vector<16xf32>
      %parallel_loop3A_144 = arith.mulf %parallel_loop3A_134, %parallel_loop3A_143 : vector<16xf32>
      %parallel_loop3A_145 = arith.fptosi %parallel_loop3A_144 : vector<16xf32> to vector<16xi32>
      %parallel_loop3A_146 = arith.constant 240 : i32
      %parallel_loop3A_147 = vector.broadcast %parallel_loop3A_146 : i32 to vector<16xi32>
      %parallel_loop3A_148 = arith.andi %parallel_loop3A_145, %parallel_loop3A_147 : vector<16xi32>
      %parallel_loop3A_149 = arith.ori %parallel_loop3A_141, %parallel_loop3A_148 : vector<16xi32>
      %parallel_loop3A_150 = arith.ori %parallel_loop3A_149, %iota3A : vector<16xi32>
      %parallel_loop3A_151 = tpu.vector_load_idx %arg9[%parallel_loop3A_150] : memref<4096xf32, #tpu.memory_space<vmem>>[vector<16xi32>], vector<16xf32>,
      %parallel_loop3A_152 = arith.constant 16 : i32
      %parallel_loop3A_153 = arith.muli %parallel_loop3A_125, %parallel_loop3A_152 : i32
      %parallel_loop3A_154 = arith.index_cast %parallel_loop3A_153 : i32 to index
      %parallel_loop3A_155 = tpu.vector_load %arg8[%parallel_loop3A_154] {strides = array<i32>} : memref<8192xf32, #tpu.memory_space<vmem>>, vector<16xf32>,
      tpu.vector_store %arg8[%parallel_loop3A_154], %parallel_loop3A_151 {strides = array<i32>} : memref<8192xf32, #tpu.memory_space<vmem>>, vector<16xf32>,
    } {sc.loop_unroll_factor = 8 : i64, sc.parallel_access}
    %add3A_31 = arith.constant 8192 : i32
    %add3A_32 = arith.addi %mul3A_4, %add3A_31 : i32
    %dma_start3A_33 = tpu.memref_slice %arg4[%add3A_32] : memref<2097152xf32, #tpu.memory_space<hbm>> -> memref<8192xf32, #tpu.memory_space<hbm>>
    %dma_start3A_34 = tpu.memref_slice %arg4[%add3A_32] : memref<2097152xf32, #tpu.memory_space<hbm>> -> memref<8192xf32, #tpu.memory_space<hbm>>
    tpu.enqueue_dma source(%arg8 : memref<8192xf32, #tpu.memory_space<vmem>>) target(%dma_start3A_34 : memref<8192xf32, #tpu.memory_space<hbm>>) target_semaphore(%arg12 : memref<!tpu.dma_semaphore, #tpu.memory_space<semaphore_mem>>)
    %dma_wait3A_35 = tpu.memref_slice %arg2[%add3A_25] : memref<4194304xf32, #tpu.memory_space<hbm>> -> memref<16384xf32, #tpu.memory_space<hbm>>
    %dma_wait3A_36 = tpu.memref_slice %arg2[%add3A_25] : memref<4194304xf32, #tpu.memory_space<hbm>> -> memref<16384xf32, #tpu.memory_space<hbm>>
    tpu.wait_dma2 semaphore(%arg10 : memref<!tpu.dma_semaphore, #tpu.memory_space<semaphore_mem>>) src(%dma_wait3A_36 : memref<16384xf32, #tpu.memory_space<hbm>>) dst(%arg5 : memref<16384xf32, #tpu.memory_space<vmem>>)
    %add3A_37 = arith.constant 49152 : i32
    %add3A_38 = arith.addi %mul3A_2, %add3A_37 : i32
    %dma_start3A_39 = tpu.memref_slice %arg2[%add3A_38] : memref<4194304xf32, #tpu.memory_space<hbm>> -> memref<16384xf32, #tpu.memory_space<hbm>>
    %dma_start3A_40 = tpu.memref_slice %arg2[%add3A_38] : memref<4194304xf32, #tpu.memory_space<hbm>> -> memref<16384xf32, #tpu.memory_space<hbm>>
    tpu.enqueue_dma source(%dma_start3A_40 : memref<16384xf32, #tpu.memory_space<hbm>>) target(%arg6 : memref<16384xf32, #tpu.memory_space<vmem>>) target_semaphore(%arg10 : memref<!tpu.dma_semaphore, #tpu.memory_space<semaphore_mem>>)
    %dma_wait3A_41 = tpu.memref_slice %arg4[%add3A_19] : memref<2097152xf32, #tpu.memory_space<hbm>> -> memref<8192xf32, #tpu.memory_space<hbm>>
    %dma_wait3A_42 = tpu.memref_slice %arg4[%add3A_19] : memref<2097152xf32, #tpu.memory_space<hbm>> -> memref<8192xf32, #tpu.memory_space<hbm>>
    tpu.wait_dma2 semaphore(%arg11 : memref<!tpu.dma_semaphore, #tpu.memory_space<semaphore_mem>>) src(%arg7 : memref<8192xf32, #tpu.memory_space<vmem>>) dst(%dma_wait3A_42 : memref<8192xf32, #tpu.memory_space<hbm>>)
    %parallel_loop3A_43 = arith.constant 0 : i32
    %parallel_loop3A_44 = arith.constant 512 : i32
    %parallel_loop3A_45 = arith.constant 1 : i32
    scf.for %parallel_loop3A_125 = %parallel_loop3A_43 to %parallel_loop3A_44 step %parallel_loop3A_45  : i32 {
      %parallel_loop3A_126 = arith.constant 32 : i32
      %parallel_loop3A_127 = arith.muli %parallel_loop3A_125, %parallel_loop3A_126 : i32
      %parallel_loop3A_128 = vector.broadcast %parallel_loop3A_127 : i32 to vector<16xi32>
      %parallel_loop3A_129 = arith.addi %mul3A_7, %parallel_loop3A_128 : vector<16xi32>
      %parallel_loop3A_130 = arith.constant 1 : i32
      %parallel_loop3A_131 = vector.broadcast %parallel_loop3A_130 : i32 to vector<16xi32>
      %parallel_loop3A_132 = arith.addi %parallel_loop3A_129, %parallel_loop3A_131 : vector<16xi32>
      %parallel_loop3A_133 = tpu.vector_load_idx %arg5[%parallel_loop3A_129] : memref<16384xf32, #tpu.memory_space<vmem>>[vector<16xi32>], vector<16xf32>,
      %parallel_loop3A_134 = tpu.vector_load_idx %arg5[%parallel_loop3A_132] : memref<16384xf32, #tpu.memory_space<vmem>>[vector<16xi32>], vector<16xf32>,
      %parallel_loop3A_135 = arith.constant 4.096000e+03 : f32
      %parallel_loop3A_136 = vector.broadcast %parallel_loop3A_135 : f32 to vector<16xf32>
      %parallel_loop3A_137 = arith.mulf %parallel_loop3A_133, %parallel_loop3A_136 : vector<16xf32>
      %parallel_loop3A_138 = arith.fptosi %parallel_loop3A_137 : vector<16xf32> to vector<16xi32>
      %parallel_loop3A_139 = arith.constant 3840 : i32
      %parallel_loop3A_140 = vector.broadcast %parallel_loop3A_139 : i32 to vector<16xi32>
      %parallel_loop3A_141 = arith.andi %parallel_loop3A_138, %parallel_loop3A_140 : vector<16xi32>
      %parallel_loop3A_142 = arith.constant 2.560000e+02 : f32
      %parallel_loop3A_143 = vector.broadcast %parallel_loop3A_142 : f32 to vector<16xf32>
      %parallel_loop3A_144 = arith.mulf %parallel_loop3A_134, %parallel_loop3A_143 : vector<16xf32>
      %parallel_loop3A_145 = arith.fptosi %parallel_loop3A_144 : vector<16xf32> to vector<16xi32>
      %parallel_loop3A_146 = arith.constant 240 : i32
      %parallel_loop3A_147 = vector.broadcast %parallel_loop3A_146 : i32 to vector<16xi32>
      %parallel_loop3A_148 = arith.andi %parallel_loop3A_145, %parallel_loop3A_147 : vector<16xi32>
      %parallel_loop3A_149 = arith.ori %parallel_loop3A_141, %parallel_loop3A_148 : vector<16xi32>
      %parallel_loop3A_150 = arith.ori %parallel_loop3A_149, %iota3A : vector<16xi32>
      %parallel_loop3A_151 = tpu.vector_load_idx %arg9[%parallel_loop3A_150] : memref<4096xf32, #tpu.memory_space<vmem>>[vector<16xi32>], vector<16xf32>,
      %parallel_loop3A_152 = arith.constant 16 : i32
      %parallel_loop3A_153 = arith.muli %parallel_loop3A_125, %parallel_loop3A_152 : i32
      %parallel_loop3A_154 = arith.index_cast %parallel_loop3A_153 : i32 to index
      %parallel_loop3A_155 = tpu.vector_load %arg7[%parallel_loop3A_154] {strides = array<i32>} : memref<8192xf32, #tpu.memory_space<vmem>>, vector<16xf32>,
      tpu.vector_store %arg7[%parallel_loop3A_154], %parallel_loop3A_151 {strides = array<i32>} : memref<8192xf32, #tpu.memory_space<vmem>>, vector<16xf32>,
    } {sc.loop_unroll_factor = 8 : i64, sc.parallel_access}
    %add3A_46 = arith.constant 16384 : i32
    %add3A_47 = arith.addi %mul3A_4, %add3A_46 : i32
    %dma_start3A_48 = tpu.memref_slice %arg4[%add3A_47] : memref<2097152xf32, #tpu.memory_space<hbm>> -> memref<8192xf32, #tpu.memory_space<hbm>>
    %dma_start3A_49 = tpu.memref_slice %arg4[%add3A_47] : memref<2097152xf32, #tpu.memory_space<hbm>> -> memref<8192xf32, #tpu.memory_space<hbm>>
    tpu.enqueue_dma source(%arg7 : memref<8192xf32, #tpu.memory_space<vmem>>) target(%dma_start3A_49 : memref<8192xf32, #tpu.memory_space<hbm>>) target_semaphore(%arg11 : memref<!tpu.dma_semaphore, #tpu.memory_space<semaphore_mem>>)
    %dma_wait3A_50 = tpu.memref_slice %arg2[%add3A_38] : memref<4194304xf32, #tpu.memory_space<hbm>> -> memref<16384xf32, #tpu.memory_space<hbm>>
    %dma_wait3A_51 = tpu.memref_slice %arg2[%add3A_38] : memref<4194304xf32, #tpu.memory_space<hbm>> -> memref<16384xf32, #tpu.memory_space<hbm>>
    tpu.wait_dma2 semaphore(%arg10 : memref<!tpu.dma_semaphore, #tpu.memory_space<semaphore_mem>>) src(%dma_wait3A_51 : memref<16384xf32, #tpu.memory_space<hbm>>) dst(%arg6 : memref<16384xf32, #tpu.memory_space<vmem>>)
    %add3A_52 = arith.constant 65536 : i32
    %add3A_53 = arith.addi %mul3A_2, %add3A_52 : i32
    %dma_start3A_54 = tpu.memref_slice %arg2[%add3A_53] : memref<4194304xf32, #tpu.memory_space<hbm>> -> memref<16384xf32, #tpu.memory_space<hbm>>
    %dma_start3A_55 = tpu.memref_slice %arg2[%add3A_53] : memref<4194304xf32, #tpu.memory_space<hbm>> -> memref<16384xf32, #tpu.memory_space<hbm>>
    tpu.enqueue_dma source(%dma_start3A_55 : memref<16384xf32, #tpu.memory_space<hbm>>) target(%arg5 : memref<16384xf32, #tpu.memory_space<vmem>>) target_semaphore(%arg10 : memref<!tpu.dma_semaphore, #tpu.memory_space<semaphore_mem>>)
    %dma_wait3A_56 = tpu.memref_slice %arg4[%add3A_32] : memref<2097152xf32, #tpu.memory_space<hbm>> -> memref<8192xf32, #tpu.memory_space<hbm>>
    %dma_wait3A_57 = tpu.memref_slice %arg4[%add3A_32] : memref<2097152xf32, #tpu.memory_space<hbm>> -> memref<8192xf32, #tpu.memory_space<hbm>>
    tpu.wait_dma2 semaphore(%arg12 : memref<!tpu.dma_semaphore, #tpu.memory_space<semaphore_mem>>) src(%arg8 : memref<8192xf32, #tpu.memory_space<vmem>>) dst(%dma_wait3A_57 : memref<8192xf32, #tpu.memory_space<hbm>>)
    %parallel_loop3A_58 = arith.constant 0 : i32
    %parallel_loop3A_59 = arith.constant 512 : i32
    %parallel_loop3A_60 = arith.constant 1 : i32
    scf.for %parallel_loop3A_125 = %parallel_loop3A_58 to %parallel_loop3A_59 step %parallel_loop3A_60  : i32 {
      %parallel_loop3A_126 = arith.constant 32 : i32
      %parallel_loop3A_127 = arith.muli %parallel_loop3A_125, %parallel_loop3A_126 : i32
      %parallel_loop3A_128 = vector.broadcast %parallel_loop3A_127 : i32 to vector<16xi32>
      %parallel_loop3A_129 = arith.addi %mul3A_7, %parallel_loop3A_128 : vector<16xi32>
      %parallel_loop3A_130 = arith.constant 1 : i32
      %parallel_loop3A_131 = vector.broadcast %parallel_loop3A_130 : i32 to vector<16xi32>
      %parallel_loop3A_132 = arith.addi %parallel_loop3A_129, %parallel_loop3A_131 : vector<16xi32>
      %parallel_loop3A_133 = tpu.vector_load_idx %arg6[%parallel_loop3A_129] : memref<16384xf32, #tpu.memory_space<vmem>>[vector<16xi32>], vector<16xf32>,
      %parallel_loop3A_134 = tpu.vector_load_idx %arg6[%parallel_loop3A_132] : memref<16384xf32, #tpu.memory_space<vmem>>[vector<16xi32>], vector<16xf32>,
      %parallel_loop3A_135 = arith.constant 4.096000e+03 : f32
      %parallel_loop3A_136 = vector.broadcast %parallel_loop3A_135 : f32 to vector<16xf32>
      %parallel_loop3A_137 = arith.mulf %parallel_loop3A_133, %parallel_loop3A_136 : vector<16xf32>
      %parallel_loop3A_138 = arith.fptosi %parallel_loop3A_137 : vector<16xf32> to vector<16xi32>
      %parallel_loop3A_139 = arith.constant 3840 : i32
      %parallel_loop3A_140 = vector.broadcast %parallel_loop3A_139 : i32 to vector<16xi32>
      %parallel_loop3A_141 = arith.andi %parallel_loop3A_138, %parallel_loop3A_140 : vector<16xi32>
      %parallel_loop3A_142 = arith.constant 2.560000e+02 : f32
      %parallel_loop3A_143 = vector.broadcast %parallel_loop3A_142 : f32 to vector<16xf32>
      %parallel_loop3A_144 = arith.mulf %parallel_loop3A_134, %parallel_loop3A_143 : vector<16xf32>
      %parallel_loop3A_145 = arith.fptosi %parallel_loop3A_144 : vector<16xf32> to vector<16xi32>
      %parallel_loop3A_146 = arith.constant 240 : i32
      %parallel_loop3A_147 = vector.broadcast %parallel_loop3A_146 : i32 to vector<16xi32>
      %parallel_loop3A_148 = arith.andi %parallel_loop3A_145, %parallel_loop3A_147 : vector<16xi32>
      %parallel_loop3A_149 = arith.ori %parallel_loop3A_141, %parallel_loop3A_148 : vector<16xi32>
      %parallel_loop3A_150 = arith.ori %parallel_loop3A_149, %iota3A : vector<16xi32>
      %parallel_loop3A_151 = tpu.vector_load_idx %arg9[%parallel_loop3A_150] : memref<4096xf32, #tpu.memory_space<vmem>>[vector<16xi32>], vector<16xf32>,
      %parallel_loop3A_152 = arith.constant 16 : i32
      %parallel_loop3A_153 = arith.muli %parallel_loop3A_125, %parallel_loop3A_152 : i32
      %parallel_loop3A_154 = arith.index_cast %parallel_loop3A_153 : i32 to index
      %parallel_loop3A_155 = tpu.vector_load %arg8[%parallel_loop3A_154] {strides = array<i32>} : memref<8192xf32, #tpu.memory_space<vmem>>, vector<16xf32>,
      tpu.vector_store %arg8[%parallel_loop3A_154], %parallel_loop3A_151 {strides = array<i32>} : memref<8192xf32, #tpu.memory_space<vmem>>, vector<16xf32>,
    } {sc.loop_unroll_factor = 8 : i64, sc.parallel_access}
    %add3A_61 = arith.constant 24576 : i32
    %add3A_62 = arith.addi %mul3A_4, %add3A_61 : i32
    %dma_start3A_63 = tpu.memref_slice %arg4[%add3A_62] : memref<2097152xf32, #tpu.memory_space<hbm>> -> memref<8192xf32, #tpu.memory_space<hbm>>
    %dma_start3A_64 = tpu.memref_slice %arg4[%add3A_62] : memref<2097152xf32, #tpu.memory_space<hbm>> -> memref<8192xf32, #tpu.memory_space<hbm>>
    tpu.enqueue_dma source(%arg8 : memref<8192xf32, #tpu.memory_space<vmem>>) target(%dma_start3A_64 : memref<8192xf32, #tpu.memory_space<hbm>>) target_semaphore(%arg12 : memref<!tpu.dma_semaphore, #tpu.memory_space<semaphore_mem>>)
    %dma_wait3A_65 = tpu.memref_slice %arg2[%add3A_53] : memref<4194304xf32, #tpu.memory_space<hbm>> -> memref<16384xf32, #tpu.memory_space<hbm>>
    %dma_wait3A_66 = tpu.memref_slice %arg2[%add3A_53] : memref<4194304xf32, #tpu.memory_space<hbm>> -> memref<16384xf32, #tpu.memory_space<hbm>>
    tpu.wait_dma2 semaphore(%arg10 : memref<!tpu.dma_semaphore, #tpu.memory_space<semaphore_mem>>) src(%dma_wait3A_66 : memref<16384xf32, #tpu.memory_space<hbm>>) dst(%arg5 : memref<16384xf32, #tpu.memory_space<vmem>>)
    %add3A_67 = arith.constant 81920 : i32
    %add3A_68 = arith.addi %mul3A_2, %add3A_67 : i32
    %dma_start3A_69 = tpu.memref_slice %arg2[%add3A_68] : memref<4194304xf32, #tpu.memory_space<hbm>> -> memref<16384xf32, #tpu.memory_space<hbm>>
    %dma_start3A_70 = tpu.memref_slice %arg2[%add3A_68] : memref<4194304xf32, #tpu.memory_space<hbm>> -> memref<16384xf32, #tpu.memory_space<hbm>>
    tpu.enqueue_dma source(%dma_start3A_70 : memref<16384xf32, #tpu.memory_space<hbm>>) target(%arg6 : memref<16384xf32, #tpu.memory_space<vmem>>) target_semaphore(%arg10 : memref<!tpu.dma_semaphore, #tpu.memory_space<semaphore_mem>>)
    %dma_wait3A_71 = tpu.memref_slice %arg4[%add3A_47] : memref<2097152xf32, #tpu.memory_space<hbm>> -> memref<8192xf32, #tpu.memory_space<hbm>>
    %dma_wait3A_72 = tpu.memref_slice %arg4[%add3A_47] : memref<2097152xf32, #tpu.memory_space<hbm>> -> memref<8192xf32, #tpu.memory_space<hbm>>
    tpu.wait_dma2 semaphore(%arg11 : memref<!tpu.dma_semaphore, #tpu.memory_space<semaphore_mem>>) src(%arg7 : memref<8192xf32, #tpu.memory_space<vmem>>) dst(%dma_wait3A_72 : memref<8192xf32, #tpu.memory_space<hbm>>)
    %parallel_loop3A_73 = arith.constant 0 : i32
    %parallel_loop3A_74 = arith.constant 512 : i32
    %parallel_loop3A_75 = arith.constant 1 : i32
    scf.for %parallel_loop3A_125 = %parallel_loop3A_73 to %parallel_loop3A_74 step %parallel_loop3A_75  : i32 {
      %parallel_loop3A_126 = arith.constant 32 : i32
      %parallel_loop3A_127 = arith.muli %parallel_loop3A_125, %parallel_loop3A_126 : i32
      %parallel_loop3A_128 = vector.broadcast %parallel_loop3A_127 : i32 to vector<16xi32>
      %parallel_loop3A_129 = arith.addi %mul3A_7, %parallel_loop3A_128 : vector<16xi32>
      %parallel_loop3A_130 = arith.constant 1 : i32
      %parallel_loop3A_131 = vector.broadcast %parallel_loop3A_130 : i32 to vector<16xi32>
      %parallel_loop3A_132 = arith.addi %parallel_loop3A_129, %parallel_loop3A_131 : vector<16xi32>
      %parallel_loop3A_133 = tpu.vector_load_idx %arg5[%parallel_loop3A_129] : memref<16384xf32, #tpu.memory_space<vmem>>[vector<16xi32>], vector<16xf32>,
      %parallel_loop3A_134 = tpu.vector_load_idx %arg5[%parallel_loop3A_132] : memref<16384xf32, #tpu.memory_space<vmem>>[vector<16xi32>], vector<16xf32>,
      %parallel_loop3A_135 = arith.constant 4.096000e+03 : f32
      %parallel_loop3A_136 = vector.broadcast %parallel_loop3A_135 : f32 to vector<16xf32>
      %parallel_loop3A_137 = arith.mulf %parallel_loop3A_133, %parallel_loop3A_136 : vector<16xf32>
      %parallel_loop3A_138 = arith.fptosi %parallel_loop3A_137 : vector<16xf32> to vector<16xi32>
      %parallel_loop3A_139 = arith.constant 3840 : i32
      %parallel_loop3A_140 = vector.broadcast %parallel_loop3A_139 : i32 to vector<16xi32>
      %parallel_loop3A_141 = arith.andi %parallel_loop3A_138, %parallel_loop3A_140 : vector<16xi32>
      %parallel_loop3A_142 = arith.constant 2.560000e+02 : f32
      %parallel_loop3A_143 = vector.broadcast %parallel_loop3A_142 : f32 to vector<16xf32>
      %parallel_loop3A_144 = arith.mulf %parallel_loop3A_134, %parallel_loop3A_143 : vector<16xf32>
      %parallel_loop3A_145 = arith.fptosi %parallel_loop3A_144 : vector<16xf32> to vector<16xi32>
      %parallel_loop3A_146 = arith.constant 240 : i32
      %parallel_loop3A_147 = vector.broadcast %parallel_loop3A_146 : i32 to vector<16xi32>
      %parallel_loop3A_148 = arith.andi %parallel_loop3A_145, %parallel_loop3A_147 : vector<16xi32>
      %parallel_loop3A_149 = arith.ori %parallel_loop3A_141, %parallel_loop3A_148 : vector<16xi32>
      %parallel_loop3A_150 = arith.ori %parallel_loop3A_149, %iota3A : vector<16xi32>
      %parallel_loop3A_151 = tpu.vector_load_idx %arg9[%parallel_loop3A_150] : memref<4096xf32, #tpu.memory_space<vmem>>[vector<16xi32>], vector<16xf32>,
      %parallel_loop3A_152 = arith.constant 16 : i32
      %parallel_loop3A_153 = arith.muli %parallel_loop3A_125, %parallel_loop3A_152 : i32
      %parallel_loop3A_154 = arith.index_cast %parallel_loop3A_153 : i32 to index
      %parallel_loop3A_155 = tpu.vector_load %arg7[%parallel_loop3A_154] {strides = array<i32>} : memref<8192xf32, #tpu.memory_space<vmem>>, vector<16xf32>,
      tpu.vector_store %arg7[%parallel_loop3A_154], %parallel_loop3A_151 {strides = array<i32>} : memref<8192xf32, #tpu.memory_space<vmem>>, vector<16xf32>,
    } {sc.loop_unroll_factor = 8 : i64, sc.parallel_access}
    %add3A_76 = arith.constant 32768 : i32
    %add3A_77 = arith.addi %mul3A_4, %add3A_76 : i32
    %dma_start3A_78 = tpu.memref_slice %arg4[%add3A_77] : memref<2097152xf32, #tpu.memory_space<hbm>> -> memref<8192xf32, #tpu.memory_space<hbm>>
    %dma_start3A_79 = tpu.memref_slice %arg4[%add3A_77] : memref<2097152xf32, #tpu.memory_space<hbm>> -> memref<8192xf32, #tpu.memory_space<hbm>>
    tpu.enqueue_dma source(%arg7 : memref<8192xf32, #tpu.memory_space<vmem>>) target(%dma_start3A_79 : memref<8192xf32, #tpu.memory_space<hbm>>) target_semaphore(%arg11 : memref<!tpu.dma_semaphore, #tpu.memory_space<semaphore_mem>>)
    %dma_wait3A_80 = tpu.memref_slice %arg2[%add3A_68] : memref<4194304xf32, #tpu.memory_space<hbm>> -> memref<16384xf32, #tpu.memory_space<hbm>>
    %dma_wait3A_81 = tpu.memref_slice %arg2[%add3A_68] : memref<4194304xf32, #tpu.memory_space<hbm>> -> memref<16384xf32, #tpu.memory_space<hbm>>
    tpu.wait_dma2 semaphore(%arg10 : memref<!tpu.dma_semaphore, #tpu.memory_space<semaphore_mem>>) src(%dma_wait3A_81 : memref<16384xf32, #tpu.memory_space<hbm>>) dst(%arg6 : memref<16384xf32, #tpu.memory_space<vmem>>)
    %add3A_82 = arith.constant 98304 : i32
    %add3A_83 = arith.addi %mul3A_2, %add3A_82 : i32
    %dma_start3A_84 = tpu.memref_slice %arg2[%add3A_83] : memref<4194304xf32, #tpu.memory_space<hbm>> -> memref<16384xf32, #tpu.memory_space<hbm>>
    %dma_start3A_85 = tpu.memref_slice %arg2[%add3A_83] : memref<4194304xf32, #tpu.memory_space<hbm>> -> memref<16384xf32, #tpu.memory_space<hbm>>
    tpu.enqueue_dma source(%dma_start3A_85 : memref<16384xf32, #tpu.memory_space<hbm>>) target(%arg5 : memref<16384xf32, #tpu.memory_space<vmem>>) target_semaphore(%arg10 : memref<!tpu.dma_semaphore, #tpu.memory_space<semaphore_mem>>)
    %dma_wait3A_86 = tpu.memref_slice %arg4[%add3A_62] : memref<2097152xf32, #tpu.memory_space<hbm>> -> memref<8192xf32, #tpu.memory_space<hbm>>
    %dma_wait3A_87 = tpu.memref_slice %arg4[%add3A_62] : memref<2097152xf32, #tpu.memory_space<hbm>> -> memref<8192xf32, #tpu.memory_space<hbm>>
    tpu.wait_dma2 semaphore(%arg12 : memref<!tpu.dma_semaphore, #tpu.memory_space<semaphore_mem>>) src(%arg8 : memref<8192xf32, #tpu.memory_space<vmem>>) dst(%dma_wait3A_87 : memref<8192xf32, #tpu.memory_space<hbm>>)
    %parallel_loop3A_88 = arith.constant 0 : i32
    %parallel_loop3A_89 = arith.constant 512 : i32
    %parallel_loop3A_90 = arith.constant 1 : i32
    scf.for %parallel_loop3A_125 = %parallel_loop3A_88 to %parallel_loop3A_89 step %parallel_loop3A_90  : i32 {
      %parallel_loop3A_126 = arith.constant 32 : i32
      %parallel_loop3A_127 = arith.muli %parallel_loop3A_125, %parallel_loop3A_126 : i32
      %parallel_loop3A_128 = vector.broadcast %parallel_loop3A_127 : i32 to vector<16xi32>
      %parallel_loop3A_129 = arith.addi %mul3A_7, %parallel_loop3A_128 : vector<16xi32>
      %parallel_loop3A_130 = arith.constant 1 : i32
      %parallel_loop3A_131 = vector.broadcast %parallel_loop3A_130 : i32 to vector<16xi32>
      %parallel_loop3A_132 = arith.addi %parallel_loop3A_129, %parallel_loop3A_131 : vector<16xi32>
      %parallel_loop3A_133 = tpu.vector_load_idx %arg6[%parallel_loop3A_129] : memref<16384xf32, #tpu.memory_space<vmem>>[vector<16xi32>], vector<16xf32>,
      %parallel_loop3A_134 = tpu.vector_load_idx %arg6[%parallel_loop3A_132] : memref<16384xf32, #tpu.memory_space<vmem>>[vector<16xi32>], vector<16xf32>,
      %parallel_loop3A_135 = arith.constant 4.096000e+03 : f32
      %parallel_loop3A_136 = vector.broadcast %parallel_loop3A_135 : f32 to vector<16xf32>
      %parallel_loop3A_137 = arith.mulf %parallel_loop3A_133, %parallel_loop3A_136 : vector<16xf32>
      %parallel_loop3A_138 = arith.fptosi %parallel_loop3A_137 : vector<16xf32> to vector<16xi32>
      %parallel_loop3A_139 = arith.constant 3840 : i32
      %parallel_loop3A_140 = vector.broadcast %parallel_loop3A_139 : i32 to vector<16xi32>
      %parallel_loop3A_141 = arith.andi %parallel_loop3A_138, %parallel_loop3A_140 : vector<16xi32>
      %parallel_loop3A_142 = arith.constant 2.560000e+02 : f32
      %parallel_loop3A_143 = vector.broadcast %parallel_loop3A_142 : f32 to vector<16xf32>
      %parallel_loop3A_144 = arith.mulf %parallel_loop3A_134, %parallel_loop3A_143 : vector<16xf32>
      %parallel_loop3A_145 = arith.fptosi %parallel_loop3A_144 : vector<16xf32> to vector<16xi32>
      %parallel_loop3A_146 = arith.constant 240 : i32
      %parallel_loop3A_147 = vector.broadcast %parallel_loop3A_146 : i32 to vector<16xi32>
      %parallel_loop3A_148 = arith.andi %parallel_loop3A_145, %parallel_loop3A_147 : vector<16xi32>
      %parallel_loop3A_149 = arith.ori %parallel_loop3A_141, %parallel_loop3A_148 : vector<16xi32>
      %parallel_loop3A_150 = arith.ori %parallel_loop3A_149, %iota3A : vector<16xi32>
      %parallel_loop3A_151 = tpu.vector_load_idx %arg9[%parallel_loop3A_150] : memref<4096xf32, #tpu.memory_space<vmem>>[vector<16xi32>], vector<16xf32>,
      %parallel_loop3A_152 = arith.constant 16 : i32
      %parallel_loop3A_153 = arith.muli %parallel_loop3A_125, %parallel_loop3A_152 : i32
      %parallel_loop3A_154 = arith.index_cast %parallel_loop3A_153 : i32 to index
      %parallel_loop3A_155 = tpu.vector_load %arg8[%parallel_loop3A_154] {strides = array<i32>} : memref<8192xf32, #tpu.memory_space<vmem>>, vector<16xf32>,
      tpu.vector_store %arg8[%parallel_loop3A_154], %parallel_loop3A_151 {strides = array<i32>} : memref<8192xf32, #tpu.memory_space<vmem>>, vector<16xf32>,
    } {sc.loop_unroll_factor = 8 : i64, sc.parallel_access}
    %add3A_91 = arith.constant 40960 : i32
    %add3A_92 = arith.addi %mul3A_4, %add3A_91 : i32
    %dma_start3A_93 = tpu.memref_slice %arg4[%add3A_92] : memref<2097152xf32, #tpu.memory_space<hbm>> -> memref<8192xf32, #tpu.memory_space<hbm>>
    %dma_start3A_94 = tpu.memref_slice %arg4[%add3A_92] : memref<2097152xf32, #tpu.memory_space<hbm>> -> memref<8192xf32, #tpu.memory_space<hbm>>
    tpu.enqueue_dma source(%arg8 : memref<8192xf32, #tpu.memory_space<vmem>>) target(%dma_start3A_94 : memref<8192xf32, #tpu.memory_space<hbm>>) target_semaphore(%arg12 : memref<!tpu.dma_semaphore, #tpu.memory_space<semaphore_mem>>)
    %dma_wait3A_95 = tpu.memref_slice %arg2[%add3A_83] : memref<4194304xf32, #tpu.memory_space<hbm>> -> memref<16384xf32, #tpu.memory_space<hbm>>
    %dma_wait3A_96 = tpu.memref_slice %arg2[%add3A_83] : memref<4194304xf32, #tpu.memory_space<hbm>> -> memref<16384xf32, #tpu.memory_space<hbm>>
    tpu.wait_dma2 semaphore(%arg10 : memref<!tpu.dma_semaphore, #tpu.memory_space<semaphore_mem>>) src(%dma_wait3A_96 : memref<16384xf32, #tpu.memory_space<hbm>>) dst(%arg5 : memref<16384xf32, #tpu.memory_space<vmem>>)
    %add3A_97 = arith.constant 114688 : i32
    %add3A_98 = arith.addi %mul3A_2, %add3A_97 : i32
    %dma_start3A_99 = tpu.memref_slice %arg2[%add3A_98] : memref<4194304xf32, #tpu.memory_space<hbm>> -> memref<16384xf32, #tpu.memory_space<hbm>>
    %dma_start3A_100 = tpu.memref_slice %arg2[%add3A_98] : memref<4194304xf32, #tpu.memory_space<hbm>> -> memref<16384xf32, #tpu.memory_space<hbm>>
    tpu.enqueue_dma source(%dma_start3A_100 : memref<16384xf32, #tpu.memory_space<hbm>>) target(%arg6 : memref<16384xf32, #tpu.memory_space<vmem>>) target_semaphore(%arg10 : memref<!tpu.dma_semaphore, #tpu.memory_space<semaphore_mem>>)
    %dma_wait3A_101 = tpu.memref_slice %arg4[%add3A_77] : memref<2097152xf32, #tpu.memory_space<hbm>> -> memref<8192xf32, #tpu.memory_space<hbm>>
    %dma_wait3A_102 = tpu.memref_slice %arg4[%add3A_77] : memref<2097152xf32, #tpu.memory_space<hbm>> -> memref<8192xf32, #tpu.memory_space<hbm>>
    tpu.wait_dma2 semaphore(%arg11 : memref<!tpu.dma_semaphore, #tpu.memory_space<semaphore_mem>>) src(%arg7 : memref<8192xf32, #tpu.memory_space<vmem>>) dst(%dma_wait3A_102 : memref<8192xf32, #tpu.memory_space<hbm>>)
    %parallel_loop3A_103 = arith.constant 0 : i32
    %parallel_loop3A_104 = arith.constant 512 : i32
    %parallel_loop3A_105 = arith.constant 1 : i32
    scf.for %parallel_loop3A_125 = %parallel_loop3A_103 to %parallel_loop3A_104 step %parallel_loop3A_105  : i32 {
      %parallel_loop3A_126 = arith.constant 32 : i32
      %parallel_loop3A_127 = arith.muli %parallel_loop3A_125, %parallel_loop3A_126 : i32
      %parallel_loop3A_128 = vector.broadcast %parallel_loop3A_127 : i32 to vector<16xi32>
      %parallel_loop3A_129 = arith.addi %mul3A_7, %parallel_loop3A_128 : vector<16xi32>
      %parallel_loop3A_130 = arith.constant 1 : i32
      %parallel_loop3A_131 = vector.broadcast %parallel_loop3A_130 : i32 to vector<16xi32>
      %parallel_loop3A_132 = arith.addi %parallel_loop3A_129, %parallel_loop3A_131 : vector<16xi32>
      %parallel_loop3A_133 = tpu.vector_load_idx %arg5[%parallel_loop3A_129] : memref<16384xf32, #tpu.memory_space<vmem>>[vector<16xi32>], vector<16xf32>,
      %parallel_loop3A_134 = tpu.vector_load_idx %arg5[%parallel_loop3A_132] : memref<16384xf32, #tpu.memory_space<vmem>>[vector<16xi32>], vector<16xf32>,
      %parallel_loop3A_135 = arith.constant 4.096000e+03 : f32
      %parallel_loop3A_136 = vector.broadcast %parallel_loop3A_135 : f32 to vector<16xf32>
      %parallel_loop3A_137 = arith.mulf %parallel_loop3A_133, %parallel_loop3A_136 : vector<16xf32>
      %parallel_loop3A_138 = arith.fptosi %parallel_loop3A_137 : vector<16xf32> to vector<16xi32>
      %parallel_loop3A_139 = arith.constant 3840 : i32
      %parallel_loop3A_140 = vector.broadcast %parallel_loop3A_139 : i32 to vector<16xi32>
      %parallel_loop3A_141 = arith.andi %parallel_loop3A_138, %parallel_loop3A_140 : vector<16xi32>
      %parallel_loop3A_142 = arith.constant 2.560000e+02 : f32
      %parallel_loop3A_143 = vector.broadcast %parallel_loop3A_142 : f32 to vector<16xf32>
      %parallel_loop3A_144 = arith.mulf %parallel_loop3A_134, %parallel_loop3A_143 : vector<16xf32>
      %parallel_loop3A_145 = arith.fptosi %parallel_loop3A_144 : vector<16xf32> to vector<16xi32>
      %parallel_loop3A_146 = arith.constant 240 : i32
      %parallel_loop3A_147 = vector.broadcast %parallel_loop3A_146 : i32 to vector<16xi32>
      %parallel_loop3A_148 = arith.andi %parallel_loop3A_145, %parallel_loop3A_147 : vector<16xi32>
      %parallel_loop3A_149 = arith.ori %parallel_loop3A_141, %parallel_loop3A_148 : vector<16xi32>
      %parallel_loop3A_150 = arith.ori %parallel_loop3A_149, %iota3A : vector<16xi32>
      %parallel_loop3A_151 = tpu.vector_load_idx %arg9[%parallel_loop3A_150] : memref<4096xf32, #tpu.memory_space<vmem>>[vector<16xi32>], vector<16xf32>,
      %parallel_loop3A_152 = arith.constant 16 : i32
      %parallel_loop3A_153 = arith.muli %parallel_loop3A_125, %parallel_loop3A_152 : i32
      %parallel_loop3A_154 = arith.index_cast %parallel_loop3A_153 : i32 to index
      %parallel_loop3A_155 = tpu.vector_load %arg7[%parallel_loop3A_154] {strides = array<i32>} : memref<8192xf32, #tpu.memory_space<vmem>>, vector<16xf32>,
      tpu.vector_store %arg7[%parallel_loop3A_154], %parallel_loop3A_151 {strides = array<i32>} : memref<8192xf32, #tpu.memory_space<vmem>>, vector<16xf32>,
    } {sc.loop_unroll_factor = 8 : i64, sc.parallel_access}
    %add3A_106 = arith.constant 49152 : i32
    %add3A_107 = arith.addi %mul3A_4, %add3A_106 : i32
    %dma_start3A_108 = tpu.memref_slice %arg4[%add3A_107] : memref<2097152xf32, #tpu.memory_space<hbm>> -> memref<8192xf32, #tpu.memory_space<hbm>>
    %dma_start3A_109 = tpu.memref_slice %arg4[%add3A_107] : memref<2097152xf32, #tpu.memory_space<hbm>> -> memref<8192xf32, #tpu.memory_space<hbm>>
    tpu.enqueue_dma source(%arg7 : memref<8192xf32, #tpu.memory_space<vmem>>) target(%dma_start3A_109 : memref<8192xf32, #tpu.memory_space<hbm>>) target_semaphore(%arg11 : memref<!tpu.dma_semaphore, #tpu.memory_space<semaphore_mem>>)
    %dma_wait3A_110 = tpu.memref_slice %arg2[%add3A_98] : memref<4194304xf32, #tpu.memory_space<hbm>> -> memref<16384xf32, #tpu.memory_space<hbm>>
    %dma_wait3A_111 = tpu.memref_slice %arg2[%add3A_98] : memref<4194304xf32, #tpu.memory_space<hbm>> -> memref<16384xf32, #tpu.memory_space<hbm>>
    tpu.wait_dma2 semaphore(%arg10 : memref<!tpu.dma_semaphore, #tpu.memory_space<semaphore_mem>>) src(%dma_wait3A_111 : memref<16384xf32, #tpu.memory_space<hbm>>) dst(%arg6 : memref<16384xf32, #tpu.memory_space<vmem>>)
    %dma_wait3A_112 = tpu.memref_slice %arg4[%add3A_92] : memref<2097152xf32, #tpu.memory_space<hbm>> -> memref<8192xf32, #tpu.memory_space<hbm>>
    %dma_wait3A_113 = tpu.memref_slice %arg4[%add3A_92] : memref<2097152xf32, #tpu.memory_space<hbm>> -> memref<8192xf32, #tpu.memory_space<hbm>>
    tpu.wait_dma2 semaphore(%arg12 : memref<!tpu.dma_semaphore, #tpu.memory_space<semaphore_mem>>) src(%arg8 : memref<8192xf32, #tpu.memory_space<vmem>>) dst(%dma_wait3A_113 : memref<8192xf32, #tpu.memory_space<hbm>>)
    %parallel_loop3A_114 = arith.constant 0 : i32
    %parallel_loop3A_115 = arith.constant 512 : i32
    %parallel_loop3A_116 = arith.constant 1 : i32
    scf.for %parallel_loop3A_125 = %parallel_loop3A_114 to %parallel_loop3A_115 step %parallel_loop3A_116  : i32 {
      %parallel_loop3A_126 = arith.constant 32 : i32
      %parallel_loop3A_127 = arith.muli %parallel_loop3A_125, %parallel_loop3A_126 : i32
      %parallel_loop3A_128 = vector.broadcast %parallel_loop3A_127 : i32 to vector<16xi32>
      %parallel_loop3A_129 = arith.addi %mul3A_7, %parallel_loop3A_128 : vector<16xi32>
      %parallel_loop3A_130 = arith.constant 1 : i32
      %parallel_loop3A_131 = vector.broadcast %parallel_loop3A_130 : i32 to vector<16xi32>
      %parallel_loop3A_132 = arith.addi %parallel_loop3A_129, %parallel_loop3A_131 : vector<16xi32>
      %parallel_loop3A_133 = tpu.vector_load_idx %arg6[%parallel_loop3A_129] : memref<16384xf32, #tpu.memory_space<vmem>>[vector<16xi32>], vector<16xf32>,
      %parallel_loop3A_134 = tpu.vector_load_idx %arg6[%parallel_loop3A_132] : memref<16384xf32, #tpu.memory_space<vmem>>[vector<16xi32>], vector<16xf32>,
      %parallel_loop3A_135 = arith.constant 4.096000e+03 : f32
      %parallel_loop3A_136 = vector.broadcast %parallel_loop3A_135 : f32 to vector<16xf32>
      %parallel_loop3A_137 = arith.mulf %parallel_loop3A_133, %parallel_loop3A_136 : vector<16xf32>
      %parallel_loop3A_138 = arith.fptosi %parallel_loop3A_137 : vector<16xf32> to vector<16xi32>
      %parallel_loop3A_139 = arith.constant 3840 : i32
      %parallel_loop3A_140 = vector.broadcast %parallel_loop3A_139 : i32 to vector<16xi32>
      %parallel_loop3A_141 = arith.andi %parallel_loop3A_138, %parallel_loop3A_140 : vector<16xi32>
      %parallel_loop3A_142 = arith.constant 2.560000e+02 : f32
      %parallel_loop3A_143 = vector.broadcast %parallel_loop3A_142 : f32 to vector<16xf32>
      %parallel_loop3A_144 = arith.mulf %parallel_loop3A_134, %parallel_loop3A_143 : vector<16xf32>
      %parallel_loop3A_145 = arith.fptosi %parallel_loop3A_144 : vector<16xf32> to vector<16xi32>
      %parallel_loop3A_146 = arith.constant 240 : i32
      %parallel_loop3A_147 = vector.broadcast %parallel_loop3A_146 : i32 to vector<16xi32>
      %parallel_loop3A_148 = arith.andi %parallel_loop3A_145, %parallel_loop3A_147 : vector<16xi32>
      %parallel_loop3A_149 = arith.ori %parallel_loop3A_141, %parallel_loop3A_148 : vector<16xi32>
      %parallel_loop3A_150 = arith.ori %parallel_loop3A_149, %iota3A : vector<16xi32>
      %parallel_loop3A_151 = tpu.vector_load_idx %arg9[%parallel_loop3A_150] : memref<4096xf32, #tpu.memory_space<vmem>>[vector<16xi32>], vector<16xf32>,
      %parallel_loop3A_152 = arith.constant 16 : i32
      %parallel_loop3A_153 = arith.muli %parallel_loop3A_125, %parallel_loop3A_152 : i32
      %parallel_loop3A_154 = arith.index_cast %parallel_loop3A_153 : i32 to index
      %parallel_loop3A_155 = tpu.vector_load %arg8[%parallel_loop3A_154] {strides = array<i32>} : memref<8192xf32, #tpu.memory_space<vmem>>, vector<16xf32>,
      tpu.vector_store %arg8[%parallel_loop3A_154], %parallel_loop3A_151 {strides = array<i32>} : memref<8192xf32, #tpu.memory_space<vmem>>, vector<16xf32>,
    } {sc.loop_unroll_factor = 8 : i64, sc.parallel_access}
    %add3A_117 = arith.constant 57344 : i32
    %add3A_118 = arith.addi %mul3A_4, %add3A_117 : i32
    %dma_start3A_119 = tpu.memref_slice %arg4[%add3A_118] : memref<2097152xf32, #tpu.memory_space<hbm>> -> memref<8192xf32, #tpu.memory_space<hbm>>
    %dma_start3A_120 = tpu.memref_slice %arg4[%add3A_118] : memref<2097152xf32, #tpu.memory_space<hbm>> -> memref<8192xf32, #tpu.memory_space<hbm>>
    tpu.enqueue_dma source(%arg8 : memref<8192xf32, #tpu.memory_space<vmem>>) target(%dma_start3A_120 : memref<8192xf32, #tpu.memory_space<hbm>>) target_semaphore(%arg12 : memref<!tpu.dma_semaphore, #tpu.memory_space<semaphore_mem>>)
    %dma_wait3A_121 = tpu.memref_slice %arg4[%add3A_107] : memref<2097152xf32, #tpu.memory_space<hbm>> -> memref<8192xf32, #tpu.memory_space<hbm>>
    %dma_wait3A_122 = tpu.memref_slice %arg4[%add3A_107] : memref<2097152xf32, #tpu.memory_space<hbm>> -> memref<8192xf32, #tpu.memory_space<hbm>>
    tpu.wait_dma2 semaphore(%arg11 : memref<!tpu.dma_semaphore, #tpu.memory_space<semaphore_mem>>) src(%arg7 : memref<8192xf32, #tpu.memory_space<vmem>>) dst(%dma_wait3A_122 : memref<8192xf32, #tpu.memory_space<hbm>>)
    %dma_wait3A_123 = tpu.memref_slice %arg4[%add3A_118] : memref<2097152xf32, #tpu.memory_space<hbm>> -> memref<8192xf32, #tpu.memory_space<hbm>>
    %dma_wait3A_124 = tpu.memref_slice %arg4[%add3A_118] : memref<2097152xf32, #tpu.memory_space<hbm>> -> memref<8192xf32, #tpu.memory_space<hbm>>
    tpu.wait_dma2 semaphore(%arg12 : memref<!tpu.dma_semaphore, #tpu.memory_space<semaphore_mem>>) src(%arg8 : memref<8192xf32, #tpu.memory_space<vmem>>) dst(%dma_wait3A_124 : memref<8192xf32, #tpu.memory_space<hbm>>)
    return
  }
}

</mosaic_0001>

<sc_bundles>
// kernel: kernel.3.cloned.1.call-start
scs
__scs_entry_jumppad:
0x0: {  	(pc) =	sbr.rel $0x88, $3  }
0x1: {  	(tag) =	ssettag $0x0;
	lr =	simm.s32 $0x1  }
0x2: {  	[smem:$0x3F9F] =	sst lr;
	_ =	strace $0xD0000000  }
0x3: {  	_ = 	snop  }
0x4: {  	_ = 	snop  }
0x5: {  	_ = 	snop  }
0x6: {  	_ = 	snop  }
0x7: {  	_ = 	snop  }
__scs_overlays_trampoline_lowered:
0x8: {  	[smem:$0x3FAE] =	sst s0  }
0x9: {  	[smem:$0x3FAF] =	sst s1  }
0xa: {  	[smem:$0x3FB0] =	sst s2  }
0xb: {  	[smem:$0x3FB1] =	sst s3  }
0xc: {  	[smem:$0x3FB2] =	sst s4  }
0xd: {  	[smem:$0x3FB3] =	sst s5  }
0xe: {  	[smem:$0x3FB4] =	sst s6  }
0xf: {  	[smem:$0x3FB5] =	sst s7  }
0x10: {  	[smem:$0x3FB6] =	sst s8  }
0x11: {  	[smem:$0x3FB7] =	sst s9;
	s0 =	simm.s32 @!p0 $0x0  }
0x12: {  	s1 =	sld [smem:$0x3F9D];
	s0 =	simm.s32 @p0 $0x1  }
0x13: {  	[smem:$0x3FB8] =	sst s0;
	s0 =	simm.s32 @!p1 $0x0  }
0x14: {  	s2 =	sld [smem:$0x3F9C];
	s0 =	simm.s32 @p1 $0x1  }
0x15: {  	[smem:$0x3FB9] =	sst s0;
	s0 =	simm.s32 @!p2 $0x0  }
0x16: {  	s3 =	sld [smem:$0x3FDB];
	s0 =	simm.s32 @p2 $0x1  }
0x17: {  	s4 =	simm.s32 $0x1BF5;
	[smem:$0x3FBB] =	sst s0  }
0x18: {  	s0 =	sld [smem:$0x3F9E];
	_ =	swait.ge [sflag:s4], $0x0  }
0x19: {  	s7 =	sld [smem:$0x3F9F]  }
0x1a: {  	s8 =	sadd.s32 $0xFFFFE003, lr  }
0x1b: {  	s9 =	sadd.s32 $0xFFFFFEF7, lr;
	s5 =	simm.s32 $0xFFFFFFFF;
	p2 =	slt.u32 s8, $0xFFFFF086  }
0x1c: {  	p1 =	slt.u32 s9, $0xF7A;
	s5 =	simm.s32 @!p2 $0x0  }
0x1d: {  	s5 =	simm.s32 @p1 $0x1;
	p0 =	seq.s32 s7, s2  }
0x1e: {  	s7 =	smul.u32 @!p0 $0xF7A, s2;
	p2 =	seq.s32 @!p0 s5, $0x0  }
0x1f: {  	s9 =	smul.u32 $0xF7A, s1;
	s8 =	simm.s32 @!p0 $0x1BF5;
	p2 =	por !p2, p0  }
0x20: {  	[sflag:s8] =	ssyncset.s32 @!p0 $0xFFFFF086;
	s6 =	sadd.s32 @!p0 s3, s7;
	s7 =	simm.s32 @!p0 $0x108  }
0x21: {  	s3 =	sadd.s32 s3, s9;
	s6 =	sadd.s32 @!p0 $0x88, s6;
	s7 =	simm.s32 @p2 $0x1082  }
0x22: {  	[simem:s7], [sflag:s8] =	dma.local @!p0 [hbm:s6], $0xF7A  }
0x23: {  	s9 =	sor.u32 $0xD0000000, s2;
	s6 =	simm.s32 $0x108;
	_ =	swait.ge @!p0 [sflag:s8], $0x0  }
0x24: {  	s3 =	sadd.s32 $0x88, s3;
	s6 =	simm.s32 @!p1 $0x1082;
	[sflag:s4] =	ssyncset.s32 $0xFFFFF086  }
0x25: {  	[simem:s6], [sflag:s4] =	dma.local [hbm:s3], $0xF7A  }
0x26: {  	[smem:$0x3F9F] =	sst s1;
	(tag) =	ssettag s2;
	_ =	strace s9  }
0x27: {  	s1 =	sld [smem:$0x3FAF]  }
0x28: {  	s2 =	sld [smem:$0x3FB0]  }
0x29: {  	s4 =	sld [smem:$0x3FB2]  }
0x2a: {  	p0 =	seq.s32 s5, $0x0;
	s5 =	sld [smem:$0x3FB3]  }
0x2b: {  	s6 =	sld [smem:$0x3FB4]  }
0x2c: {  	s7 =	sld [smem:$0x3FB5]  }
0x2d: {  	s3 =	simm.s32 $0x108;
	s8 =	sld [smem:$0x3FB6]  }
0x2e: {  	s3 =	simm.s32 @!p0 $0x1082;
	s9 =	sld [smem:$0x3FB7]  }
0x2f: {  	lr =	sadd.s32 s0, s3;
	s0 =	sld [smem:$0x3FAE]  }
0x30: {  	s3 =	sld [smem:$0x3FB1]  }
0x31: {  	[smem:$0x3FBA] =	sst s10  }
0x32: {  	s10 =	sld [smem:$0x3FB8];
	_ =	sdelay $0x3  }
0x33: {  	p0 =	seq.s32 s10, $0x1;
	s10 =	sld [smem:$0x3FBA];
	_ =	sdelay $0x3  }
0x34: {  	[smem:$0x3FBA] =	sst s10  }
0x35: {  	s10 =	sld [smem:$0x3FB9];
	_ =	sdelay $0x3  }
0x36: {  	p1 =	seq.s32 s10, $0x1;
	s10 =	sld [smem:$0x3FBA];
	_ =	sdelay $0x3  }
0x37: {  	[smem:$0x3FBA] =	sst s10  }
0x38: {  	s10 =	sld [smem:$0x3FBB]  }
0x39: {  	_ = 	snop;
	(pc) =	sbr.ind lr, $3  }
0x3a: {  	_ = 	snop  }
0x3b: {  	_ = 	snop  }
0x3c: {  	p2 =	seq.s32 s10, $0x1;
	s10 =	sld [smem:$0x3FBA]  }
0x3d: {  	_ =	shalt  }
0x3e: {  	_ =	shalt  }
0x3f: {  	_ =	shalt  }
0x40: {  	_ =	shalt  }
0x41: {  	_ =	shalt  }
0x42: {  	_ =	shalt  }
0x43: {  	_ =	shalt  }
0x44: {  	_ =	shalt  }
0x45: {  	_ =	shalt  }
0x46: {  	_ =	shalt  }
0x47: {  	_ =	shalt  }
0x48: {  	_ =	shalt  }
0x49: {  	_ =	shalt  }
0x4a: {  	_ =	shalt  }
0x4b: {  	_ =	shalt  }
0x4c: {  	_ =	shalt  }
0x4d: {  	_ =	shalt  }
0x4e: {  	_ =	shalt  }
0x4f: {  	_ =	shalt  }
0x50: {  	_ =	shalt  }
0x51: {  	_ =	shalt  }
0x52: {  	_ =	shalt  }
0x53: {  	_ =	shalt  }
0x54: {  	_ =	shalt  }
0x55: {  	_ =	shalt  }
0x56: {  	_ =	shalt  }
0x57: {  	_ =	shalt  }
0x58: {  	_ =	shalt  }
0x59: {  	_ =	shalt  }
0x5a: {  	_ =	shalt  }
0x5b: {  	_ =	shalt  }
0x5c: {  	_ =	shalt  }
0x5d: {  	_ =	shalt  }
0x5e: {  	_ =	shalt  }
0x5f: {  	_ =	shalt  }
0x60: {  	_ =	shalt  }
0x61: {  	_ =	shalt  }
0x62: {  	_ =	shalt  }
0x63: {  	_ =	shalt  }
0x64: {  	_ =	shalt  }
0x65: {  	_ =	shalt  }
0x66: {  	_ =	shalt  }
0x67: {  	_ =	shalt  }
0x68: {  	_ =	shalt  }
0x69: {  	_ =	shalt  }
0x6a: {  	_ =	shalt  }
0x6b: {  	_ =	shalt  }
0x6c: {  	_ =	shalt  }
0x6d: {  	_ =	shalt  }
0x6e: {  	_ =	shalt  }
0x6f: {  	_ =	shalt  }
0x70: {  	_ =	shalt  }
0x71: {  	_ =	shalt  }
0x72: {  	_ =	shalt  }
0x73: {  	_ =	shalt  }
0x74: {  	_ =	shalt  }
0x75: {  	_ =	shalt  }
0x76: {  	_ =	shalt  }
0x77: {  	_ =	shalt  }
0x78: {  	_ =	shalt  }
0x79: {  	_ =	shalt  }
0x7a: {  	_ =	shalt  }
0x7b: {  	_ =	shalt  }
0x7c: {  	_ =	shalt  }
0x7d: {  	_ =	shalt  }
0x7e: {  	_ =	shalt  }
0x7f: {  	_ =	shalt  }
0x80: {  	_ =	shalt  }
0x81: {  	_ =	shalt  }
0x82: {  	_ =	shalt  }
0x83: {  	_ =	shalt  }
0x84: {  	_ =	shalt  }
0x85: {  	_ =	shalt  }
0x86: {  	_ =	shalt  }
0x87: {  	_ =	shalt  }
.Lfunc_end0:
.L_simem_size_0:
called_computation_lowered:
.L_overlay_start_0:
0x88: {  	s2 =	sld [smem:$0x3FD9]  }
0x89: {  	s3 =	sld [smem:$0x3FFE];
	_ =	sdelay $0x1  }
0x8a: {  	s1 =	srdreg.scid  }
0x8b: {  	s0 =	sand.u32 $0x1, s1  }
0x8c: {  	s17 =	sshll.u32 s0, $0xA;
	s2 =	sadd.s32 s3, s2  }
0x8d: {  	s2 =	sadd.s32 s2, s17  }
0x8e: {  	[smem:$0x3FC6] =	sst s2  }
0x8f: {  	_ = 	snop  }
0x90: {  	s2 =	sld [smem:$0x3FD0];
	(tm) =	ssettm $0x1  }
0x91: {  	s18 =	sld [smem:$0x3FFB];
	_ =	sdelay $0x3  }
0x92: {  	_ =	strace s18  }
0x93: {  	s3 =	sld [smem:$0x3FFC];
	_ =	sdelay $0x3  }
0x94: {  	_ =	strace s3  }
0x95: {  	s3 =	sld [smem:$0x3FFD];
	_ =	sdelay $0x3  }
0x96: {  	_ =	strace s3  }
0x97: {  	_ =	strace $0x8FFFFFFF  }
0x98: {  	s19 =	sld [smem:$0x3FDB];
	_ =	sdelay $0x1  }
0x99: {  	s4 =	simm.s32 $_scs_section_size  }
0x9a: {  	s5 =	simm.s32 $_size__tile_overlayer_lowered;
	s6 =	simm.s32 $_tile_overlayer_lowered  }
0x9b: {  	s22 =	simm.s32 $0x1BFF;
	s21 =	sshll.u32 s6, $0x1;
	s3 =	sadd.s32 s4, s19  }
0x9c: {  	s7 =	simm.s32 $0x0;
	s20 =	sshll.u32 s5, $0x1;
	s5 =	sadd.s32 s21, s3  }
0x9d: {  	[timem:s7], [sflag:s22] =	dma.local [hbm:s5], s20  }
0x9e: {  	_ =	swait.ge [sflag:s22], s20  }
0x9f: {  	s4 =	ssub.s32 $0x0, s20;
	[sflag:s22] =	ssyncset.done $0x0  }
0xa0: {  	[sflag:s22] =	ssyncadd.s32 s4;
	_ =	sdelay $0x1  }
0xa1: {  	s23 =	simm.s32 $0x1B8B  }
0xa2: {  	_ =	swait.ge [sflag:s23], $0x1  }
0xa3: {  	[sflag:s23] =	ssyncset.done $0x0  }
0xa4: {  	s25 =	simm.s32 $0x1B8E;
	s24 =	sld [smem:$0x3FFE];
	[sflag:s23] =	ssyncadd.s32 $0xFFFFFFFF  }
0xa5: {  	s26 =	simm.s32 $execute0_lowered;
	[smem:$0x3FD2] =	sst s25  }
0xa6: {  	s5 =	sshll.u32 s26, $0x1;
	_ =	strace $0x80000046;
	[dreg:$0x1] =	wrdreg $0xFFFFFFFF  }
0xa7: {  	s28 =	simm.s32 $_size_execute0_lowered;
	s3 =	sadd.s32 s3, s5;
	[dreg:$0x0] =	wrdreg $0x0  }
0xa8: {  	s5 =	sshll.u32 s28, $0x1;
	[dreg:$0x2] =	wrdreg s3  }
0xa9: {  	[dreg:$0x3] =	wrdreg s5  }
0xaa: {  	[dreg:$0x4] =	wrdreg $0xC0  }
0xab: {  	_ =	task [dreg:s7], $0x5FFFF  }
0xac: {  	[dreg:$0x1] =	wrdreg $0xFFFFFFFF  }
0xad: {  	[dreg:$0x0] =	wrdreg $0x60  }
0xae: {  	[dreg:$0x2] =	wrdreg s24  }
0xaf: {  	[dreg:$0x3] =	wrdreg s2  }
0xb0: {  	[dreg:$0x4] =	wrdreg $0x9  }
0xb1: {  	_ =	task.clear_ibuf [dreg:s7], $0x5FFFF;
	_ =	strace $0x90000046  }
0xb2: {  	s29 =	simm.s32 $0x9;
	_ =	strace $0x80000048  }
0xb3: {  	_ =	swait.ge [sflag:s29], $0x1  }
0xb4: {  	[sflag:s29] =	ssyncadd.s32 $0xFFFFFFFF  }
0xb5: {  	_ =	strace $0x90000048  }
0xb6: {  	_ =	sfence  }
0xb7: {  	s30 =	sld [smem:$0x0];
	_ =	sdelay $0x2  }
0xb8: {  	s31 =	sshll.u32 s1, $0xD;
	s1 =	sshrl.u32 s1, $0x2  }
0xb9: {  	s3 =	sand.u32 $0x4000, s31;
	s1 =	sadd.s32 s1, s30  }
0xba: {  	s0 =	sor.u32 s3, s0;
	s1 =	sshll.u32 s1, $0x11  }
0xbb: {  	s0 =	sor.u32 s1, s0  }
0xbc: {  	s0 =	sadd.s32 $0x8F2B, s0  }
0xbd: {  	[sflag:s0] =	ssyncadd.remote.s32 $0x1  }
0xbe: {  	_ =	sfence.sel $0xFFFF  }
0xbf: {  	[dreg:$0x0] =	wrdreg $0xFFFFFFFF;
	(pc) =	sbr.abs _section_cstart, $3  }
0xc0: {  	[dreg:$0x1] =	wrdreg $0xFFFFFFFF  }
0xc1: {  	_ =	task.clear_ibuf [dreg:s7], $0x2FFFF;
	_ =	strace $0x9FFFFFFF  }
0xc2: {  	(tm) =	ssettm $0x7FFFFFFF  }
0xc3: {  	_ =	shalt  }
tec
execute0_lowered:
.L_overlay_start_1:
0x0: {  	(tag) =	ssettag $0x1  }
0x1: {  	s0 =	rddreg [dreg:$0x0]  }
0x2: {  	s1 =	srdreg.scid;
	s2 =	stileid.u32  }
0x3: {  	s3 =	simm.s32 $0x0;
	s21 =	simm.s32 $0xC000;
	s22 =	simm.s32 $0x4  }
0x4: {  	s23 =	simm.s32 $0x1;
	s24 =	simm.s32 $0x4000;
	s28 =	simm.s32 $0x2  }
0x5: {  	s1 =	sand.u32 $0x1, s1;
	s2 =	sshll.u32 s2, $0x1;
	[smem:$0x7FF] =	sst s3  }
0x6: {  	s29 =	simm.s32 $0x3;
	s2 =	sor.u32 s1, s2;
	_ =	strace $0x80000047  }
0x7: {  	s1 =	ssub.s32 $0x2, s1;
	s4 =	sshll.u32 s2, $0xE;
	s2 =	sshll.u32 s2, $0xD  }
0x8: {  	s26 =	sshrl.u32 s1, $0x1;
	s17 =	sadd.s32 s4, s0;
	s0 =	sadd.s32 s2, s0  }
0x9: {  	s1 =	ssub.s32 s1, s26;
	s26 =	simm.s32 $0xA000;
	s4 =	sadd.s32 $0x2000E00, s17  }
0xa: {  	s25 =	sadd.s32 $0x2000600, s17;
	s31 =	sadd.s32 $0x2001600, s17;
	s7 =	sadd.s32 $0x600, s0  }
0xb: {  	v0 =	vlaneseq.u32;
	s8 =	sadd.s32 $0xA00, s0;
	s9 =	sadd.s32 $0x2001E00, s17;
	s10 =	sadd.s32 $0xE00, s0  }
0xc: {  	s30 =	simm.s32 $0x0;
	v1 =	vmul.u32 $0x2, v0;
	s11 =	sadd.s32 $0x2002600, s17;
	s13 =	sadd.s32 $0x2002E00, s17  }
0xd: {  	s12 =	sadd.s32 $0x1200, s0;
	s14 =	sadd.s32 $0x2003600, s17;
	s15 =	sadd.s32 $0x1600, s0  }
0xe: {  	v2 =	vor.u32 $0x1, v1;
	s16 =	sadd.s32 $0x1A00, s0;
	s17 =	sadd.s32 $0x2003E00, s17;
	[dreg:$0x3] =	wrdreg s25  }
0xf: {  	v3 =	vor.u32 $0x20, v1;
	v4 =	vor.u32 $0x21, v1;
	v5 =	vor.u32 $0x40, v1;
	s18 =	sadd.s32 $0x1E00, s0;
	s19 =	sadd.s32 $0x2200, s0;
	[dreg:$0x4] =	wrdreg s4  }
0x10: {  	v6 =	vor.u32 $0x41, v1;
	v7 =	vor.u32 $0x60, v1;
	v8 =	vor.u32 $0x61, v1;
	s20 =	smax.u32 s1, $0x1;
	[dreg:$0x5] =	wrdreg s31;
	s25 =	simm.s32 $0x8000  }
.LBB2_1:
0x11: {  	s0 =	rddreg [dreg:$0x1]  }
0x12: {  	[tilespmem:s21], [sflag:$0x4] =	stream.linear.gather [hbm4b:s0+s3], $0x1000, $0x38;
	[tilespmem:$0xD000] =	vst v63  }
0x13: {  	_ =	swait.ge [sflag:s22], $0x1000  }
0x14: {  	[sflag:s22] =	ssyncset.done $0x0  }
0x15: {  	s4 =	simm.s32 $0xE0;
	s2 =	rddreg [dreg:$0x3];
	[sflag:s22] =	ssyncadd.s32 $0xFFFFF000  }
0x16: {  	v9 =	vor.u32 s3, v2;
	[tilespmem:s3], [sflag:$0x1] =	stream.linear.gather [hbm4b:s2+s3], $0x4000, $0x38;
	[tilespmem:$0xD000] =	vst v63  }
0x17: {  	v10 =	vor.u32 s4, v7;
	_ =	swait.ge [sflag:s23], $0x4000  }
0x18: {  	s1 =	simm.s32 $0x80;
	v11 =	vor.u32 s4, v8;
	[sflag:s23] =	ssyncset.done $0x0  }
0x19: {  	s6 =	simm.s32 $0xA0;
	v12 =	vor.u32 s1, v1;
	s5 =	rddreg [dreg:$0x4];
	[sflag:s23] =	ssyncadd.s32 $0xFFFFC000  }
0x1a: {  	v13 =	vor.u32 s1, v2;
	[tilespmem:s24], [sflag:$0x1] =	stream.linear.gather [hbm4b:s5+s3], $0x4000, $0x38;
	[tilespmem:$0xD000] =	vst v63  }
0x1b: {  	v14 =	vor.u32 s6, v3;
	v9 =	vld.idx.msk [tilespmem:v9+s3+$0x0], $0xffff  }
0x1c: {  	v15 =	vor.u32 s6, v4;
	v10 =	vld.idx.msk [tilespmem:v10+s3+$0x0], $0xffff  }
0x1d: {  	v18 =	vor.u32 s3, v1;
	v11 =	vld.idx.msk [tilespmem:v11+s3+$0x0], $0xffff  }
0x1e: {  	v19 =	vor.u32 s3, v3;
	v12 =	vld.idx.msk [tilespmem:v12+s3+$0x0], $0xffff  }
0x1f: {  	v20 =	vor.u32 s3, v4;
	v13 =	vld.idx.msk [tilespmem:v13+s3+$0x0], $0xffff  }
0x20: {  	v21 =	vor.u32 s3, v5;
	v14 =	vld.idx.msk [tilespmem:v14+s3+$0x0], $0xffff  }
0x21: {  	v22 =	vor.u32 s3, v6;
	v15 =	vld.idx.msk [tilespmem:v15+s3+$0x0], $0xffff  }
0x22: {  	v23 =	vor.u32 s3, v7;
	v18 =	vld.idx.msk [tilespmem:v18+s3+$0x0], $0xffff  }
0x23: {  	v24 =	vor.u32 s3, v8;
	s6 =	simm.s32 $0x1C0;
	v19 =	vld.idx.msk [tilespmem:v19+s3+$0x0], $0xffff  }
0x24: {  	v34 =	vor.u32 s6, v5;
	v20 =	vld.idx.msk [tilespmem:v20+s3+$0x0], $0xffff  }
0x25: {  	s4 =	simm.s32 $0x100;
	v35 =	vor.u32 s6, v6;
	v21 =	vld.idx.msk [tilespmem:v21+s3+$0x0], $0xffff  }
0x26: {  	v25 =	vor.u32 s4, v3;
	s2 =	simm.s32 $0xC0;
	v22 =	vld.idx.msk [tilespmem:v22+s3+$0x0], $0xffff  }
0x27: {  	v16 =	vor.u32 s2, v5;
	v23 =	vld.idx.msk [tilespmem:v23+s3+$0x0], $0xffff  }
0x28: {  	v17 =	vor.u32 s2, v6;
	v24 =	vld.idx.msk [tilespmem:v24+s3+$0x0], $0xffff  }
0x29: {  	v34 =	vld.idx.msk [tilespmem:v34+s3+$0x0], $0xffff;
	v9 =	vmul.f32 $2.560000000e+02, v9;
	v10 =	vmul.f32 $4.096000000e+03, v10  }
0x2a: {  	v35 =	vld.idx.msk [tilespmem:v35+s3+$0x0], $0xffff;
	v11 =	vmul.f32 $2.560000000e+02, v11;
	v12 =	vmul.f32 $4.096000000e+03, v12  }
0x2b: {  	v25 =	vld.idx.msk [tilespmem:v25+s3+$0x0], $0xffff;
	v13 =	vmul.f32 $2.560000000e+02, v13;
	v14 =	vmul.f32 $4.096000000e+03, v14  }
0x2c: {  	v16 =	vld.idx.msk [tilespmem:v16+s3+$0x0], $0xffff;
	v15 =	vmul.f32 $2.560000000e+02, v15;
	v18 =	vmul.f32 $4.096000000e+03, v18  }
0x2d: {  	v17 =	vld.idx.msk [tilespmem:v17+s3+$0x0], $0xffff;
	v19 =	vmul.f32 $4.096000000e+03, v19;
	v20 =	vmul.f32 $2.560000000e+02, v20  }
0x2e: {  	v21 =	vmul.f32 $4.096000000e+03, v21;
	v22 =	vmul.f32 $2.560000000e+02, v22  }
0x2f: {  	s2 =	simm.s32 $0x1E0;
	v23 =	vmul.f32 $4.096000000e+03, v23;
	v24 =	vmul.f32 $2.560000000e+02, v24  }
0x30: {  	v29 =	vor.u32 s2, v7;
	v54 =	vmul.f32 $4.096000000e+03, v34;
	v55 =	vmul.f32 $2.560000000e+02, v35  }
0x31: {  	v32 =	vor.u32 s2, v8;
	v25 =	vmul.f32 $4.096000000e+03, v25;
	v16 =	vmul.f32 $4.096000000e+03, v16  }
0x32: {  	v17 =	vmul.f32 $2.560000000e+02, v17;
	v9 =	vtrunc.f32 v9  }
0x33: {  	v10 =	vtrunc.f32 v10;
	v11 =	vtrunc.f32 v11  }
0x34: {  	v12 =	vtrunc.f32 v12;
	v13 =	vtrunc.f32 v13  }
0x35: {  	v29 =	vld.idx.msk [tilespmem:v29+s3+$0x0], $0xffff;
	v14 =	vtrunc.f32 v14;
	v15 =	vtrunc.f32 v15  }
0x36: {  	s31 =	simm.s32 $0x1A0;
	v32 =	vld.idx.msk [tilespmem:v32+s3+$0x0], $0xffff;
	v18 =	vtrunc.f32 v18;
	v19 =	vtrunc.f32 v19  }
0x37: {  	v30 =	vor.u32 s31, v3;
	v20 =	vtrunc.f32 v20;
	v21 =	vtrunc.f32 v21  }
0x38: {  	v31 =	vor.u32 s31, v4;
	s5 =	simm.s32 $0x180;
	v10 =	vcvt.f32.s32 v10;
	v11 =	vcvt.f32.s32 v11  }
0x39: {  	v28 =	vor.u32 s5, v2;
	v22 =	vtrunc.f32 v22;
	v23 =	vtrunc.f32 v23  }
0x3a: {  	v24 =	vtrunc.f32 v24;
	v10 =	vand.u32 $0xF00, v10;
	v11 =	vand.u32 $0xF0, v11  }
0x3b: {  	v29 =	vmul.f32 $4.096000000e+03, v29;
	v32 =	vmul.f32 $2.560000000e+02, v32;
	v10 =	vor.u32 v11, v10  }
0x3c: {  	v11 =	vcvt.f32.s32 v12;
	v12 =	vcvt.f32.s32 v13;
	v13 =	vor.u32 v0, v10  }
0x3d: {  	v10 =	vcvt.f32.s32 v14;
	v14 =	vcvt.f32.s32 v15;
	v15 =	vor.u32 s4, v2  }
0x3e: {  	v26 =	vor.u32 s4, v4;
	v16 =	vtrunc.f32 v16;
	v17 =	vtrunc.f32 v17  }
0x3f: {  	v27 =	vor.u32 s5, v1;
	v18 =	vcvt.f32.s32 v18;
	v9 =	vcvt.f32.s32 v9  }
0x40: {  	v33 =	vor.u32 s4, v5;
	v30 =	vld.idx.msk [tilespmem:v30+s3+$0x0], $0xffff;
	v19 =	vcvt.f32.s32 v19;
	v20 =	vcvt.f32.s32 v20  }
0x41: {  	v36 =	vor.u32 s4, v6;
	v28 =	vld.idx.msk [tilespmem:v28+s3+$0x0], $0xffff;
	v21 =	vcvt.f32.s32 v21;
	v22 =	vcvt.f32.s32 v22  }
0x42: {  	v37 =	vor.u32 s4, v7;
	v23 =	vcvt.f32.s32 v23;
	v16 =	vcvt.f32.s32 v16;
	v15 =	vld.idx.msk [tilespmem:v15+s3+$0x0], $0xffff  }
0x43: {  	v38 =	vor.u32 s4, v8;
	v31 =	vld.idx.msk [tilespmem:v31+s3+$0x0], $0xffff;
	v24 =	vcvt.f32.s32 v24;
	v17 =	vcvt.f32.s32 v17  }
0x44: {  	v27 =	vld.idx.msk [tilespmem:v27+s3+$0x0], $0xffff;
	v18 =	vand.u32 $0xF00, v18;
	v39 =	vand.u32 $0xF0, v9;
	v16 =	vand.u32 $0xF00, v16  }
0x45: {  	v17 =	vand.u32 $0xF0, v17;
	v11 =	vand.u32 $0xF00, v11;
	v12 =	vand.u32 $0xF0, v12  }
0x46: {  	v11 =	vor.u32 v12, v11;
	v10 =	vand.u32 $0xF00, v10;
	v14 =	vand.u32 $0xF0, v14  }
0x47: {  	v14 =	vor.u32 v14, v10;
	v10 =	vld.idx.msk [tilespmem:v26+s3+$0x0], $0xffff;
	v26 =	vmul.f32 $2.560000000e+02, v28;
	v15 =	vmul.f32 $2.560000000e+02, v15  }
0x48: {  	v28 =	vmul.f32 $4.096000000e+03, v30;
	v30 =	vor.u32 v17, v16;
	v17 =	vmul.f32 $2.560000000e+02, v31  }
0x49: {  	v12 =	vor.u32 s4, v1;
	v9 =	vtrunc.f32 v15;
	v15 =	vmul.f32 $4.096000000e+03, v27  }
0x4a: {  	v19 =	vand.u32 $0xF00, v19;
	v31 =	vld.idx.msk [tilespmem:v36+s3+$0x0], $0xffff;
	v27 =	vtrunc.f32 v29;
	v29 =	vtrunc.f32 v32  }
0x4b: {  	v21 =	vand.u32 $0xF00, v21;
	v27 =	vcvt.f32.s32 v27;
	v29 =	vcvt.f32.s32 v29  }
0x4c: {  	v22 =	vand.u32 $0xF0, v22;
	v23 =	vand.u32 $0xF00, v23;
	v24 =	vand.u32 $0xF0, v24;
	v16 =	vld.idx.msk [tilespmem:v33+s3+$0x0], $0xffff  }
0x4d: {  	v21 =	vor.u32 v22, v21;
	v27 =	vand.u32 $0xF00, v27;
	v29 =	vand.u32 $0xF0, v29  }
0x4e: {  	v58 =	vtrunc.f32 v26;
	v60 =	vtrunc.f32 v28;
	v12 =	vld.idx.msk [tilespmem:v12+s3+$0x0], $0xffff;
	v27 =	vor.u32 v29, v27  }
0x4f: {  	v22 =	vmul.f32 $2.560000000e+02, v31;
	v31 =	vor.u32 v24, v23;
	v23 =	vld.idx.msk [tilespmem:v13+s21+$0x0], $0xffff;
	v27 =	vor.u32 v0, v27  }
0x50: {  	v20 =	vand.u32 $0xF0, v20;
	v61 =	vtrunc.f32 v17;
	v59 =	vmul.f32 $2.560000000e+02, v10;
	v29 =	vld.idx.msk [tilespmem:v37+s3+$0x0], $0xffff  }
0x51: {  	v57 =	vld.idx.msk [tilespmem:v38+s3+$0x0], $0xffff;
	v19 =	vor.u32 v20, v19;
	v20 =	vmul.f32 $4.096000000e+03, v16;
	v10 =	vtrunc.f32 v54  }
0x52: {  	v62 =	vor.u32 v0, v11;
	v16 =	vtrunc.f32 v25;
	v25 =	vcvt.f32.s32 v60  }
0x53: {  	v63 =	vor.u32 v0, v14;
	v17 =	vtrunc.f32 v59;
	v13 =	vtrunc.f32 v20  }
0x54: {  	s1 =	simm.s32 $0x8040;
	v26 =	vor.u32 v39, v18;
	v14 =	vtrunc.f32 v22;
	v12 =	vmul.f32 $4.096000000e+03, v12;
	v27 =	vld.idx.msk [tilespmem:v27+s21+$0x0], $0xffff  }
0x55: {  	v28 =	vor.u32 v0, v30;
	[tilespmem:s1+$0x30] =	vst v23;
	v23 =	vcvt.f32.s32 v58;
	v24 =	vmul.f32 $4.096000000e+03, v29  }
0x56: {  	v26 =	vor.u32 v0, v26;
	v18 =	vtrunc.f32 v12;
	v12 =	vmul.f32 $2.560000000e+02, v57  }
0x57: {  	v56 =	vtrunc.f32 v15;
	v11 =	vtrunc.f32 v24;
	v24 =	vor.u32 v0, v19  }
0x58: {  	s31 =	simm.s32 $0x80C0;
	v21 =	vor.u32 v0, v21;
	v20 =	vld.idx.msk [tilespmem:v62+s21+$0x0], $0xffff;
	v15 =	vtrunc.f32 v55;
	v12 =	vtrunc.f32 v12  }
0x59: {  	s0 =	simm.s32 $0x8;
	s2 =	simm.s32 $0x200;
	v22 =	vld.idx.msk [tilespmem:v63+s21+$0x0], $0xffff;
	v29 =	vcvt.f32.s32 v56;
	v19 =	vcvt.f32.s32 v61;
	[tilespmem:s31+$0x30] =	vst v27;
	v27 =	vor.u32 v0, v31  }
.LBB2_2:
0x5a: {  	v30 =	vor.u32 s2, v2;
	v31 =	vor.u32 s2, v3;
	v32 =	vor.u32 s2, v4;
	s4 =	sadd.s32 $0x80, s2;
	s5 =	sadd.s32 $0xA0, s2;
	s6 =	sadd.s32 $0xE0, s2;
	v28 =	vld.idx.msk [tilespmem:v28+s21+$0x0], $0xffff  }
0x5b: {  	s0 =	sadd.s32 $0x8, s0;
	v33 =	vor.u32 s4, v1;
	v34 =	vor.u32 s4, v2;
	s4 =	sadd.s32 $0xC0, s2;
	v35 =	vor.u32 s6, v7;
	v26 =	vld.idx.msk [tilespmem:v26+s21+$0x0], $0xffff  }
0x5c: {  	v36 =	vor.u32 s5, v3;
	v37 =	vor.u32 s5, v4;
	v38 =	vor.u32 s6, v8;
	p0 =	slt.u32 s0, $0x1F8;
	v24 =	vld.idx.msk [tilespmem:v24+s21+$0x0], $0xffff  }
0x5d: {  	v39 =	vor.u32 s2, v5;
	v40 =	vor.u32 s4, v5;
	v41 =	vor.u32 s4, v6;
	v21 =	vld.idx.msk [tilespmem:v21+s21+$0x0], $0xffff  }
0x5e: {  	v42 =	vor.u32 s2, v6;
	v43 =	vor.u32 s2, v7;
	v44 =	vor.u32 s2, v8;
	v27 =	vld.idx.msk [tilespmem:v27+s21+$0x0], $0xffff;
	[tilespmem:s1+$0x0] =	vst v20  }
0x5f: {  	v10 =	vcvt.f32.s32 v10;
	v15 =	vcvt.f32.s32 v15;
	v20 =	vor.u32 s2, v1;
	v30 =	vld.idx.msk [tilespmem:v30+s3+$0x0], $0xffff;
	[tilespmem:s1+$0x10] =	vst v22  }
0x60: {  	v18 =	vcvt.f32.s32 v18;
	v9 =	vcvt.f32.s32 v9;
	v29 =	vand.u32 $0xF00, v29;
	v22 =	vld.idx.msk [tilespmem:v35+s3+$0x0], $0xffff;
	[tilespmem:s1+$0x20] =	vst v28  }
0x61: {  	v16 =	vcvt.f32.s32 v16;
	v17 =	vcvt.f32.s32 v17;
	v23 =	vand.u32 $0xF0, v23;
	v28 =	vld.idx.msk [tilespmem:v38+s3+$0x0], $0xffff;
	[tilespmem:s1+$0xFFFFFFC0] =	vst v26  }
0x62: {  	v13 =	vcvt.f32.s32 v13;
	v14 =	vcvt.f32.s32 v14;
	v25 =	vand.u32 $0xF00, v25;
	v26 =	vld.idx.msk [tilespmem:v33+s3+$0x0], $0xffff;
	[tilespmem:s1+$0xFFFFFFD0] =	vst v24  }
0x63: {  	v11 =	vcvt.f32.s32 v11;
	v12 =	vcvt.f32.s32 v12;
	v19 =	vand.u32 $0xF0, v19;
	v24 =	vld.idx.msk [tilespmem:v34+s3+$0x0], $0xffff;
	[tilespmem:s1+$0xFFFFFFE0] =	vst v21  }
0x64: {  	v18 =	vand.u32 $0xF00, v18;
	v10 =	vand.u32 $0xF00, v10;
	v15 =	vand.u32 $0xF0, v15;
	v21 =	vld.idx.msk [tilespmem:v36+s3+$0x0], $0xffff;
	[tilespmem:s1+$0xFFFFFFF0] =	vst v27;
	s1 =	smov.u32 s31  }
0x65: {  	v16 =	vand.u32 $0xF00, v16;
	v33 =	vand.u32 $0xF0, v9;
	v27 =	vmul.f32 $2.560000000e+02, v30;
	v30 =	vld.idx.msk [tilespmem:v37+s3+$0x0], $0xffff  }
0x66: {  	v17 =	vand.u32 $0xF0, v17;
	v13 =	vand.u32 $0xF00, v13;
	v14 =	vand.u32 $0xF0, v14;
	v34 =	vld.idx.msk [tilespmem:v40+s3+$0x0], $0xffff  }
0x67: {  	v11 =	vand.u32 $0xF00, v11;
	v22 =	vmul.f32 $4.096000000e+03, v22;
	v28 =	vmul.f32 $2.560000000e+02, v28;
	v35 =	vld.idx.msk [tilespmem:v41+s3+$0x0], $0xffff  }
0x68: {  	v12 =	vand.u32 $0xF0, v12;
	v9 =	vtrunc.f32 v27;
	v26 =	vmul.f32 $4.096000000e+03, v26;
	v20 =	vld.idx.msk [tilespmem:v20+s3+$0x0], $0xffff  }
0x69: {  	v23 =	vor.u32 v23, v29;
	v22 =	vtrunc.f32 v22;
	v28 =	vtrunc.f32 v28;
	v27 =	vld.idx.msk [tilespmem:v31+s3+$0x0], $0xffff  }
0x6a: {  	v19 =	vor.u32 v19, v25;
	v22 =	vcvt.f32.s32 v22;
	v28 =	vcvt.f32.s32 v28;
	v29 =	vld.idx.msk [tilespmem:v32+s3+$0x0], $0xffff  }
0x6b: {  	v24 =	vmul.f32 $2.560000000e+02, v24;
	v21 =	vmul.f32 $4.096000000e+03, v21;
	v31 =	vor.u32 v15, v10;
	v25 =	vld.idx.msk [tilespmem:v39+s3+$0x0], $0xffff  }
0x6c: {  	v15 =	vmul.f32 $2.560000000e+02, v30;
	v22 =	vand.u32 $0xF00, v22;
	v28 =	vand.u32 $0xF0, v28;
	v10 =	vld.idx.msk [tilespmem:v42+s3+$0x0], $0xffff  }
0x6d: {  	v32 =	vmul.f32 $4.096000000e+03, v34;
	v34 =	vmul.f32 $2.560000000e+02, v35;
	v22 =	vor.u32 v28, v22;
	v30 =	vld.idx.msk [tilespmem:v43+s3+$0x0], $0xffff  }
0x6e: {  	v35 =	vtrunc.f32 v26;
	v20 =	vmul.f32 $4.096000000e+03, v20;
	v22 =	vor.u32 v0, v22;
	v28 =	vld.idx.msk [tilespmem:v44+s3+$0x0], $0xffff  }
0x6f: {  	v26 =	vmul.f32 $4.096000000e+03, v27;
	v27 =	vtrunc.f32 v24;
	v24 =	vor.u32 v33, v18  }
0x70: {  	v33 =	vtrunc.f32 v21;
	v21 =	vor.u32 v17, v16;
	v29 =	vmul.f32 $2.560000000e+02, v29  }
0x71: {  	v37 =	vor.u32 v14, v13;
	v36 =	vtrunc.f32 v15;
	v25 =	vmul.f32 $4.096000000e+03, v25  }
0x72: {  	v14 =	vmul.f32 $2.560000000e+02, v10;
	v10 =	vtrunc.f32 v32;
	v32 =	vor.u32 v12, v11  }
0x73: {  	v15 =	vtrunc.f32 v34;
	v11 =	vmul.f32 $4.096000000e+03, v30;
	v30 =	vor.u32 v0, v23;
	v22 =	vld.idx.msk [tilespmem:v22+s21+$0x0], $0xffff  }
0x74: {  	v34 =	vor.u32 v0, v19;
	v18 =	vtrunc.f32 v20;
	v12 =	vmul.f32 $2.560000000e+02, v28  }
.Ltmp0:
0x75: {  	v16 =	vtrunc.f32 v26;
	v17 =	vtrunc.f32 v29;
	v28 =	vor.u32 v0, v31;
	(pc) =	sbr.rel @p0 .LBB2_2-.Ltmp0, $4  }
0x76: {  	v26 =	vor.u32 v0, v24;
	v13 =	vtrunc.f32 v25;
	v14 =	vtrunc.f32 v14  }
0x77: {  	v24 =	vor.u32 v0, v21;
	v11 =	vtrunc.f32 v11;
	v12 =	vtrunc.f32 v12  }
0x78: {  	s31 =	sadd.s32 $0x80, s31;
	v21 =	vor.u32 v0, v37;
	v29 =	vcvt.f32.s32 v35;
	v23 =	vcvt.f32.s32 v27;
	v20 =	vld.idx.msk [tilespmem:v30+s21+$0x0], $0xffff  }
0x79: {  	s2 =	sadd.s32 $0x100, s2;
	v19 =	vcvt.f32.s32 v36;
	v25 =	vcvt.f32.s32 v33;
	v27 =	vor.u32 v0, v32;
	[tilespmem:s31+$0x30] =	vst v22;
	v22 =	vld.idx.msk [tilespmem:v34+s21+$0x0], $0xffff  }
0x7a: {  	v10 =	vcvt.f32.s32 v10  }
0x7b: {  	v15 =	vcvt.f32.s32 v15;
	v18 =	vcvt.f32.s32 v18  }
0x7c: {  	v9 =	vcvt.f32.s32 v9;
	v16 =	vcvt.f32.s32 v16  }
0x7d: {  	v29 =	vand.u32 $0xF00, v29;
	v17 =	vcvt.f32.s32 v17;
	v13 =	vcvt.f32.s32 v13  }
0x7e: {  	v23 =	vand.u32 $0xF0, v23;
	v14 =	vcvt.f32.s32 v14;
	v11 =	vcvt.f32.s32 v11  }
0x7f: {  	v12 =	vcvt.f32.s32 v12;
	v25 =	vand.u32 $0xF00, v25;
	v19 =	vand.u32 $0xF0, v19  }
0x80: {  	v23 =	vor.u32 v23, v29;
	v18 =	vand.u32 $0xF00, v18;
	v10 =	vand.u32 $0xF00, v10  }
0x81: {  	v15 =	vand.u32 $0xF0, v15;
	v9 =	vand.u32 $0xF0, v9;
	v16 =	vand.u32 $0xF00, v16  }
0x82: {  	v28 =	vld.idx.msk [tilespmem:v28+s21+$0x0], $0xffff;
	v17 =	vand.u32 $0xF0, v17;
	v19 =	vor.u32 v19, v25;
	v23 =	vor.u32 v0, v23  }
0x83: {  	v25 =	vld.idx.msk [tilespmem:v26+s21+$0x0], $0xffff;
	v13 =	vand.u32 $0xF00, v13;
	v10 =	vor.u32 v15, v10;
	v15 =	vor.u32 v0, v19  }
0x84: {  	v14 =	vand.u32 $0xF0, v14;
	v19 =	vld.idx.msk [tilespmem:v24+s21+$0x0], $0xffff;
	v9 =	vor.u32 v9, v18;
	v10 =	vor.u32 v0, v10  }
0x85: {  	v11 =	vand.u32 $0xF00, v11;
	v18 =	vld.idx.msk [tilespmem:v21+s21+$0x0], $0xffff;
	[tilespmem:s1+$0x0] =	vst v20;
	v16 =	vor.u32 v17, v16;
	v9 =	vor.u32 v0, v9  }
0x86: {  	v12 =	vand.u32 $0xF0, v12;
	v17 =	vld.idx.msk [tilespmem:v27+s21+$0x0], $0xffff;
	v13 =	vor.u32 v14, v13;
	[tilespmem:s1+$0x10] =	vst v22;
	v14 =	vor.u32 v0, v16  }
0x87: {  	v11 =	vor.u32 v12, v11;
	v12 =	vor.u32 v0, v13;
	[tilespmem:s1+$0x20] =	vst v28;
	v13 =	vld.idx.msk [tilespmem:v23+s21+$0x0], $0xffff  }
0x88: {  	v11 =	vor.u32 v0, v11;
	[tilespmem:s1+$0xFFFFFFC0] =	vst v25;
	v15 =	vld.idx.msk [tilespmem:v15+s21+$0x0], $0xffff  }
0x89: {  	[tilespmem:s1+$0xFFFFFFD0] =	vst v19;
	v10 =	vld.idx.msk [tilespmem:v10+s21+$0x0], $0xffff  }
0x8a: {  	[tilespmem:s1+$0xFFFFFFE0] =	vst v18;
	v9 =	vld.idx.msk [tilespmem:v9+s21+$0x0], $0xffff  }
0x8b: {  	[tilespmem:s1+$0xFFFFFFF0] =	vst v17;
	v14 =	vld.idx.msk [tilespmem:v14+s21+$0x0], $0xffff  }
0x8c: {  	v12 =	vld.idx.msk [tilespmem:v12+s21+$0x0], $0xffff;
	[tilespmem:s31+$0x0] =	vst v13  }
0x8d: {  	v11 =	vld.idx.msk [tilespmem:v11+s21+$0x0], $0xffff;
	[tilespmem:s31+$0x10] =	vst v15  }
0x8e: {  	[tilespmem:s31+$0x20] =	vst v10  }
0x8f: {  	[tilespmem:s31+$0xFFFFFFC0] =	vst v9  }
0x90: {  	[tilespmem:s31+$0xFFFFFFD0] =	vst v14  }
0x91: {  	[tilespmem:s31+$0xFFFFFFE0] =	vst v12  }
0x92: {  	s0 =	simm.s32 $0x0;
	s6 =	simm.s32 $0xE0;
	[tilespmem:s31+$0xFFFFFFF0] =	vst v11  }
0x93: {  	v9 =	vor.u32 s0, v2;
	[hbm4b:s7+s0] =	stream.linear.scatter [tilespmem:s25], [sflag:$0x2], $0x2000, $0x38;
	[tilespmem:$0xD000] =	vst v63  }
0x94: {  	v10 =	vor.u32 s6, v7;
	_ =	swait.ge [sflag:s23], $0x4000  }
0x95: {  	s2 =	simm.s32 $0x80;
	v11 =	vor.u32 s6, v8;
	[sflag:s23] =	ssyncset.done $0x0  }
0x96: {  	s5 =	simm.s32 $0xA0;
	v12 =	vor.u32 s2, v1;
	s4 =	rddreg [dreg:$0x5];
	[sflag:s23] =	ssyncadd.s32 $0xFFFFC000  }
0x97: {  	v13 =	vor.u32 s2, v2;
	[tilespmem:s0], [sflag:$0x1] =	stream.linear.gather [hbm4b:s4+s0], $0x4000, $0x38;
	[tilespmem:$0xD000] =	vst v63  }
0x98: {  	v14 =	vor.u32 s5, v3;
	v9 =	vld.idx.msk [tilespmem:v9+s24+$0x0], $0xffff  }
0x99: {  	v15 =	vor.u32 s5, v4;
	s6 =	simm.s32 $0xC0;
	v10 =	vld.idx.msk [tilespmem:v10+s24+$0x0], $0xffff  }
0x9a: {  	v16 =	vor.u32 s6, v5;
	v11 =	vld.idx.msk [tilespmem:v11+s24+$0x0], $0xffff  }
0x9b: {  	v17 =	vor.u32 s6, v6;
	v12 =	vld.idx.msk [tilespmem:v12+s24+$0x0], $0xffff  }
0x9c: {  	v18 =	vor.u32 s0, v1;
	v13 =	vld.idx.msk [tilespmem:v13+s24+$0x0], $0xffff  }
0x9d: {  	v19 =	vor.u32 s0, v3;
	v14 =	vld.idx.msk [tilespmem:v14+s24+$0x0], $0xffff  }
0x9e: {  	v20 =	vor.u32 s0, v4;
	v15 =	vld.idx.msk [tilespmem:v15+s24+$0x0], $0xffff  }
0x9f: {  	v21 =	vor.u32 s0, v5;
	v16 =	vld.idx.msk [tilespmem:v16+s24+$0x0], $0xffff  }
0xa0: {  	v22 =	vor.u32 s0, v6;
	v17 =	vld.idx.msk [tilespmem:v17+s24+$0x0], $0xffff  }
0xa1: {  	v23 =	vor.u32 s0, v7;
	v18 =	vld.idx.msk [tilespmem:v18+s24+$0x0], $0xffff  }
0xa2: {  	v24 =	vor.u32 s0, v8;
	s5 =	simm.s32 $0x1E0;
	v19 =	vld.idx.msk [tilespmem:v19+s24+$0x0], $0xffff  }
0xa3: {  	v29 =	vor.u32 s5, v7;
	v20 =	vld.idx.msk [tilespmem:v20+s24+$0x0], $0xffff  }
0xa4: {  	s6 =	simm.s32 $0x1C0;
	v32 =	vor.u32 s5, v8;
	v21 =	vld.idx.msk [tilespmem:v21+s24+$0x0], $0xffff  }
0xa5: {  	v34 =	vor.u32 s6, v5;
	v22 =	vld.idx.msk [tilespmem:v22+s24+$0x0], $0xffff  }
0xa6: {  	v35 =	vor.u32 s6, v6;
	v23 =	vld.idx.msk [tilespmem:v23+s24+$0x0], $0xffff;
	v9 =	vmul.f32 $2.560000000e+02, v9  }
0xa7: {  	v24 =	vld.idx.msk [tilespmem:v24+s24+$0x0], $0xffff;
	v10 =	vmul.f32 $4.096000000e+03, v10;
	v11 =	vmul.f32 $2.560000000e+02, v11  }
0xa8: {  	v29 =	vld.idx.msk [tilespmem:v29+s24+$0x0], $0xffff;
	v12 =	vmul.f32 $4.096000000e+03, v12;
	v13 =	vmul.f32 $2.560000000e+02, v13  }
0xa9: {  	v32 =	vld.idx.msk [tilespmem:v32+s24+$0x0], $0xffff;
	v14 =	vmul.f32 $4.096000000e+03, v14;
	v15 =	vmul.f32 $2.560000000e+02, v15  }
0xaa: {  	v34 =	vld.idx.msk [tilespmem:v34+s24+$0x0], $0xffff;
	v16 =	vmul.f32 $4.096000000e+03, v16;
	v17 =	vmul.f32 $2.560000000e+02, v17  }
0xab: {  	v35 =	vld.idx.msk [tilespmem:v35+s24+$0x0], $0xffff;
	v18 =	vmul.f32 $4.096000000e+03, v18;
	v19 =	vmul.f32 $4.096000000e+03, v19  }
0xac: {  	v20 =	vmul.f32 $2.560000000e+02, v20;
	v21 =	vmul.f32 $4.096000000e+03, v21  }
0xad: {  	v22 =	vmul.f32 $2.560000000e+02, v22;
	v23 =	vmul.f32 $4.096000000e+03, v23  }
0xae: {  	v24 =	vmul.f32 $2.560000000e+02, v24;
	v29 =	vmul.f32 $4.096000000e+03, v29  }
0xaf: {  	v32 =	vmul.f32 $2.560000000e+02, v32;
	v54 =	vmul.f32 $4.096000000e+03, v34  }
0xb0: {  	v55 =	vmul.f32 $2.560000000e+02, v35;
	v9 =	vtrunc.f32 v9  }
0xb1: {  	s2 =	simm.s32 $0x180;
	v10 =	vtrunc.f32 v10;
	v11 =	vtrunc.f32 v11  }
0xb2: {  	v27 =	vor.u32 s2, v1;
	v12 =	vtrunc.f32 v12;
	v13 =	vtrunc.f32 v13  }
0xb3: {  	v28 =	vor.u32 s2, v2;
	s0 =	simm.s32 $0x100;
	v14 =	vtrunc.f32 v14;
	v15 =	vtrunc.f32 v15  }
0xb4: {  	v25 =	vor.u32 s0, v3;
	v16 =	vtrunc.f32 v16;
	v17 =	vtrunc.f32 v17  }
0xb5: {  	s4 =	simm.s32 $0x1A0;
	v26 =	vor.u32 s0, v4;
	v10 =	vcvt.f32.s32 v10;
	v11 =	vcvt.f32.s32 v11  }
0xb6: {  	v30 =	vor.u32 s4, v3;
	v18 =	vtrunc.f32 v18;
	v19 =	vtrunc.f32 v19  }
0xb7: {  	v20 =	vtrunc.f32 v20;
	v10 =	vand.u32 $0xF00, v10;
	v11 =	vand.u32 $0xF0, v11  }
0xb8: {  	v21 =	vtrunc.f32 v21;
	v22 =	vtrunc.f32 v22;
	v10 =	vor.u32 v11, v10  }
0xb9: {  	v11 =	vcvt.f32.s32 v12;
	v12 =	vcvt.f32.s32 v13;
	v13 =	vor.u32 v0, v10  }
0xba: {  	v10 =	vcvt.f32.s32 v14;
	v14 =	vcvt.f32.s32 v15;
	v15 =	vor.u32 s0, v2  }
0xbb: {  	v31 =	vor.u32 s4, v4;
	v23 =	vtrunc.f32 v23;
	v24 =	vtrunc.f32 v24  }
0xbc: {  	v33 =	vor.u32 s0, v5;
	v16 =	vcvt.f32.s32 v16;
	v17 =	vcvt.f32.s32 v17  }
0xbd: {  	v36 =	vor.u32 s0, v6;
	v28 =	vld.idx.msk [tilespmem:v28+s24+$0x0], $0xffff;
	v18 =	vcvt.f32.s32 v18;
	v9 =	vcvt.f32.s32 v9  }
0xbe: {  	v37 =	vor.u32 s0, v7;
	v30 =	vld.idx.msk [tilespmem:v30+s24+$0x0], $0xffff;
	v19 =	vcvt.f32.s32 v19;
	v20 =	vcvt.f32.s32 v20  }
0xbf: {  	v38 =	vor.u32 s0, v8;
	v21 =	vcvt.f32.s32 v21;
	v22 =	vcvt.f32.s32 v22;
	v15 =	vld.idx.msk [tilespmem:v15+s24+$0x0], $0xffff  }
0xc0: {  	v31 =	vld.idx.msk [tilespmem:v31+s24+$0x0], $0xffff;
	v23 =	vcvt.f32.s32 v23;
	v24 =	vcvt.f32.s32 v24;
	v18 =	vand.u32 $0xF00, v18  }
0xc1: {  	v27 =	vld.idx.msk [tilespmem:v27+s24+$0x0], $0xffff;
	v16 =	vand.u32 $0xF00, v16;
	v17 =	vand.u32 $0xF0, v17;
	v39 =	vand.u32 $0xF0, v9  }
0xc2: {  	v19 =	vand.u32 $0xF00, v19;
	v11 =	vand.u32 $0xF00, v11;
	v12 =	vand.u32 $0xF0, v12  }
0xc3: {  	v25 =	vld.idx.msk [tilespmem:v25+s24+$0x0], $0xffff;
	v11 =	vor.u32 v12, v11;
	v10 =	vand.u32 $0xF00, v10;
	v14 =	vand.u32 $0xF0, v14  }
0xc4: {  	v14 =	vor.u32 v14, v10;
	v10 =	vld.idx.msk [tilespmem:v26+s24+$0x0], $0xffff;
	v26 =	vmul.f32 $2.560000000e+02, v28;
	v15 =	vmul.f32 $2.560000000e+02, v15  }
0xc5: {  	v28 =	vmul.f32 $4.096000000e+03, v30;
	v30 =	vor.u32 v17, v16;
	v17 =	vmul.f32 $2.560000000e+02, v31  }
0xc6: {  	v12 =	vor.u32 s0, v1;
	v9 =	vtrunc.f32 v15;
	v15 =	vmul.f32 $4.096000000e+03, v27  }
0xc7: {  	v21 =	vand.u32 $0xF00, v21;
	v31 =	vld.idx.msk [tilespmem:v36+s24+$0x0], $0xffff;
	v27 =	vtrunc.f32 v29;
	v29 =	vtrunc.f32 v32  }
0xc8: {  	v22 =	vand.u32 $0xF0, v22;
	v27 =	vcvt.f32.s32 v27;
	v29 =	vcvt.f32.s32 v29  }
0xc9: {  	v23 =	vand.u32 $0xF00, v23;
	v24 =	vand.u32 $0xF0, v24;
	v25 =	vmul.f32 $4.096000000e+03, v25;
	v16 =	vld.idx.msk [tilespmem:v33+s24+$0x0], $0xffff  }
0xca: {  	v21 =	vor.u32 v22, v21;
	v27 =	vand.u32 $0xF00, v27;
	v29 =	vand.u32 $0xF0, v29  }
0xcb: {  	v58 =	vtrunc.f32 v26;
	v60 =	vtrunc.f32 v28;
	v12 =	vld.idx.msk [tilespmem:v12+s24+$0x0], $0xffff;
	v27 =	vor.u32 v29, v27  }
0xcc: {  	v22 =	vmul.f32 $2.560000000e+02, v31;
	v31 =	vor.u32 v24, v23;
	v23 =	vld.idx.msk [tilespmem:v13+s21+$0x0], $0xffff;
	v27 =	vor.u32 v0, v27  }
0xcd: {  	v20 =	vand.u32 $0xF0, v20;
	v61 =	vtrunc.f32 v17;
	v59 =	vmul.f32 $2.560000000e+02, v10;
	v29 =	vld.idx.msk [tilespmem:v37+s24+$0x0], $0xffff  }
0xce: {  	v57 =	vld.idx.msk [tilespmem:v38+s24+$0x0], $0xffff;
	v19 =	vor.u32 v20, v19;
	v20 =	vmul.f32 $4.096000000e+03, v16;
	v10 =	vtrunc.f32 v54  }
0xcf: {  	v62 =	vor.u32 v0, v11;
	v16 =	vtrunc.f32 v25;
	v25 =	vcvt.f32.s32 v60  }
0xd0: {  	v63 =	vor.u32 v0, v14;
	v17 =	vtrunc.f32 v59;
	v13 =	vtrunc.f32 v20  }
0xd1: {  	s1 =	simm.s32 $0xA040;
	v26 =	vor.u32 v39, v18;
	v14 =	vtrunc.f32 v22;
	v12 =	vmul.f32 $4.096000000e+03, v12;
	v27 =	vld.idx.msk [tilespmem:v27+s21+$0x0], $0xffff  }
0xd2: {  	v28 =	vor.u32 v0, v30;
	[tilespmem:s1+$0x30] =	vst v23;
	v23 =	vcvt.f32.s32 v58;
	v24 =	vmul.f32 $4.096000000e+03, v29  }
0xd3: {  	v26 =	vor.u32 v0, v26;
	v18 =	vtrunc.f32 v12;
	v12 =	vmul.f32 $2.560000000e+02, v57  }
0xd4: {  	v56 =	vtrunc.f32 v15;
	v11 =	vtrunc.f32 v24;
	v24 =	vor.u32 v0, v19  }
0xd5: {  	s31 =	simm.s32 $0xA0C0;
	v21 =	vor.u32 v0, v21;
	v20 =	vld.idx.msk [tilespmem:v62+s21+$0x0], $0xffff;
	v15 =	vtrunc.f32 v55;
	v12 =	vtrunc.f32 v12  }
0xd6: {  	s2 =	simm.s32 $0x200;
	s0 =	simm.s32 $0x8;
	v22 =	vld.idx.msk [tilespmem:v63+s21+$0x0], $0xffff;
	v29 =	vcvt.f32.s32 v56;
	v19 =	vcvt.f32.s32 v61;
	[tilespmem:s31+$0x30] =	vst v27;
	v27 =	vor.u32 v0, v31  }
.LBB2_4:
0xd7: {  	v30 =	vor.u32 s2, v2;
	v31 =	vor.u32 s2, v3;
	v32 =	vor.u32 s2, v4;
	s4 =	sadd.s32 $0x80, s2;
	s5 =	sadd.s32 $0xA0, s2;
	s6 =	sadd.s32 $0xE0, s2;
	v28 =	vld.idx.msk [tilespmem:v28+s21+$0x0], $0xffff  }
0xd8: {  	s0 =	sadd.s32 $0x8, s0;
	v33 =	vor.u32 s4, v1;
	v34 =	vor.u32 s4, v2;
	s4 =	sadd.s32 $0xC0, s2;
	v35 =	vor.u32 s6, v7;
	v26 =	vld.idx.msk [tilespmem:v26+s21+$0x0], $0xffff  }
0xd9: {  	v36 =	vor.u32 s5, v3;
	v37 =	vor.u32 s5, v4;
	v38 =	vor.u32 s6, v8;
	p0 =	slt.u32 s0, $0x1F8;
	v24 =	vld.idx.msk [tilespmem:v24+s21+$0x0], $0xffff  }
0xda: {  	v39 =	vor.u32 s2, v5;
	v40 =	vor.u32 s4, v5;
	v41 =	vor.u32 s4, v6;
	v21 =	vld.idx.msk [tilespmem:v21+s21+$0x0], $0xffff  }
0xdb: {  	v42 =	vor.u32 s2, v6;
	v43 =	vor.u32 s2, v7;
	v44 =	vor.u32 s2, v8;
	v27 =	vld.idx.msk [tilespmem:v27+s21+$0x0], $0xffff;
	[tilespmem:s1+$0x0] =	vst v20  }
0xdc: {  	v10 =	vcvt.f32.s32 v10;
	v15 =	vcvt.f32.s32 v15;
	v20 =	vor.u32 s2, v1;
	v30 =	vld.idx.msk [tilespmem:v30+s24+$0x0], $0xffff;
	[tilespmem:s1+$0x10] =	vst v22  }
0xdd: {  	v18 =	vcvt.f32.s32 v18;
	v9 =	vcvt.f32.s32 v9;
	v29 =	vand.u32 $0xF00, v29;
	v22 =	vld.idx.msk [tilespmem:v35+s24+$0x0], $0xffff;
	[tilespmem:s1+$0x20] =	vst v28  }
0xde: {  	v16 =	vcvt.f32.s32 v16;
	v17 =	vcvt.f32.s32 v17;
	v23 =	vand.u32 $0xF0, v23;
	v28 =	vld.idx.msk [tilespmem:v38+s24+$0x0], $0xffff;
	[tilespmem:s1+$0xFFFFFFC0] =	vst v26  }
0xdf: {  	v13 =	vcvt.f32.s32 v13;
	v14 =	vcvt.f32.s32 v14;
	v25 =	vand.u32 $0xF00, v25;
	v26 =	vld.idx.msk [tilespmem:v33+s24+$0x0], $0xffff;
	[tilespmem:s1+$0xFFFFFFD0] =	vst v24  }
0xe0: {  	v11 =	vcvt.f32.s32 v11;
	v12 =	vcvt.f32.s32 v12;
	v19 =	vand.u32 $0xF0, v19;
	v24 =	vld.idx.msk [tilespmem:v34+s24+$0x0], $0xffff;
	[tilespmem:s1+$0xFFFFFFE0] =	vst v21  }
0xe1: {  	v18 =	vand.u32 $0xF00, v18;
	v10 =	vand.u32 $0xF00, v10;
	v15 =	vand.u32 $0xF0, v15;
	v21 =	vld.idx.msk [tilespmem:v36+s24+$0x0], $0xffff;
	[tilespmem:s1+$0xFFFFFFF0] =	vst v27;
	s1 =	smov.u32 s31  }
0xe2: {  	v16 =	vand.u32 $0xF00, v16;
	v33 =	vand.u32 $0xF0, v9;
	v27 =	vmul.f32 $2.560000000e+02, v30;
	v30 =	vld.idx.msk [tilespmem:v37+s24+$0x0], $0xffff  }
0xe3: {  	v17 =	vand.u32 $0xF0, v17;
	v13 =	vand.u32 $0xF00, v13;
	v14 =	vand.u32 $0xF0, v14;
	v34 =	vld.idx.msk [tilespmem:v40+s24+$0x0], $0xffff  }
0xe4: {  	v11 =	vand.u32 $0xF00, v11;
	v22 =	vmul.f32 $4.096000000e+03, v22;
	v28 =	vmul.f32 $2.560000000e+02, v28;
	v35 =	vld.idx.msk [tilespmem:v41+s24+$0x0], $0xffff  }
0xe5: {  	v12 =	vand.u32 $0xF0, v12;
	v9 =	vtrunc.f32 v27;
	v26 =	vmul.f32 $4.096000000e+03, v26;
	v20 =	vld.idx.msk [tilespmem:v20+s24+$0x0], $0xffff  }
0xe6: {  	v23 =	vor.u32 v23, v29;
	v22 =	vtrunc.f32 v22;
	v28 =	vtrunc.f32 v28;
	v27 =	vld.idx.msk [tilespmem:v31+s24+$0x0], $0xffff  }
0xe7: {  	v19 =	vor.u32 v19, v25;
	v22 =	vcvt.f32.s32 v22;
	v28 =	vcvt.f32.s32 v28;
	v29 =	vld.idx.msk [tilespmem:v32+s24+$0x0], $0xffff  }
0xe8: {  	v24 =	vmul.f32 $2.560000000e+02, v24;
	v21 =	vmul.f32 $4.096000000e+03, v21;
	v31 =	vor.u32 v15, v10;
	v25 =	vld.idx.msk [tilespmem:v39+s24+$0x0], $0xffff  }
0xe9: {  	v15 =	vmul.f32 $2.560000000e+02, v30;
	v22 =	vand.u32 $0xF00, v22;
	v28 =	vand.u32 $0xF0, v28;
	v10 =	vld.idx.msk [tilespmem:v42+s24+$0x0], $0xffff  }
0xea: {  	v32 =	vmul.f32 $4.096000000e+03, v34;
	v34 =	vmul.f32 $2.560000000e+02, v35;
	v22 =	vor.u32 v28, v22;
	v30 =	vld.idx.msk [tilespmem:v43+s24+$0x0], $0xffff  }
0xeb: {  	v35 =	vtrunc.f32 v26;
	v20 =	vmul.f32 $4.096000000e+03, v20;
	v22 =	vor.u32 v0, v22;
	v28 =	vld.idx.msk [tilespmem:v44+s24+$0x0], $0xffff  }
0xec: {  	v26 =	vmul.f32 $4.096000000e+03, v27;
	v27 =	vtrunc.f32 v24;
	v24 =	vor.u32 v33, v18  }
0xed: {  	v33 =	vtrunc.f32 v21;
	v21 =	vor.u32 v17, v16;
	v29 =	vmul.f32 $2.560000000e+02, v29  }
0xee: {  	v37 =	vor.u32 v14, v13;
	v36 =	vtrunc.f32 v15;
	v25 =	vmul.f32 $4.096000000e+03, v25  }
0xef: {  	v14 =	vmul.f32 $2.560000000e+02, v10;
	v10 =	vtrunc.f32 v32;
	v32 =	vor.u32 v12, v11  }
0xf0: {  	v15 =	vtrunc.f32 v34;
	v11 =	vmul.f32 $4.096000000e+03, v30;
	v30 =	vor.u32 v0, v23;
	v22 =	vld.idx.msk [tilespmem:v22+s21+$0x0], $0xffff  }
0xf1: {  	v34 =	vor.u32 v0, v19;
	v18 =	vtrunc.f32 v20;
	v12 =	vmul.f32 $2.560000000e+02, v28  }
.Ltmp1:
0xf2: {  	v16 =	vtrunc.f32 v26;
	v17 =	vtrunc.f32 v29;
	v28 =	vor.u32 v0, v31;
	(pc) =	sbr.rel @p0 .LBB2_4-.Ltmp1, $4  }
0xf3: {  	v26 =	vor.u32 v0, v24;
	v13 =	vtrunc.f32 v25;
	v14 =	vtrunc.f32 v14  }
0xf4: {  	v24 =	vor.u32 v0, v21;
	v11 =	vtrunc.f32 v11;
	v12 =	vtrunc.f32 v12  }
0xf5: {  	s31 =	sadd.s32 $0x80, s31;
	v21 =	vor.u32 v0, v37;
	v29 =	vcvt.f32.s32 v35;
	v23 =	vcvt.f32.s32 v27;
	v20 =	vld.idx.msk [tilespmem:v30+s21+$0x0], $0xffff  }
0xf6: {  	s2 =	sadd.s32 $0x100, s2;
	v19 =	vcvt.f32.s32 v36;
	v25 =	vcvt.f32.s32 v33;
	v27 =	vor.u32 v0, v32;
	[tilespmem:s31+$0x30] =	vst v22;
	v22 =	vld.idx.msk [tilespmem:v34+s21+$0x0], $0xffff  }
0xf7: {  	v10 =	vcvt.f32.s32 v10  }
0xf8: {  	v15 =	vcvt.f32.s32 v15;
	v18 =	vcvt.f32.s32 v18  }
0xf9: {  	v9 =	vcvt.f32.s32 v9;
	v16 =	vcvt.f32.s32 v16  }
0xfa: {  	v29 =	vand.u32 $0xF00, v29;
	v17 =	vcvt.f32.s32 v17;
	v13 =	vcvt.f32.s32 v13  }
0xfb: {  	v23 =	vand.u32 $0xF0, v23;
	v14 =	vcvt.f32.s32 v14;
	v11 =	vcvt.f32.s32 v11  }
0xfc: {  	v12 =	vcvt.f32.s32 v12;
	v25 =	vand.u32 $0xF00, v25;
	v19 =	vand.u32 $0xF0, v19  }
0xfd: {  	v23 =	vor.u32 v23, v29;
	v18 =	vand.u32 $0xF00, v18;
	v10 =	vand.u32 $0xF00, v10  }
0xfe: {  	v15 =	vand.u32 $0xF0, v15;
	v9 =	vand.u32 $0xF0, v9;
	v16 =	vand.u32 $0xF00, v16  }
0xff: {  	v28 =	vld.idx.msk [tilespmem:v28+s21+$0x0], $0xffff;
	v17 =	vand.u32 $0xF0, v17;
	v19 =	vor.u32 v19, v25;
	v23 =	vor.u32 v0, v23  }
0x100: {  	v25 =	vld.idx.msk [tilespmem:v26+s21+$0x0], $0xffff;
	v13 =	vand.u32 $0xF00, v13;
	v10 =	vor.u32 v15, v10;
	v15 =	vor.u32 v0, v19  }
0x101: {  	v14 =	vand.u32 $0xF0, v14;
	v19 =	vld.idx.msk [tilespmem:v24+s21+$0x0], $0xffff;
	v9 =	vor.u32 v9, v18;
	v10 =	vor.u32 v0, v10  }
0x102: {  	v11 =	vand.u32 $0xF00, v11;
	v18 =	vld.idx.msk [tilespmem:v21+s21+$0x0], $0xffff;
	[tilespmem:s1+$0x0] =	vst v20;
	v16 =	vor.u32 v17, v16;
	v9 =	vor.u32 v0, v9  }
0x103: {  	v12 =	vand.u32 $0xF0, v12;
	v17 =	vld.idx.msk [tilespmem:v27+s21+$0x0], $0xffff;
	v13 =	vor.u32 v14, v13;
	[tilespmem:s1+$0x10] =	vst v22;
	v14 =	vor.u32 v0, v16  }
0x104: {  	v11 =	vor.u32 v12, v11;
	v12 =	vor.u32 v0, v13;
	[tilespmem:s1+$0x20] =	vst v28;
	v13 =	vld.idx.msk [tilespmem:v23+s21+$0x0], $0xffff  }
0x105: {  	v11 =	vor.u32 v0, v11;
	[tilespmem:s1+$0xFFFFFFC0] =	vst v25;
	v15 =	vld.idx.msk [tilespmem:v15+s21+$0x0], $0xffff  }
0x106: {  	[tilespmem:s1+$0xFFFFFFD0] =	vst v19;
	v10 =	vld.idx.msk [tilespmem:v10+s21+$0x0], $0xffff  }
0x107: {  	[tilespmem:s1+$0xFFFFFFE0] =	vst v18;
	v9 =	vld.idx.msk [tilespmem:v9+s21+$0x0], $0xffff  }
0x108: {  	[tilespmem:s1+$0xFFFFFFF0] =	vst v17;
	v14 =	vld.idx.msk [tilespmem:v14+s21+$0x0], $0xffff  }
0x109: {  	v12 =	vld.idx.msk [tilespmem:v12+s21+$0x0], $0xffff;
	[tilespmem:s31+$0x0] =	vst v13  }
0x10a: {  	v11 =	vld.idx.msk [tilespmem:v11+s21+$0x0], $0xffff;
	[tilespmem:s31+$0x10] =	vst v15  }
0x10b: {  	[tilespmem:s31+$0x20] =	vst v10  }
0x10c: {  	[tilespmem:s31+$0xFFFFFFC0] =	vst v9  }
0x10d: {  	[tilespmem:s31+$0xFFFFFFD0] =	vst v14  }
0x10e: {  	[tilespmem:s31+$0xFFFFFFE0] =	vst v12  }
0x10f: {  	s0 =	simm.s32 $0x0;
	[tilespmem:s31+$0xFFFFFFF0] =	vst v11  }
0x110: {  	[hbm4b:s8+s0] =	stream.linear.scatter [tilespmem:s26], [sflag:$0x3], $0x2000, $0x38;
	[tilespmem:$0xD000] =	vst v63  }
0x111: {  	_ =	swait.ge [sflag:s23], $0x4000  }
0x112: {  	[sflag:s23] =	ssyncset.done $0x0  }
0x113: {  	s4 =	simm.s32 $0xE0;
	v9 =	vor.u32 s0, v2;
	[sflag:s23] =	ssyncadd.s32 $0xFFFFC000  }
0x114: {  	v10 =	vor.u32 s4, v7;
	[tilespmem:s24], [sflag:$0x1] =	stream.linear.gather [hbm4b:s9+s0], $0x4000, $0x38;
	[tilespmem:$0xD000] =	vst v63  }
0x115: {  	s2 =	simm.s32 $0x80;
	v11 =	vor.u32 s4, v8;
	_ =	swait.ge [sflag:s28], $0x2000  }
0x116: {  	v12 =	vor.u32 s2, v1;
	[sflag:s28] =	ssyncset.done $0x0  }
0x117: {  	s5 =	simm.s32 $0xA0;
	v13 =	vor.u32 s2, v2;
	[sflag:s28] =	ssyncadd.s32 $0xFFFFE000  }
0x118: {  	v14 =	vor.u32 s5, v3;
	v9 =	vld.idx.msk [tilespmem:v9+s3+$0x0], $0xffff  }
0x119: {  	s6 =	simm.s32 $0xC0;
	v15 =	vor.u32 s5, v4;
	v10 =	vld.idx.msk [tilespmem:v10+s3+$0x0], $0xffff  }
0x11a: {  	v16 =	vor.u32 s6, v5;
	v11 =	vld.idx.msk [tilespmem:v11+s3+$0x0], $0xffff  }
0x11b: {  	v17 =	vor.u32 s6, v6;
	v12 =	vld.idx.msk [tilespmem:v12+s3+$0x0], $0xffff  }
0x11c: {  	v18 =	vor.u32 s0, v1;
	v13 =	vld.idx.msk [tilespmem:v13+s3+$0x0], $0xffff  }
0x11d: {  	v19 =	vor.u32 s0, v3;
	v14 =	vld.idx.msk [tilespmem:v14+s3+$0x0], $0xffff  }
0x11e: {  	v20 =	vor.u32 s0, v4;
	v15 =	vld.idx.msk [tilespmem:v15+s3+$0x0], $0xffff  }
0x11f: {  	v21 =	vor.u32 s0, v5;
	v16 =	vld.idx.msk [tilespmem:v16+s3+$0x0], $0xffff  }
0x120: {  	v22 =	vor.u32 s0, v6;
	v17 =	vld.idx.msk [tilespmem:v17+s3+$0x0], $0xffff  }
0x121: {  	v23 =	vor.u32 s0, v7;
	v18 =	vld.idx.msk [tilespmem:v18+s3+$0x0], $0xffff  }
0x122: {  	v24 =	vor.u32 s0, v8;
	s5 =	simm.s32 $0x1E0;
	v19 =	vld.idx.msk [tilespmem:v19+s3+$0x0], $0xffff  }
0x123: {  	v29 =	vor.u32 s5, v7;
	v20 =	vld.idx.msk [tilespmem:v20+s3+$0x0], $0xffff  }
0x124: {  	s6 =	simm.s32 $0x1C0;
	v32 =	vor.u32 s5, v8;
	v21 =	vld.idx.msk [tilespmem:v21+s3+$0x0], $0xffff  }
0x125: {  	v34 =	vor.u32 s6, v5;
	v22 =	vld.idx.msk [tilespmem:v22+s3+$0x0], $0xffff  }
0x126: {  	v35 =	vor.u32 s6, v6;
	v23 =	vld.idx.msk [tilespmem:v23+s3+$0x0], $0xffff  }
0x127: {  	v24 =	vld.idx.msk [tilespmem:v24+s3+$0x0], $0xffff;
	v9 =	vmul.f32 $2.560000000e+02, v9;
	v10 =	vmul.f32 $4.096000000e+03, v10  }
0x128: {  	v29 =	vld.idx.msk [tilespmem:v29+s3+$0x0], $0xffff;
	v11 =	vmul.f32 $2.560000000e+02, v11;
	v12 =	vmul.f32 $4.096000000e+03, v12  }
0x129: {  	v32 =	vld.idx.msk [tilespmem:v32+s3+$0x0], $0xffff;
	v13 =	vmul.f32 $2.560000000e+02, v13;
	v14 =	vmul.f32 $4.096000000e+03, v14  }
0x12a: {  	v34 =	vld.idx.msk [tilespmem:v34+s3+$0x0], $0xffff;
	v15 =	vmul.f32 $2.560000000e+02, v15;
	v16 =	vmul.f32 $4.096000000e+03, v16  }
0x12b: {  	v35 =	vld.idx.msk [tilespmem:v35+s3+$0x0], $0xffff;
	v17 =	vmul.f32 $2.560000000e+02, v17;
	v18 =	vmul.f32 $4.096000000e+03, v18  }
0x12c: {  	v19 =	vmul.f32 $4.096000000e+03, v19;
	v20 =	vmul.f32 $2.560000000e+02, v20  }
0x12d: {  	v21 =	vmul.f32 $4.096000000e+03, v21;
	v22 =	vmul.f32 $2.560000000e+02, v22  }
0x12e: {  	v23 =	vmul.f32 $4.096000000e+03, v23;
	v24 =	vmul.f32 $2.560000000e+02, v24  }
0x12f: {  	v29 =	vmul.f32 $4.096000000e+03, v29;
	v32 =	vmul.f32 $2.560000000e+02, v32  }
0x130: {  	v54 =	vmul.f32 $4.096000000e+03, v34;
	v55 =	vmul.f32 $2.560000000e+02, v35  }
0x131: {  	s0 =	simm.s32 $0x100;
	v9 =	vtrunc.f32 v9;
	v10 =	vtrunc.f32 v10  }
0x132: {  	v25 =	vor.u32 s0, v3;
	v11 =	vtrunc.f32 v11;
	v12 =	vtrunc.f32 v12  }
0x133: {  	v13 =	vtrunc.f32 v13;
	v14 =	vtrunc.f32 v14  }
0x134: {  	s2 =	simm.s32 $0x180;
	v15 =	vtrunc.f32 v15;
	v16 =	vtrunc.f32 v16  }
0x135: {  	v27 =	vor.u32 s2, v1;
	v17 =	vtrunc.f32 v17;
	v18 =	vtrunc.f32 v18  }
0x136: {  	s4 =	simm.s32 $0x1A0;
	v28 =	vor.u32 s2, v2;
	v10 =	vcvt.f32.s32 v10;
	v11 =	vcvt.f32.s32 v11  }
0x137: {  	v30 =	vor.u32 s4, v3;
	v25 =	vld.idx.msk [tilespmem:v25+s3+$0x0], $0xffff;
	v19 =	vtrunc.f32 v19;
	v20 =	vtrunc.f32 v20  }
0x138: {  	v21 =	vtrunc.f32 v21;
	v10 =	vand.u32 $0xF00, v10;
	v11 =	vand.u32 $0xF0, v11  }
0x139: {  	v22 =	vtrunc.f32 v22;
	v23 =	vtrunc.f32 v23;
	v10 =	vor.u32 v11, v10  }
0x13a: {  	v11 =	vcvt.f32.s32 v12;
	v12 =	vcvt.f32.s32 v13;
	v13 =	vor.u32 v0, v10  }
0x13b: {  	v10 =	vcvt.f32.s32 v14;
	v14 =	vcvt.f32.s32 v15;
	v15 =	vor.u32 s0, v2  }
0x13c: {  	v31 =	vor.u32 s4, v4;
	v24 =	vtrunc.f32 v24;
	v25 =	vmul.f32 $4.096000000e+03, v25  }
0x13d: {  	v26 =	vor.u32 s0, v4;
	v16 =	vcvt.f32.s32 v16;
	v17 =	vcvt.f32.s32 v17  }
0x13e: {  	v33 =	vor.u32 s0, v5;
	v28 =	vld.idx.msk [tilespmem:v28+s3+$0x0], $0xffff;
	v18 =	vcvt.f32.s32 v18;
	v9 =	vcvt.f32.s32 v9  }
0x13f: {  	v36 =	vor.u32 s0, v6;
	v30 =	vld.idx.msk [tilespmem:v30+s3+$0x0], $0xffff;
	v19 =	vcvt.f32.s32 v19;
	v20 =	vcvt.f32.s32 v20  }
0x140: {  	v37 =	vor.u32 s0, v7;
	v21 =	vcvt.f32.s32 v21;
	v22 =	vcvt.f32.s32 v22;
	v15 =	vld.idx.msk [tilespmem:v15+s3+$0x0], $0xffff  }
0x141: {  	v38 =	vor.u32 s0, v8;
	v31 =	vld.idx.msk [tilespmem:v31+s3+$0x0], $0xffff;
	v23 =	vcvt.f32.s32 v23;
	v24 =	vcvt.f32.s32 v24  }
0x142: {  	v27 =	vld.idx.msk [tilespmem:v27+s3+$0x0], $0xffff;
	v18 =	vand.u32 $0xF00, v18;
	v16 =	vand.u32 $0xF00, v16;
	v17 =	vand.u32 $0xF0, v17  }
0x143: {  	v39 =	vand.u32 $0xF0, v9;
	v11 =	vand.u32 $0xF00, v11;
	v12 =	vand.u32 $0xF0, v12  }
0x144: {  	v11 =	vor.u32 v12, v11;
	v10 =	vand.u32 $0xF00, v10;
	v14 =	vand.u32 $0xF0, v14  }
0x145: {  	v14 =	vor.u32 v14, v10;
	v10 =	vld.idx.msk [tilespmem:v26+s3+$0x0], $0xffff;
	v26 =	vmul.f32 $2.560000000e+02, v28;
	v15 =	vmul.f32 $2.560000000e+02, v15  }
0x146: {  	v28 =	vmul.f32 $4.096000000e+03, v30;
	v30 =	vor.u32 v17, v16;
	v17 =	vmul.f32 $2.560000000e+02, v31  }
0x147: {  	v12 =	vor.u32 s0, v1;
	v9 =	vtrunc.f32 v15;
	v15 =	vmul.f32 $4.096000000e+03, v27  }
0x148: {  	v19 =	vand.u32 $0xF00, v19;
	v31 =	vld.idx.msk [tilespmem:v36+s3+$0x0], $0xffff;
	v27 =	vtrunc.f32 v29;
	v29 =	vtrunc.f32 v32  }
0x149: {  	v21 =	vand.u32 $0xF00, v21;
	v27 =	vcvt.f32.s32 v27;
	v29 =	vcvt.f32.s32 v29  }
0x14a: {  	v22 =	vand.u32 $0xF0, v22;
	v23 =	vand.u32 $0xF00, v23;
	v24 =	vand.u32 $0xF0, v24;
	v16 =	vld.idx.msk [tilespmem:v33+s3+$0x0], $0xffff  }
0x14b: {  	v21 =	vor.u32 v22, v21;
	v27 =	vand.u32 $0xF00, v27;
	v29 =	vand.u32 $0xF0, v29  }
0x14c: {  	v58 =	vtrunc.f32 v26;
	v60 =	vtrunc.f32 v28;
	v12 =	vld.idx.msk [tilespmem:v12+s3+$0x0], $0xffff;
	v27 =	vor.u32 v29, v27  }
0x14d: {  	v22 =	vmul.f32 $2.560000000e+02, v31;
	v31 =	vor.u32 v24, v23;
	v23 =	vld.idx.msk [tilespmem:v13+s21+$0x0], $0xffff;
	v27 =	vor.u32 v0, v27  }
0x14e: {  	v20 =	vand.u32 $0xF0, v20;
	v61 =	vtrunc.f32 v17;
	v59 =	vmul.f32 $2.560000000e+02, v10;
	v29 =	vld.idx.msk [tilespmem:v37+s3+$0x0], $0xffff  }
0x14f: {  	v57 =	vld.idx.msk [tilespmem:v38+s3+$0x0], $0xffff;
	v19 =	vor.u32 v20, v19;
	v20 =	vmul.f32 $4.096000000e+03, v16;
	v10 =	vtrunc.f32 v54  }
0x150: {  	v62 =	vor.u32 v0, v11;
	v16 =	vtrunc.f32 v25;
	v25 =	vcvt.f32.s32 v60  }
0x151: {  	v63 =	vor.u32 v0, v14;
	v17 =	vtrunc.f32 v59;
	v13 =	vtrunc.f32 v20  }
0x152: {  	s1 =	simm.s32 $0x8040;
	v26 =	vor.u32 v39, v18;
	v14 =	vtrunc.f32 v22;
	v12 =	vmul.f32 $4.096000000e+03, v12;
	v27 =	vld.idx.msk [tilespmem:v27+s21+$0x0], $0xffff  }
0x153: {  	v28 =	vor.u32 v0, v30;
	[tilespmem:s1+$0x30] =	vst v23;
	v23 =	vcvt.f32.s32 v58;
	v24 =	vmul.f32 $4.096000000e+03, v29  }
0x154: {  	v26 =	vor.u32 v0, v26;
	v18 =	vtrunc.f32 v12;
	v12 =	vmul.f32 $2.560000000e+02, v57  }
0x155: {  	v56 =	vtrunc.f32 v15;
	v11 =	vtrunc.f32 v24;
	v24 =	vor.u32 v0, v19  }
0x156: {  	s31 =	simm.s32 $0x80C0;
	v21 =	vor.u32 v0, v21;
	v20 =	vld.idx.msk [tilespmem:v62+s21+$0x0], $0xffff;
	v15 =	vtrunc.f32 v55;
	v12 =	vtrunc.f32 v12  }
0x157: {  	s2 =	simm.s32 $0x200;
	s0 =	simm.s32 $0x8;
	v22 =	vld.idx.msk [tilespmem:v63+s21+$0x0], $0xffff;
	v29 =	vcvt.f32.s32 v56;
	v19 =	vcvt.f32.s32 v61;
	[tilespmem:s31+$0x30] =	vst v27;
	v27 =	vor.u32 v0, v31  }
.LBB2_6:
0x158: {  	v30 =	vor.u32 s2, v2;
	v31 =	vor.u32 s2, v3;
	v32 =	vor.u32 s2, v4;
	s4 =	sadd.s32 $0x80, s2;
	s5 =	sadd.s32 $0xA0, s2;
	s6 =	sadd.s32 $0xE0, s2;
	v28 =	vld.idx.msk [tilespmem:v28+s21+$0x0], $0xffff  }
0x159: {  	s0 =	sadd.s32 $0x8, s0;
	v33 =	vor.u32 s4, v1;
	v34 =	vor.u32 s4, v2;
	s4 =	sadd.s32 $0xC0, s2;
	v35 =	vor.u32 s6, v7;
	v26 =	vld.idx.msk [tilespmem:v26+s21+$0x0], $0xffff  }
0x15a: {  	v36 =	vor.u32 s5, v3;
	v37 =	vor.u32 s5, v4;
	v38 =	vor.u32 s6, v8;
	p0 =	slt.u32 s0, $0x1F8;
	v24 =	vld.idx.msk [tilespmem:v24+s21+$0x0], $0xffff  }
0x15b: {  	v39 =	vor.u32 s2, v5;
	v40 =	vor.u32 s4, v5;
	v41 =	vor.u32 s4, v6;
	v21 =	vld.idx.msk [tilespmem:v21+s21+$0x0], $0xffff  }
0x15c: {  	v42 =	vor.u32 s2, v6;
	v43 =	vor.u32 s2, v7;
	v44 =	vor.u32 s2, v8;
	v27 =	vld.idx.msk [tilespmem:v27+s21+$0x0], $0xffff;
	[tilespmem:s1+$0x0] =	vst v20  }
0x15d: {  	v10 =	vcvt.f32.s32 v10;
	v15 =	vcvt.f32.s32 v15;
	v20 =	vor.u32 s2, v1;
	v30 =	vld.idx.msk [tilespmem:v30+s3+$0x0], $0xffff;
	[tilespmem:s1+$0x10] =	vst v22  }
0x15e: {  	v18 =	vcvt.f32.s32 v18;
	v9 =	vcvt.f32.s32 v9;
	v29 =	vand.u32 $0xF00, v29;
	v22 =	vld.idx.msk [tilespmem:v35+s3+$0x0], $0xffff;
	[tilespmem:s1+$0x20] =	vst v28  }
0x15f: {  	v16 =	vcvt.f32.s32 v16;
	v17 =	vcvt.f32.s32 v17;
	v23 =	vand.u32 $0xF0, v23;
	v28 =	vld.idx.msk [tilespmem:v38+s3+$0x0], $0xffff;
	[tilespmem:s1+$0xFFFFFFC0] =	vst v26  }
0x160: {  	v13 =	vcvt.f32.s32 v13;
	v14 =	vcvt.f32.s32 v14;
	v25 =	vand.u32 $0xF00, v25;
	v26 =	vld.idx.msk [tilespmem:v33+s3+$0x0], $0xffff;
	[tilespmem:s1+$0xFFFFFFD0] =	vst v24  }
0x161: {  	v11 =	vcvt.f32.s32 v11;
	v12 =	vcvt.f32.s32 v12;
	v19 =	vand.u32 $0xF0, v19;
	v24 =	vld.idx.msk [tilespmem:v34+s3+$0x0], $0xffff;
	[tilespmem:s1+$0xFFFFFFE0] =	vst v21  }
0x162: {  	v18 =	vand.u32 $0xF00, v18;
	v10 =	vand.u32 $0xF00, v10;
	v15 =	vand.u32 $0xF0, v15;
	v21 =	vld.idx.msk [tilespmem:v36+s3+$0x0], $0xffff;
	[tilespmem:s1+$0xFFFFFFF0] =	vst v27;
	s1 =	smov.u32 s31  }
0x163: {  	v16 =	vand.u32 $0xF00, v16;
	v33 =	vand.u32 $0xF0, v9;
	v27 =	vmul.f32 $2.560000000e+02, v30;
	v30 =	vld.idx.msk [tilespmem:v37+s3+$0x0], $0xffff  }
0x164: {  	v17 =	vand.u32 $0xF0, v17;
	v13 =	vand.u32 $0xF00, v13;
	v14 =	vand.u32 $0xF0, v14;
	v34 =	vld.idx.msk [tilespmem:v40+s3+$0x0], $0xffff  }
0x165: {  	v11 =	vand.u32 $0xF00, v11;
	v22 =	vmul.f32 $4.096000000e+03, v22;
	v28 =	vmul.f32 $2.560000000e+02, v28;
	v35 =	vld.idx.msk [tilespmem:v41+s3+$0x0], $0xffff  }
0x166: {  	v12 =	vand.u32 $0xF0, v12;
	v9 =	vtrunc.f32 v27;
	v26 =	vmul.f32 $4.096000000e+03, v26;
	v20 =	vld.idx.msk [tilespmem:v20+s3+$0x0], $0xffff  }
0x167: {  	v23 =	vor.u32 v23, v29;
	v22 =	vtrunc.f32 v22;
	v28 =	vtrunc.f32 v28;
	v27 =	vld.idx.msk [tilespmem:v31+s3+$0x0], $0xffff  }
0x168: {  	v19 =	vor.u32 v19, v25;
	v22 =	vcvt.f32.s32 v22;
	v28 =	vcvt.f32.s32 v28;
	v29 =	vld.idx.msk [tilespmem:v32+s3+$0x0], $0xffff  }
0x169: {  	v24 =	vmul.f32 $2.560000000e+02, v24;
	v21 =	vmul.f32 $4.096000000e+03, v21;
	v31 =	vor.u32 v15, v10;
	v25 =	vld.idx.msk [tilespmem:v39+s3+$0x0], $0xffff  }
0x16a: {  	v15 =	vmul.f32 $2.560000000e+02, v30;
	v22 =	vand.u32 $0xF00, v22;
	v28 =	vand.u32 $0xF0, v28;
	v10 =	vld.idx.msk [tilespmem:v42+s3+$0x0], $0xffff  }
0x16b: {  	v32 =	vmul.f32 $4.096000000e+03, v34;
	v34 =	vmul.f32 $2.560000000e+02, v35;
	v22 =	vor.u32 v28, v22;
	v30 =	vld.idx.msk [tilespmem:v43+s3+$0x0], $0xffff  }
0x16c: {  	v35 =	vtrunc.f32 v26;
	v20 =	vmul.f32 $4.096000000e+03, v20;
	v22 =	vor.u32 v0, v22;
	v28 =	vld.idx.msk [tilespmem:v44+s3+$0x0], $0xffff  }
0x16d: {  	v26 =	vmul.f32 $4.096000000e+03, v27;
	v27 =	vtrunc.f32 v24;
	v24 =	vor.u32 v33, v18  }
0x16e: {  	v33 =	vtrunc.f32 v21;
	v21 =	vor.u32 v17, v16;
	v29 =	vmul.f32 $2.560000000e+02, v29  }
0x16f: {  	v37 =	vor.u32 v14, v13;
	v36 =	vtrunc.f32 v15;
	v25 =	vmul.f32 $4.096000000e+03, v25  }
0x170: {  	v14 =	vmul.f32 $2.560000000e+02, v10;
	v10 =	vtrunc.f32 v32;
	v32 =	vor.u32 v12, v11  }
0x171: {  	v15 =	vtrunc.f32 v34;
	v11 =	vmul.f32 $4.096000000e+03, v30;
	v30 =	vor.u32 v0, v23;
	v22 =	vld.idx.msk [tilespmem:v22+s21+$0x0], $0xffff  }
0x172: {  	v34 =	vor.u32 v0, v19;
	v18 =	vtrunc.f32 v20;
	v12 =	vmul.f32 $2.560000000e+02, v28  }
.Ltmp2:
0x173: {  	v16 =	vtrunc.f32 v26;
	v17 =	vtrunc.f32 v29;
	v28 =	vor.u32 v0, v31;
	(pc) =	sbr.rel @p0 .LBB2_6-.Ltmp2, $4  }
0x174: {  	v26 =	vor.u32 v0, v24;
	v13 =	vtrunc.f32 v25;
	v14 =	vtrunc.f32 v14  }
0x175: {  	v24 =	vor.u32 v0, v21;
	v11 =	vtrunc.f32 v11;
	v12 =	vtrunc.f32 v12  }
0x176: {  	s31 =	sadd.s32 $0x80, s31;
	v21 =	vor.u32 v0, v37;
	v29 =	vcvt.f32.s32 v35;
	v23 =	vcvt.f32.s32 v27;
	v20 =	vld.idx.msk [tilespmem:v30+s21+$0x0], $0xffff  }
0x177: {  	s2 =	sadd.s32 $0x100, s2;
	v19 =	vcvt.f32.s32 v36;
	v25 =	vcvt.f32.s32 v33;
	v27 =	vor.u32 v0, v32;
	[tilespmem:s31+$0x30] =	vst v22;
	v22 =	vld.idx.msk [tilespmem:v34+s21+$0x0], $0xffff  }
0x178: {  	v10 =	vcvt.f32.s32 v10  }
0x179: {  	v15 =	vcvt.f32.s32 v15;
	v18 =	vcvt.f32.s32 v18  }
0x17a: {  	v9 =	vcvt.f32.s32 v9;
	v16 =	vcvt.f32.s32 v16  }
0x17b: {  	v29 =	vand.u32 $0xF00, v29;
	v17 =	vcvt.f32.s32 v17;
	v13 =	vcvt.f32.s32 v13  }
0x17c: {  	v23 =	vand.u32 $0xF0, v23;
	v14 =	vcvt.f32.s32 v14;
	v11 =	vcvt.f32.s32 v11  }
0x17d: {  	v12 =	vcvt.f32.s32 v12;
	v25 =	vand.u32 $0xF00, v25;
	v19 =	vand.u32 $0xF0, v19  }
0x17e: {  	v23 =	vor.u32 v23, v29;
	v18 =	vand.u32 $0xF00, v18;
	v10 =	vand.u32 $0xF00, v10  }
0x17f: {  	v15 =	vand.u32 $0xF0, v15;
	v9 =	vand.u32 $0xF0, v9;
	v16 =	vand.u32 $0xF00, v16  }
0x180: {  	v28 =	vld.idx.msk [tilespmem:v28+s21+$0x0], $0xffff;
	v17 =	vand.u32 $0xF0, v17;
	v19 =	vor.u32 v19, v25;
	v23 =	vor.u32 v0, v23  }
0x181: {  	v25 =	vld.idx.msk [tilespmem:v26+s21+$0x0], $0xffff;
	v13 =	vand.u32 $0xF00, v13;
	v10 =	vor.u32 v15, v10;
	v15 =	vor.u32 v0, v19  }
0x182: {  	v14 =	vand.u32 $0xF0, v14;
	v19 =	vld.idx.msk [tilespmem:v24+s21+$0x0], $0xffff;
	v9 =	vor.u32 v9, v18;
	v10 =	vor.u32 v0, v10  }
0x183: {  	v11 =	vand.u32 $0xF00, v11;
	v18 =	vld.idx.msk [tilespmem:v21+s21+$0x0], $0xffff;
	[tilespmem:s1+$0x0] =	vst v20;
	v16 =	vor.u32 v17, v16;
	v9 =	vor.u32 v0, v9  }
0x184: {  	v12 =	vand.u32 $0xF0, v12;
	v17 =	vld.idx.msk [tilespmem:v27+s21+$0x0], $0xffff;
	v13 =	vor.u32 v14, v13;
	[tilespmem:s1+$0x10] =	vst v22;
	v14 =	vor.u32 v0, v16  }
0x185: {  	v11 =	vor.u32 v12, v11;
	v12 =	vor.u32 v0, v13;
	[tilespmem:s1+$0x20] =	vst v28;
	v13 =	vld.idx.msk [tilespmem:v23+s21+$0x0], $0xffff  }
0x186: {  	v11 =	vor.u32 v0, v11;
	[tilespmem:s1+$0xFFFFFFC0] =	vst v25;
	v15 =	vld.idx.msk [tilespmem:v15+s21+$0x0], $0xffff  }
0x187: {  	[tilespmem:s1+$0xFFFFFFD0] =	vst v19;
	v10 =	vld.idx.msk [tilespmem:v10+s21+$0x0], $0xffff  }
0x188: {  	[tilespmem:s1+$0xFFFFFFE0] =	vst v18;
	v9 =	vld.idx.msk [tilespmem:v9+s21+$0x0], $0xffff  }
0x189: {  	[tilespmem:s1+$0xFFFFFFF0] =	vst v17;
	v14 =	vld.idx.msk [tilespmem:v14+s21+$0x0], $0xffff  }
0x18a: {  	v12 =	vld.idx.msk [tilespmem:v12+s21+$0x0], $0xffff;
	[tilespmem:s31+$0x0] =	vst v13  }
0x18b: {  	v11 =	vld.idx.msk [tilespmem:v11+s21+$0x0], $0xffff;
	[tilespmem:s31+$0x10] =	vst v15  }
0x18c: {  	[tilespmem:s31+$0x20] =	vst v10  }
0x18d: {  	[tilespmem:s31+$0xFFFFFFC0] =	vst v9  }
0x18e: {  	[tilespmem:s31+$0xFFFFFFD0] =	vst v14  }
0x18f: {  	[tilespmem:s31+$0xFFFFFFE0] =	vst v12  }
0x190: {  	s0 =	simm.s32 $0x0;
	[tilespmem:s31+$0xFFFFFFF0] =	vst v11  }
0x191: {  	[hbm4b:s10+s0] =	stream.linear.scatter [tilespmem:s25], [sflag:$0x2], $0x2000, $0x38;
	[tilespmem:$0xD000] =	vst v63  }
0x192: {  	_ =	swait.ge [sflag:s23], $0x4000  }
0x193: {  	[sflag:s23] =	ssyncset.done $0x0  }
0x194: {  	s4 =	simm.s32 $0xE0;
	v9 =	vor.u32 s0, v2;
	[sflag:s23] =	ssyncadd.s32 $0xFFFFC000  }
0x195: {  	v10 =	vor.u32 s4, v7;
	[tilespmem:s0], [sflag:$0x1] =	stream.linear.gather [hbm4b:s11+s0], $0x4000, $0x38;
	[tilespmem:$0xD000] =	vst v63  }
0x196: {  	s2 =	simm.s32 $0x80;
	v11 =	vor.u32 s4, v8;
	_ =	swait.ge [sflag:s29], $0x2000  }
0x197: {  	v12 =	vor.u32 s2, v1;
	[sflag:s29] =	ssyncset.done $0x0  }
0x198: {  	s5 =	simm.s32 $0xA0;
	v13 =	vor.u32 s2, v2;
	[sflag:s29] =	ssyncadd.s32 $0xFFFFE000  }
0x199: {  	v14 =	vor.u32 s5, v3;
	v9 =	vld.idx.msk [tilespmem:v9+s24+$0x0], $0xffff  }
0x19a: {  	s6 =	simm.s32 $0xC0;
	v15 =	vor.u32 s5, v4;
	v10 =	vld.idx.msk [tilespmem:v10+s24+$0x0], $0xffff  }
0x19b: {  	v16 =	vor.u32 s6, v5;
	v11 =	vld.idx.msk [tilespmem:v11+s24+$0x0], $0xffff  }
0x19c: {  	v17 =	vor.u32 s6, v6;
	v12 =	vld.idx.msk [tilespmem:v12+s24+$0x0], $0xffff  }
0x19d: {  	v18 =	vor.u32 s0, v1;
	v13 =	vld.idx.msk [tilespmem:v13+s24+$0x0], $0xffff  }
0x19e: {  	v19 =	vor.u32 s0, v3;
	v14 =	vld.idx.msk [tilespmem:v14+s24+$0x0], $0xffff  }
0x19f: {  	v20 =	vor.u32 s0, v4;
	v15 =	vld.idx.msk [tilespmem:v15+s24+$0x0], $0xffff  }
0x1a0: {  	v21 =	vor.u32 s0, v5;
	v16 =	vld.idx.msk [tilespmem:v16+s24+$0x0], $0xffff  }
0x1a1: {  	v22 =	vor.u32 s0, v6;
	v17 =	vld.idx.msk [tilespmem:v17+s24+$0x0], $0xffff  }
0x1a2: {  	v23 =	vor.u32 s0, v7;
	v18 =	vld.idx.msk [tilespmem:v18+s24+$0x0], $0xffff  }
0x1a3: {  	v24 =	vor.u32 s0, v8;
	s5 =	simm.s32 $0x1E0;
	v19 =	vld.idx.msk [tilespmem:v19+s24+$0x0], $0xffff  }
0x1a4: {  	v29 =	vor.u32 s5, v7;
	v20 =	vld.idx.msk [tilespmem:v20+s24+$0x0], $0xffff  }
0x1a5: {  	s6 =	simm.s32 $0x1C0;
	v32 =	vor.u32 s5, v8;
	v21 =	vld.idx.msk [tilespmem:v21+s24+$0x0], $0xffff  }
0x1a6: {  	v34 =	vor.u32 s6, v5;
	v22 =	vld.idx.msk [tilespmem:v22+s24+$0x0], $0xffff  }
0x1a7: {  	v35 =	vor.u32 s6, v6;
	v23 =	vld.idx.msk [tilespmem:v23+s24+$0x0], $0xffff  }
0x1a8: {  	v24 =	vld.idx.msk [tilespmem:v24+s24+$0x0], $0xffff;
	v9 =	vmul.f32 $2.560000000e+02, v9;
	v10 =	vmul.f32 $4.096000000e+03, v10  }
0x1a9: {  	v29 =	vld.idx.msk [tilespmem:v29+s24+$0x0], $0xffff;
	v11 =	vmul.f32 $2.560000000e+02, v11;
	v12 =	vmul.f32 $4.096000000e+03, v12  }
0x1aa: {  	v32 =	vld.idx.msk [tilespmem:v32+s24+$0x0], $0xffff;
	v13 =	vmul.f32 $2.560000000e+02, v13;
	v14 =	vmul.f32 $4.096000000e+03, v14  }
0x1ab: {  	v34 =	vld.idx.msk [tilespmem:v34+s24+$0x0], $0xffff;
	v15 =	vmul.f32 $2.560000000e+02, v15;
	v16 =	vmul.f32 $4.096000000e+03, v16  }
0x1ac: {  	v35 =	vld.idx.msk [tilespmem:v35+s24+$0x0], $0xffff;
	v17 =	vmul.f32 $2.560000000e+02, v17;
	v18 =	vmul.f32 $4.096000000e+03, v18  }
0x1ad: {  	v19 =	vmul.f32 $4.096000000e+03, v19;
	v20 =	vmul.f32 $2.560000000e+02, v20  }
0x1ae: {  	v21 =	vmul.f32 $4.096000000e+03, v21;
	v22 =	vmul.f32 $2.560000000e+02, v22  }
0x1af: {  	v23 =	vmul.f32 $4.096000000e+03, v23;
	v24 =	vmul.f32 $2.560000000e+02, v24  }
0x1b0: {  	v29 =	vmul.f32 $4.096000000e+03, v29;
	v32 =	vmul.f32 $2.560000000e+02, v32  }
0x1b1: {  	v54 =	vmul.f32 $4.096000000e+03, v34;
	v55 =	vmul.f32 $2.560000000e+02, v35  }
0x1b2: {  	s0 =	simm.s32 $0x100;
	v9 =	vtrunc.f32 v9;
	v10 =	vtrunc.f32 v10  }
0x1b3: {  	v25 =	vor.u32 s0, v3;
	v11 =	vtrunc.f32 v11;
	v12 =	vtrunc.f32 v12  }
0x1b4: {  	v13 =	vtrunc.f32 v13;
	v14 =	vtrunc.f32 v14  }
0x1b5: {  	s2 =	simm.s32 $0x180;
	v15 =	vtrunc.f32 v15;
	v16 =	vtrunc.f32 v16  }
0x1b6: {  	v27 =	vor.u32 s2, v1;
	v17 =	vtrunc.f32 v17;
	v18 =	vtrunc.f32 v18  }
0x1b7: {  	s4 =	simm.s32 $0x1A0;
	v28 =	vor.u32 s2, v2;
	v10 =	vcvt.f32.s32 v10;
	v11 =	vcvt.f32.s32 v11  }
0x1b8: {  	v30 =	vor.u32 s4, v3;
	v25 =	vld.idx.msk [tilespmem:v25+s24+$0x0], $0xffff;
	v19 =	vtrunc.f32 v19;
	v20 =	vtrunc.f32 v20  }
0x1b9: {  	v21 =	vtrunc.f32 v21;
	v10 =	vand.u32 $0xF00, v10;
	v11 =	vand.u32 $0xF0, v11  }
0x1ba: {  	v22 =	vtrunc.f32 v22;
	v23 =	vtrunc.f32 v23;
	v10 =	vor.u32 v11, v10  }
0x1bb: {  	v11 =	vcvt.f32.s32 v12;
	v12 =	vcvt.f32.s32 v13;
	v13 =	vor.u32 v0, v10  }
0x1bc: {  	v10 =	vcvt.f32.s32 v14;
	v14 =	vcvt.f32.s32 v15;
	v15 =	vor.u32 s0, v2  }
0x1bd: {  	v31 =	vor.u32 s4, v4;
	v24 =	vtrunc.f32 v24;
	v25 =	vmul.f32 $4.096000000e+03, v25  }
0x1be: {  	v26 =	vor.u32 s0, v4;
	v16 =	vcvt.f32.s32 v16;
	v17 =	vcvt.f32.s32 v17  }
0x1bf: {  	v33 =	vor.u32 s0, v5;
	v28 =	vld.idx.msk [tilespmem:v28+s24+$0x0], $0xffff;
	v18 =	vcvt.f32.s32 v18;
	v9 =	vcvt.f32.s32 v9  }
0x1c0: {  	v36 =	vor.u32 s0, v6;
	v30 =	vld.idx.msk [tilespmem:v30+s24+$0x0], $0xffff;
	v19 =	vcvt.f32.s32 v19;
	v20 =	vcvt.f32.s32 v20  }
0x1c1: {  	v37 =	vor.u32 s0, v7;
	v21 =	vcvt.f32.s32 v21;
	v22 =	vcvt.f32.s32 v22;
	v15 =	vld.idx.msk [tilespmem:v15+s24+$0x0], $0xffff  }
0x1c2: {  	v38 =	vor.u32 s0, v8;
	v31 =	vld.idx.msk [tilespmem:v31+s24+$0x0], $0xffff;
	v23 =	vcvt.f32.s32 v23;
	v24 =	vcvt.f32.s32 v24  }
0x1c3: {  	v27 =	vld.idx.msk [tilespmem:v27+s24+$0x0], $0xffff;
	v18 =	vand.u32 $0xF00, v18;
	v16 =	vand.u32 $0xF00, v16;
	v17 =	vand.u32 $0xF0, v17  }
0x1c4: {  	v39 =	vand.u32 $0xF0, v9;
	v11 =	vand.u32 $0xF00, v11;
	v12 =	vand.u32 $0xF0, v12  }
0x1c5: {  	v11 =	vor.u32 v12, v11;
	v10 =	vand.u32 $0xF00, v10;
	v14 =	vand.u32 $0xF0, v14  }
0x1c6: {  	v14 =	vor.u32 v14, v10;
	v10 =	vld.idx.msk [tilespmem:v26+s24+$0x0], $0xffff;
	v26 =	vmul.f32 $2.560000000e+02, v28;
	v15 =	vmul.f32 $2.560000000e+02, v15  }
0x1c7: {  	v28 =	vmul.f32 $4.096000000e+03, v30;
	v30 =	vor.u32 v17, v16;
	v17 =	vmul.f32 $2.560000000e+02, v31  }
0x1c8: {  	v12 =	vor.u32 s0, v1;
	v9 =	vtrunc.f32 v15;
	v15 =	vmul.f32 $4.096000000e+03, v27  }
0x1c9: {  	v19 =	vand.u32 $0xF00, v19;
	v31 =	vld.idx.msk [tilespmem:v36+s24+$0x0], $0xffff;
	v27 =	vtrunc.f32 v29;
	v29 =	vtrunc.f32 v32  }
0x1ca: {  	v21 =	vand.u32 $0xF00, v21;
	v27 =	vcvt.f32.s32 v27;
	v29 =	vcvt.f32.s32 v29  }
0x1cb: {  	v22 =	vand.u32 $0xF0, v22;
	v23 =	vand.u32 $0xF00, v23;
	v24 =	vand.u32 $0xF0, v24;
	v16 =	vld.idx.msk [tilespmem:v33+s24+$0x0], $0xffff  }
0x1cc: {  	v21 =	vor.u32 v22, v21;
	v27 =	vand.u32 $0xF00, v27;
	v29 =	vand.u32 $0xF0, v29  }
0x1cd: {  	v58 =	vtrunc.f32 v26;
	v60 =	vtrunc.f32 v28;
	v12 =	vld.idx.msk [tilespmem:v12+s24+$0x0], $0xffff;
	v27 =	vor.u32 v29, v27  }
0x1ce: {  	v22 =	vmul.f32 $2.560000000e+02, v31;
	v31 =	vor.u32 v24, v23;
	v23 =	vld.idx.msk [tilespmem:v13+s21+$0x0], $0xffff;
	v27 =	vor.u32 v0, v27  }
0x1cf: {  	v20 =	vand.u32 $0xF0, v20;
	v61 =	vtrunc.f32 v17;
	v59 =	vmul.f32 $2.560000000e+02, v10;
	v29 =	vld.idx.msk [tilespmem:v37+s24+$0x0], $0xffff  }
0x1d0: {  	v57 =	vld.idx.msk [tilespmem:v38+s24+$0x0], $0xffff;
	v19 =	vor.u32 v20, v19;
	v20 =	vmul.f32 $4.096000000e+03, v16;
	v10 =	vtrunc.f32 v54  }
0x1d1: {  	v62 =	vor.u32 v0, v11;
	v16 =	vtrunc.f32 v25;
	v25 =	vcvt.f32.s32 v60  }
0x1d2: {  	v63 =	vor.u32 v0, v14;
	v17 =	vtrunc.f32 v59;
	v13 =	vtrunc.f32 v20  }
0x1d3: {  	s1 =	simm.s32 $0xA040;
	v26 =	vor.u32 v39, v18;
	v14 =	vtrunc.f32 v22;
	v12 =	vmul.f32 $4.096000000e+03, v12;
	v27 =	vld.idx.msk [tilespmem:v27+s21+$0x0], $0xffff  }
0x1d4: {  	v28 =	vor.u32 v0, v30;
	[tilespmem:s1+$0x30] =	vst v23;
	v23 =	vcvt.f32.s32 v58;
	v24 =	vmul.f32 $4.096000000e+03, v29  }
0x1d5: {  	v26 =	vor.u32 v0, v26;
	v18 =	vtrunc.f32 v12;
	v12 =	vmul.f32 $2.560000000e+02, v57  }
0x1d6: {  	v56 =	vtrunc.f32 v15;
	v11 =	vtrunc.f32 v24;
	v24 =	vor.u32 v0, v19  }
0x1d7: {  	s31 =	simm.s32 $0xA0C0;
	v21 =	vor.u32 v0, v21;
	v20 =	vld.idx.msk [tilespmem:v62+s21+$0x0], $0xffff;
	v15 =	vtrunc.f32 v55;
	v12 =	vtrunc.f32 v12  }
0x1d8: {  	s2 =	simm.s32 $0x200;
	s0 =	simm.s32 $0x8;
	v22 =	vld.idx.msk [tilespmem:v63+s21+$0x0], $0xffff;
	v29 =	vcvt.f32.s32 v56;
	v19 =	vcvt.f32.s32 v61;
	[tilespmem:s31+$0x30] =	vst v27;
	v27 =	vor.u32 v0, v31  }
.LBB2_8:
0x1d9: {  	v30 =	vor.u32 s2, v2;
	v31 =	vor.u32 s2, v3;
	v32 =	vor.u32 s2, v4;
	s4 =	sadd.s32 $0x80, s2;
	s5 =	sadd.s32 $0xA0, s2;
	s6 =	sadd.s32 $0xE0, s2;
	v28 =	vld.idx.msk [tilespmem:v28+s21+$0x0], $0xffff  }
0x1da: {  	s0 =	sadd.s32 $0x8, s0;
	v33 =	vor.u32 s4, v1;
	v34 =	vor.u32 s4, v2;
	s4 =	sadd.s32 $0xC0, s2;
	v35 =	vor.u32 s6, v7;
	v26 =	vld.idx.msk [tilespmem:v26+s21+$0x0], $0xffff  }
0x1db: {  	v36 =	vor.u32 s5, v3;
	v37 =	vor.u32 s5, v4;
	v38 =	vor.u32 s6, v8;
	p0 =	slt.u32 s0, $0x1F8;
	v24 =	vld.idx.msk [tilespmem:v24+s21+$0x0], $0xffff  }
0x1dc: {  	v39 =	vor.u32 s2, v5;
	v40 =	vor.u32 s4, v5;
	v41 =	vor.u32 s4, v6;
	v21 =	vld.idx.msk [tilespmem:v21+s21+$0x0], $0xffff  }
0x1dd: {  	v42 =	vor.u32 s2, v6;
	v43 =	vor.u32 s2, v7;
	v44 =	vor.u32 s2, v8;
	v27 =	vld.idx.msk [tilespmem:v27+s21+$0x0], $0xffff;
	[tilespmem:s1+$0x0] =	vst v20  }
0x1de: {  	v10 =	vcvt.f32.s32 v10;
	v15 =	vcvt.f32.s32 v15;
	v20 =	vor.u32 s2, v1;
	v30 =	vld.idx.msk [tilespmem:v30+s24+$0x0], $0xffff;
	[tilespmem:s1+$0x10] =	vst v22  }
0x1df: {  	v18 =	vcvt.f32.s32 v18;
	v9 =	vcvt.f32.s32 v9;
	v29 =	vand.u32 $0xF00, v29;
	v22 =	vld.idx.msk [tilespmem:v35+s24+$0x0], $0xffff;
	[tilespmem:s1+$0x20] =	vst v28  }
0x1e0: {  	v16 =	vcvt.f32.s32 v16;
	v17 =	vcvt.f32.s32 v17;
	v23 =	vand.u32 $0xF0, v23;
	v28 =	vld.idx.msk [tilespmem:v38+s24+$0x0], $0xffff;
	[tilespmem:s1+$0xFFFFFFC0] =	vst v26  }
0x1e1: {  	v13 =	vcvt.f32.s32 v13;
	v14 =	vcvt.f32.s32 v14;
	v25 =	vand.u32 $0xF00, v25;
	v26 =	vld.idx.msk [tilespmem:v33+s24+$0x0], $0xffff;
	[tilespmem:s1+$0xFFFFFFD0] =	vst v24  }
0x1e2: {  	v11 =	vcvt.f32.s32 v11;
	v12 =	vcvt.f32.s32 v12;
	v19 =	vand.u32 $0xF0, v19;
	v24 =	vld.idx.msk [tilespmem:v34+s24+$0x0], $0xffff;
	[tilespmem:s1+$0xFFFFFFE0] =	vst v21  }
0x1e3: {  	v18 =	vand.u32 $0xF00, v18;
	v10 =	vand.u32 $0xF00, v10;
	v15 =	vand.u32 $0xF0, v15;
	v21 =	vld.idx.msk [tilespmem:v36+s24+$0x0], $0xffff;
	[tilespmem:s1+$0xFFFFFFF0] =	vst v27;
	s1 =	smov.u32 s31  }
0x1e4: {  	v16 =	vand.u32 $0xF00, v16;
	v33 =	vand.u32 $0xF0, v9;
	v27 =	vmul.f32 $2.560000000e+02, v30;
	v30 =	vld.idx.msk [tilespmem:v37+s24+$0x0], $0xffff  }
0x1e5: {  	v17 =	vand.u32 $0xF0, v17;
	v13 =	vand.u32 $0xF00, v13;
	v14 =	vand.u32 $0xF0, v14;
	v34 =	vld.idx.msk [tilespmem:v40+s24+$0x0], $0xffff  }
0x1e6: {  	v11 =	vand.u32 $0xF00, v11;
	v22 =	vmul.f32 $4.096000000e+03, v22;
	v28 =	vmul.f32 $2.560000000e+02, v28;
	v35 =	vld.idx.msk [tilespmem:v41+s24+$0x0], $0xffff  }
0x1e7: {  	v12 =	vand.u32 $0xF0, v12;
	v9 =	vtrunc.f32 v27;
	v26 =	vmul.f32 $4.096000000e+03, v26;
	v20 =	vld.idx.msk [tilespmem:v20+s24+$0x0], $0xffff  }
0x1e8: {  	v23 =	vor.u32 v23, v29;
	v22 =	vtrunc.f32 v22;
	v28 =	vtrunc.f32 v28;
	v27 =	vld.idx.msk [tilespmem:v31+s24+$0x0], $0xffff  }
0x1e9: {  	v19 =	vor.u32 v19, v25;
	v22 =	vcvt.f32.s32 v22;
	v28 =	vcvt.f32.s32 v28;
	v29 =	vld.idx.msk [tilespmem:v32+s24+$0x0], $0xffff  }
0x1ea: {  	v24 =	vmul.f32 $2.560000000e+02, v24;
	v21 =	vmul.f32 $4.096000000e+03, v21;
	v31 =	vor.u32 v15, v10;
	v25 =	vld.idx.msk [tilespmem:v39+s24+$0x0], $0xffff  }
0x1eb: {  	v15 =	vmul.f32 $2.560000000e+02, v30;
	v22 =	vand.u32 $0xF00, v22;
	v28 =	vand.u32 $0xF0, v28;
	v10 =	vld.idx.msk [tilespmem:v42+s24+$0x0], $0xffff  }
0x1ec: {  	v32 =	vmul.f32 $4.096000000e+03, v34;
	v34 =	vmul.f32 $2.560000000e+02, v35;
	v22 =	vor.u32 v28, v22;
	v30 =	vld.idx.msk [tilespmem:v43+s24+$0x0], $0xffff  }
0x1ed: {  	v35 =	vtrunc.f32 v26;
	v20 =	vmul.f32 $4.096000000e+03, v20;
	v22 =	vor.u32 v0, v22;
	v28 =	vld.idx.msk [tilespmem:v44+s24+$0x0], $0xffff  }
0x1ee: {  	v26 =	vmul.f32 $4.096000000e+03, v27;
	v27 =	vtrunc.f32 v24;
	v24 =	vor.u32 v33, v18  }
0x1ef: {  	v33 =	vtrunc.f32 v21;
	v21 =	vor.u32 v17, v16;
	v29 =	vmul.f32 $2.560000000e+02, v29  }
0x1f0: {  	v37 =	vor.u32 v14, v13;
	v36 =	vtrunc.f32 v15;
	v25 =	vmul.f32 $4.096000000e+03, v25  }
0x1f1: {  	v14 =	vmul.f32 $2.560000000e+02, v10;
	v10 =	vtrunc.f32 v32;
	v32 =	vor.u32 v12, v11  }
0x1f2: {  	v15 =	vtrunc.f32 v34;
	v11 =	vmul.f32 $4.096000000e+03, v30;
	v30 =	vor.u32 v0, v23;
	v22 =	vld.idx.msk [tilespmem:v22+s21+$0x0], $0xffff  }
0x1f3: {  	v34 =	vor.u32 v0, v19;
	v18 =	vtrunc.f32 v20;
	v12 =	vmul.f32 $2.560000000e+02, v28  }
.Ltmp3:
0x1f4: {  	v16 =	vtrunc.f32 v26;
	v17 =	vtrunc.f32 v29;
	v28 =	vor.u32 v0, v31;
	(pc) =	sbr.rel @p0 .LBB2_8-.Ltmp3, $4  }
0x1f5: {  	v26 =	vor.u32 v0, v24;
	v13 =	vtrunc.f32 v25;
	v14 =	vtrunc.f32 v14  }
0x1f6: {  	v24 =	vor.u32 v0, v21;
	v11 =	vtrunc.f32 v11;
	v12 =	vtrunc.f32 v12  }
0x1f7: {  	s31 =	sadd.s32 $0x80, s31;
	v21 =	vor.u32 v0, v37;
	v29 =	vcvt.f32.s32 v35;
	v23 =	vcvt.f32.s32 v27;
	v20 =	vld.idx.msk [tilespmem:v30+s21+$0x0], $0xffff  }
0x1f8: {  	s2 =	sadd.s32 $0x100, s2;
	v19 =	vcvt.f32.s32 v36;
	v25 =	vcvt.f32.s32 v33;
	v27 =	vor.u32 v0, v32;
	[tilespmem:s31+$0x30] =	vst v22;
	v22 =	vld.idx.msk [tilespmem:v34+s21+$0x0], $0xffff  }
0x1f9: {  	v10 =	vcvt.f32.s32 v10  }
0x1fa: {  	v15 =	vcvt.f32.s32 v15;
	v18 =	vcvt.f32.s32 v18  }
0x1fb: {  	v9 =	vcvt.f32.s32 v9;
	v16 =	vcvt.f32.s32 v16  }
0x1fc: {  	v29 =	vand.u32 $0xF00, v29;
	v17 =	vcvt.f32.s32 v17;
	v13 =	vcvt.f32.s32 v13  }
0x1fd: {  	v23 =	vand.u32 $0xF0, v23;
	v14 =	vcvt.f32.s32 v14;
	v11 =	vcvt.f32.s32 v11  }
0x1fe: {  	v12 =	vcvt.f32.s32 v12;
	v25 =	vand.u32 $0xF00, v25;
	v19 =	vand.u32 $0xF0, v19  }
0x1ff: {  	v23 =	vor.u32 v23, v29;
	v18 =	vand.u32 $0xF00, v18;
	v10 =	vand.u32 $0xF00, v10  }
0x200: {  	v15 =	vand.u32 $0xF0, v15;
	v9 =	vand.u32 $0xF0, v9;
	v16 =	vand.u32 $0xF00, v16  }
0x201: {  	v28 =	vld.idx.msk [tilespmem:v28+s21+$0x0], $0xffff;
	v17 =	vand.u32 $0xF0, v17;
	v19 =	vor.u32 v19, v25;
	v23 =	vor.u32 v0, v23  }
0x202: {  	v25 =	vld.idx.msk [tilespmem:v26+s21+$0x0], $0xffff;
	v13 =	vand.u32 $0xF00, v13;
	v10 =	vor.u32 v15, v10;
	v15 =	vor.u32 v0, v19  }
0x203: {  	v14 =	vand.u32 $0xF0, v14;
	v19 =	vld.idx.msk [tilespmem:v24+s21+$0x0], $0xffff;
	v9 =	vor.u32 v9, v18;
	v10 =	vor.u32 v0, v10  }
0x204: {  	v11 =	vand.u32 $0xF00, v11;
	v18 =	vld.idx.msk [tilespmem:v21+s21+$0x0], $0xffff;
	[tilespmem:s1+$0x0] =	vst v20;
	v16 =	vor.u32 v17, v16;
	v9 =	vor.u32 v0, v9  }
0x205: {  	v12 =	vand.u32 $0xF0, v12;
	v17 =	vld.idx.msk [tilespmem:v27+s21+$0x0], $0xffff;
	v13 =	vor.u32 v14, v13;
	[tilespmem:s1+$0x10] =	vst v22;
	v14 =	vor.u32 v0, v16  }
0x206: {  	v11 =	vor.u32 v12, v11;
	v12 =	vor.u32 v0, v13;
	[tilespmem:s1+$0x20] =	vst v28;
	v13 =	vld.idx.msk [tilespmem:v23+s21+$0x0], $0xffff  }
0x207: {  	v11 =	vor.u32 v0, v11;
	[tilespmem:s1+$0xFFFFFFC0] =	vst v25;
	v15 =	vld.idx.msk [tilespmem:v15+s21+$0x0], $0xffff  }
0x208: {  	[tilespmem:s1+$0xFFFFFFD0] =	vst v19;
	v10 =	vld.idx.msk [tilespmem:v10+s21+$0x0], $0xffff  }
0x209: {  	[tilespmem:s1+$0xFFFFFFE0] =	vst v18;
	v9 =	vld.idx.msk [tilespmem:v9+s21+$0x0], $0xffff  }
0x20a: {  	[tilespmem:s1+$0xFFFFFFF0] =	vst v17;
	v14 =	vld.idx.msk [tilespmem:v14+s21+$0x0], $0xffff  }
0x20b: {  	v12 =	vld.idx.msk [tilespmem:v12+s21+$0x0], $0xffff;
	[tilespmem:s31+$0x0] =	vst v13  }
0x20c: {  	v11 =	vld.idx.msk [tilespmem:v11+s21+$0x0], $0xffff;
	[tilespmem:s31+$0x10] =	vst v15  }
0x20d: {  	[tilespmem:s31+$0x20] =	vst v10  }
0x20e: {  	[tilespmem:s31+$0xFFFFFFC0] =	vst v9  }
0x20f: {  	[tilespmem:s31+$0xFFFFFFD0] =	vst v14  }
0x210: {  	[tilespmem:s31+$0xFFFFFFE0] =	vst v12  }
0x211: {  	s0 =	simm.s32 $0x0;
	[tilespmem:s31+$0xFFFFFFF0] =	vst v11  }
0x212: {  	[hbm4b:s12+s0] =	stream.linear.scatter [tilespmem:s26], [sflag:$0x3], $0x2000, $0x38;
	[tilespmem:$0xD000] =	vst v63  }
0x213: {  	_ =	swait.ge [sflag:s23], $0x4000  }
0x214: {  	[sflag:s23] =	ssyncset.done $0x0  }
0x215: {  	s4 =	simm.s32 $0xE0;
	v9 =	vor.u32 s0, v2;
	[sflag:s23] =	ssyncadd.s32 $0xFFFFC000  }
0x216: {  	v10 =	vor.u32 s4, v7;
	[tilespmem:s24], [sflag:$0x1] =	stream.linear.gather [hbm4b:s13+s0], $0x4000, $0x38;
	[tilespmem:$0xD000] =	vst v63  }
0x217: {  	s2 =	simm.s32 $0x80;
	v11 =	vor.u32 s4, v8;
	_ =	swait.ge [sflag:s28], $0x2000  }
0x218: {  	v12 =	vor.u32 s2, v1;
	[sflag:s28] =	ssyncset.done $0x0  }
0x219: {  	s5 =	simm.s32 $0xA0;
	v13 =	vor.u32 s2, v2;
	[sflag:s28] =	ssyncadd.s32 $0xFFFFE000  }
0x21a: {  	v14 =	vor.u32 s5, v3;
	v9 =	vld.idx.msk [tilespmem:v9+s3+$0x0], $0xffff  }
0x21b: {  	s6 =	simm.s32 $0xC0;
	v15 =	vor.u32 s5, v4;
	v10 =	vld.idx.msk [tilespmem:v10+s3+$0x0], $0xffff  }
0x21c: {  	v16 =	vor.u32 s6, v5;
	v11 =	vld.idx.msk [tilespmem:v11+s3+$0x0], $0xffff  }
0x21d: {  	v17 =	vor.u32 s6, v6;
	v12 =	vld.idx.msk [tilespmem:v12+s3+$0x0], $0xffff  }
0x21e: {  	v18 =	vor.u32 s0, v1;
	v13 =	vld.idx.msk [tilespmem:v13+s3+$0x0], $0xffff  }
0x21f: {  	v19 =	vor.u32 s0, v3;
	v14 =	vld.idx.msk [tilespmem:v14+s3+$0x0], $0xffff  }
0x220: {  	v20 =	vor.u32 s0, v4;
	v15 =	vld.idx.msk [tilespmem:v15+s3+$0x0], $0xffff  }
0x221: {  	v21 =	vor.u32 s0, v5;
	v16 =	vld.idx.msk [tilespmem:v16+s3+$0x0], $0xffff  }
0x222: {  	v22 =	vor.u32 s0, v6;
	v17 =	vld.idx.msk [tilespmem:v17+s3+$0x0], $0xffff  }
0x223: {  	v23 =	vor.u32 s0, v7;
	v18 =	vld.idx.msk [tilespmem:v18+s3+$0x0], $0xffff  }
0x224: {  	v24 =	vor.u32 s0, v8;
	s5 =	simm.s32 $0x1E0;
	v19 =	vld.idx.msk [tilespmem:v19+s3+$0x0], $0xffff  }
0x225: {  	v29 =	vor.u32 s5, v7;
	v20 =	vld.idx.msk [tilespmem:v20+s3+$0x0], $0xffff  }
0x226: {  	s6 =	simm.s32 $0x1C0;
	v32 =	vor.u32 s5, v8;
	v21 =	vld.idx.msk [tilespmem:v21+s3+$0x0], $0xffff  }
0x227: {  	v34 =	vor.u32 s6, v5;
	v22 =	vld.idx.msk [tilespmem:v22+s3+$0x0], $0xffff  }
0x228: {  	v35 =	vor.u32 s6, v6;
	v23 =	vld.idx.msk [tilespmem:v23+s3+$0x0], $0xffff  }
0x229: {  	v24 =	vld.idx.msk [tilespmem:v24+s3+$0x0], $0xffff;
	v9 =	vmul.f32 $2.560000000e+02, v9;
	v10 =	vmul.f32 $4.096000000e+03, v10  }
0x22a: {  	v29 =	vld.idx.msk [tilespmem:v29+s3+$0x0], $0xffff;
	v11 =	vmul.f32 $2.560000000e+02, v11;
	v12 =	vmul.f32 $4.096000000e+03, v12  }
0x22b: {  	v32 =	vld.idx.msk [tilespmem:v32+s3+$0x0], $0xffff;
	v13 =	vmul.f32 $2.560000000e+02, v13;
	v14 =	vmul.f32 $4.096000000e+03, v14  }
0x22c: {  	v34 =	vld.idx.msk [tilespmem:v34+s3+$0x0], $0xffff;
	v15 =	vmul.f32 $2.560000000e+02, v15;
	v16 =	vmul.f32 $4.096000000e+03, v16  }
0x22d: {  	v35 =	vld.idx.msk [tilespmem:v35+s3+$0x0], $0xffff;
	v17 =	vmul.f32 $2.560000000e+02, v17;
	v18 =	vmul.f32 $4.096000000e+03, v18  }
0x22e: {  	v19 =	vmul.f32 $4.096000000e+03, v19;
	v20 =	vmul.f32 $2.560000000e+02, v20  }
0x22f: {  	v21 =	vmul.f32 $4.096000000e+03, v21;
	v22 =	vmul.f32 $2.560000000e+02, v22  }
0x230: {  	v23 =	vmul.f32 $4.096000000e+03, v23;
	v24 =	vmul.f32 $2.560000000e+02, v24  }
0x231: {  	v29 =	vmul.f32 $4.096000000e+03, v29;
	v32 =	vmul.f32 $2.560000000e+02, v32  }
0x232: {  	v54 =	vmul.f32 $4.096000000e+03, v34;
	v55 =	vmul.f32 $2.560000000e+02, v35  }
0x233: {  	s0 =	simm.s32 $0x100;
	v9 =	vtrunc.f32 v9;
	v10 =	vtrunc.f32 v10  }
0x234: {  	v25 =	vor.u32 s0, v3;
	v11 =	vtrunc.f32 v11;
	v12 =	vtrunc.f32 v12  }
0x235: {  	v13 =	vtrunc.f32 v13;
	v14 =	vtrunc.f32 v14  }
0x236: {  	s2 =	simm.s32 $0x180;
	v15 =	vtrunc.f32 v15;
	v16 =	vtrunc.f32 v16  }
0x237: {  	v27 =	vor.u32 s2, v1;
	v17 =	vtrunc.f32 v17;
	v18 =	vtrunc.f32 v18  }
0x238: {  	s4 =	simm.s32 $0x1A0;
	v28 =	vor.u32 s2, v2;
	v10 =	vcvt.f32.s32 v10;
	v11 =	vcvt.f32.s32 v11  }
0x239: {  	v30 =	vor.u32 s4, v3;
	v25 =	vld.idx.msk [tilespmem:v25+s3+$0x0], $0xffff;
	v19 =	vtrunc.f32 v19;
	v20 =	vtrunc.f32 v20  }
0x23a: {  	v21 =	vtrunc.f32 v21;
	v10 =	vand.u32 $0xF00, v10;
	v11 =	vand.u32 $0xF0, v11  }
0x23b: {  	v22 =	vtrunc.f32 v22;
	v23 =	vtrunc.f32 v23;
	v10 =	vor.u32 v11, v10  }
0x23c: {  	v11 =	vcvt.f32.s32 v12;
	v12 =	vcvt.f32.s32 v13;
	v13 =	vor.u32 v0, v10  }
0x23d: {  	v10 =	vcvt.f32.s32 v14;
	v14 =	vcvt.f32.s32 v15;
	v15 =	vor.u32 s0, v2  }
0x23e: {  	v31 =	vor.u32 s4, v4;
	v24 =	vtrunc.f32 v24;
	v25 =	vmul.f32 $4.096000000e+03, v25  }
0x23f: {  	v26 =	vor.u32 s0, v4;
	v16 =	vcvt.f32.s32 v16;
	v17 =	vcvt.f32.s32 v17  }
0x240: {  	v33 =	vor.u32 s0, v5;
	v28 =	vld.idx.msk [tilespmem:v28+s3+$0x0], $0xffff;
	v18 =	vcvt.f32.s32 v18;
	v9 =	vcvt.f32.s32 v9  }
0x241: {  	v36 =	vor.u32 s0, v6;
	v30 =	vld.idx.msk [tilespmem:v30+s3+$0x0], $0xffff;
	v19 =	vcvt.f32.s32 v19;
	v20 =	vcvt.f32.s32 v20  }
0x242: {  	v37 =	vor.u32 s0, v7;
	v21 =	vcvt.f32.s32 v21;
	v22 =	vcvt.f32.s32 v22;
	v15 =	vld.idx.msk [tilespmem:v15+s3+$0x0], $0xffff  }
0x243: {  	v38 =	vor.u32 s0, v8;
	v31 =	vld.idx.msk [tilespmem:v31+s3+$0x0], $0xffff;
	v23 =	vcvt.f32.s32 v23;
	v24 =	vcvt.f32.s32 v24  }
0x244: {  	v27 =	vld.idx.msk [tilespmem:v27+s3+$0x0], $0xffff;
	v18 =	vand.u32 $0xF00, v18;
	v16 =	vand.u32 $0xF00, v16;
	v17 =	vand.u32 $0xF0, v17  }
0x245: {  	v39 =	vand.u32 $0xF0, v9;
	v11 =	vand.u32 $0xF00, v11;
	v12 =	vand.u32 $0xF0, v12  }
0x246: {  	v11 =	vor.u32 v12, v11;
	v10 =	vand.u32 $0xF00, v10;
	v14 =	vand.u32 $0xF0, v14  }
0x247: {  	v14 =	vor.u32 v14, v10;
	v10 =	vld.idx.msk [tilespmem:v26+s3+$0x0], $0xffff;
	v26 =	vmul.f32 $2.560000000e+02, v28;
	v15 =	vmul.f32 $2.560000000e+02, v15  }
0x248: {  	v28 =	vmul.f32 $4.096000000e+03, v30;
	v30 =	vor.u32 v17, v16;
	v17 =	vmul.f32 $2.560000000e+02, v31  }
0x249: {  	v12 =	vor.u32 s0, v1;
	v9 =	vtrunc.f32 v15;
	v15 =	vmul.f32 $4.096000000e+03, v27  }
0x24a: {  	v19 =	vand.u32 $0xF00, v19;
	v31 =	vld.idx.msk [tilespmem:v36+s3+$0x0], $0xffff;
	v27 =	vtrunc.f32 v29;
	v29 =	vtrunc.f32 v32  }
0x24b: {  	v21 =	vand.u32 $0xF00, v21;
	v27 =	vcvt.f32.s32 v27;
	v29 =	vcvt.f32.s32 v29  }
0x24c: {  	v22 =	vand.u32 $0xF0, v22;
	v23 =	vand.u32 $0xF00, v23;
	v24 =	vand.u32 $0xF0, v24;
	v16 =	vld.idx.msk [tilespmem:v33+s3+$0x0], $0xffff  }
0x24d: {  	v21 =	vor.u32 v22, v21;
	v27 =	vand.u32 $0xF00, v27;
	v29 =	vand.u32 $0xF0, v29  }
0x24e: {  	v58 =	vtrunc.f32 v26;
	v60 =	vtrunc.f32 v28;
	v12 =	vld.idx.msk [tilespmem:v12+s3+$0x0], $0xffff;
	v27 =	vor.u32 v29, v27  }
0x24f: {  	v22 =	vmul.f32 $2.560000000e+02, v31;
	v31 =	vor.u32 v24, v23;
	v23 =	vld.idx.msk [tilespmem:v13+s21+$0x0], $0xffff;
	v27 =	vor.u32 v0, v27  }
0x250: {  	v20 =	vand.u32 $0xF0, v20;
	v61 =	vtrunc.f32 v17;
	v59 =	vmul.f32 $2.560000000e+02, v10;
	v29 =	vld.idx.msk [tilespmem:v37+s3+$0x0], $0xffff  }
0x251: {  	v57 =	vld.idx.msk [tilespmem:v38+s3+$0x0], $0xffff;
	v19 =	vor.u32 v20, v19;
	v20 =	vmul.f32 $4.096000000e+03, v16;
	v10 =	vtrunc.f32 v54  }
0x252: {  	v62 =	vor.u32 v0, v11;
	v16 =	vtrunc.f32 v25;
	v25 =	vcvt.f32.s32 v60  }
0x253: {  	v63 =	vor.u32 v0, v14;
	v17 =	vtrunc.f32 v59;
	v13 =	vtrunc.f32 v20  }
0x254: {  	s1 =	simm.s32 $0x8040;
	v26 =	vor.u32 v39, v18;
	v14 =	vtrunc.f32 v22;
	v12 =	vmul.f32 $4.096000000e+03, v12;
	v27 =	vld.idx.msk [tilespmem:v27+s21+$0x0], $0xffff  }
0x255: {  	v28 =	vor.u32 v0, v30;
	[tilespmem:s1+$0x30] =	vst v23;
	v23 =	vcvt.f32.s32 v58;
	v24 =	vmul.f32 $4.096000000e+03, v29  }
0x256: {  	v26 =	vor.u32 v0, v26;
	v18 =	vtrunc.f32 v12;
	v12 =	vmul.f32 $2.560000000e+02, v57  }
0x257: {  	v56 =	vtrunc.f32 v15;
	v11 =	vtrunc.f32 v24;
	v24 =	vor.u32 v0, v19  }
0x258: {  	s31 =	simm.s32 $0x80C0;
	v21 =	vor.u32 v0, v21;
	v20 =	vld.idx.msk [tilespmem:v62+s21+$0x0], $0xffff;
	v15 =	vtrunc.f32 v55;
	v12 =	vtrunc.f32 v12  }
0x259: {  	s2 =	simm.s32 $0x200;
	s0 =	simm.s32 $0x8;
	v22 =	vld.idx.msk [tilespmem:v63+s21+$0x0], $0xffff;
	v29 =	vcvt.f32.s32 v56;
	v19 =	vcvt.f32.s32 v61;
	[tilespmem:s31+$0x30] =	vst v27;
	v27 =	vor.u32 v0, v31  }
.LBB2_10:
0x25a: {  	v30 =	vor.u32 s2, v2;
	v31 =	vor.u32 s2, v3;
	v32 =	vor.u32 s2, v4;
	s4 =	sadd.s32 $0x80, s2;
	s5 =	sadd.s32 $0xA0, s2;
	s6 =	sadd.s32 $0xE0, s2;
	v28 =	vld.idx.msk [tilespmem:v28+s21+$0x0], $0xffff  }
0x25b: {  	s0 =	sadd.s32 $0x8, s0;
	v33 =	vor.u32 s4, v1;
	v34 =	vor.u32 s4, v2;
	s4 =	sadd.s32 $0xC0, s2;
	v35 =	vor.u32 s6, v7;
	v26 =	vld.idx.msk [tilespmem:v26+s21+$0x0], $0xffff  }
0x25c: {  	v36 =	vor.u32 s5, v3;
	v37 =	vor.u32 s5, v4;
	v38 =	vor.u32 s6, v8;
	p0 =	slt.u32 s0, $0x1F8;
	v24 =	vld.idx.msk [tilespmem:v24+s21+$0x0], $0xffff  }
0x25d: {  	v39 =	vor.u32 s2, v5;
	v40 =	vor.u32 s4, v5;
	v41 =	vor.u32 s4, v6;
	v21 =	vld.idx.msk [tilespmem:v21+s21+$0x0], $0xffff  }
0x25e: {  	v42 =	vor.u32 s2, v6;
	v43 =	vor.u32 s2, v7;
	v44 =	vor.u32 s2, v8;
	v27 =	vld.idx.msk [tilespmem:v27+s21+$0x0], $0xffff;
	[tilespmem:s1+$0x0] =	vst v20  }
0x25f: {  	v10 =	vcvt.f32.s32 v10;
	v15 =	vcvt.f32.s32 v15;
	v20 =	vor.u32 s2, v1;
	v30 =	vld.idx.msk [tilespmem:v30+s3+$0x0], $0xffff;
	[tilespmem:s1+$0x10] =	vst v22  }
0x260: {  	v18 =	vcvt.f32.s32 v18;
	v9 =	vcvt.f32.s32 v9;
	v29 =	vand.u32 $0xF00, v29;
	v22 =	vld.idx.msk [tilespmem:v35+s3+$0x0], $0xffff;
	[tilespmem:s1+$0x20] =	vst v28  }
0x261: {  	v16 =	vcvt.f32.s32 v16;
	v17 =	vcvt.f32.s32 v17;
	v23 =	vand.u32 $0xF0, v23;
	v28 =	vld.idx.msk [tilespmem:v38+s3+$0x0], $0xffff;
	[tilespmem:s1+$0xFFFFFFC0] =	vst v26  }
0x262: {  	v13 =	vcvt.f32.s32 v13;
	v14 =	vcvt.f32.s32 v14;
	v25 =	vand.u32 $0xF00, v25;
	v26 =	vld.idx.msk [tilespmem:v33+s3+$0x0], $0xffff;
	[tilespmem:s1+$0xFFFFFFD0] =	vst v24  }
0x263: {  	v11 =	vcvt.f32.s32 v11;
	v12 =	vcvt.f32.s32 v12;
	v19 =	vand.u32 $0xF0, v19;
	v24 =	vld.idx.msk [tilespmem:v34+s3+$0x0], $0xffff;
	[tilespmem:s1+$0xFFFFFFE0] =	vst v21  }
0x264: {  	v18 =	vand.u32 $0xF00, v18;
	v10 =	vand.u32 $0xF00, v10;
	v15 =	vand.u32 $0xF0, v15;
	v21 =	vld.idx.msk [tilespmem:v36+s3+$0x0], $0xffff;
	[tilespmem:s1+$0xFFFFFFF0] =	vst v27;
	s1 =	smov.u32 s31  }
0x265: {  	v16 =	vand.u32 $0xF00, v16;
	v33 =	vand.u32 $0xF0, v9;
	v27 =	vmul.f32 $2.560000000e+02, v30;
	v30 =	vld.idx.msk [tilespmem:v37+s3+$0x0], $0xffff  }
0x266: {  	v17 =	vand.u32 $0xF0, v17;
	v13 =	vand.u32 $0xF00, v13;
	v14 =	vand.u32 $0xF0, v14;
	v34 =	vld.idx.msk [tilespmem:v40+s3+$0x0], $0xffff  }
0x267: {  	v11 =	vand.u32 $0xF00, v11;
	v22 =	vmul.f32 $4.096000000e+03, v22;
	v28 =	vmul.f32 $2.560000000e+02, v28;
	v35 =	vld.idx.msk [tilespmem:v41+s3+$0x0], $0xffff  }
0x268: {  	v12 =	vand.u32 $0xF0, v12;
	v9 =	vtrunc.f32 v27;
	v26 =	vmul.f32 $4.096000000e+03, v26;
	v20 =	vld.idx.msk [tilespmem:v20+s3+$0x0], $0xffff  }
0x269: {  	v23 =	vor.u32 v23, v29;
	v22 =	vtrunc.f32 v22;
	v28 =	vtrunc.f32 v28;
	v27 =	vld.idx.msk [tilespmem:v31+s3+$0x0], $0xffff  }
0x26a: {  	v19 =	vor.u32 v19, v25;
	v22 =	vcvt.f32.s32 v22;
	v28 =	vcvt.f32.s32 v28;
	v29 =	vld.idx.msk [tilespmem:v32+s3+$0x0], $0xffff  }
0x26b: {  	v24 =	vmul.f32 $2.560000000e+02, v24;
	v21 =	vmul.f32 $4.096000000e+03, v21;
	v31 =	vor.u32 v15, v10;
	v25 =	vld.idx.msk [tilespmem:v39+s3+$0x0], $0xffff  }
0x26c: {  	v15 =	vmul.f32 $2.560000000e+02, v30;
	v22 =	vand.u32 $0xF00, v22;
	v28 =	vand.u32 $0xF0, v28;
	v10 =	vld.idx.msk [tilespmem:v42+s3+$0x0], $0xffff  }
0x26d: {  	v32 =	vmul.f32 $4.096000000e+03, v34;
	v34 =	vmul.f32 $2.560000000e+02, v35;
	v22 =	vor.u32 v28, v22;
	v30 =	vld.idx.msk [tilespmem:v43+s3+$0x0], $0xffff  }
0x26e: {  	v35 =	vtrunc.f32 v26;
	v20 =	vmul.f32 $4.096000000e+03, v20;
	v22 =	vor.u32 v0, v22;
	v28 =	vld.idx.msk [tilespmem:v44+s3+$0x0], $0xffff  }
0x26f: {  	v26 =	vmul.f32 $4.096000000e+03, v27;
	v27 =	vtrunc.f32 v24;
	v24 =	vor.u32 v33, v18  }
0x270: {  	v33 =	vtrunc.f32 v21;
	v21 =	vor.u32 v17, v16;
	v29 =	vmul.f32 $2.560000000e+02, v29  }
0x271: {  	v37 =	vor.u32 v14, v13;
	v36 =	vtrunc.f32 v15;
	v25 =	vmul.f32 $4.096000000e+03, v25  }
0x272: {  	v14 =	vmul.f32 $2.560000000e+02, v10;
	v10 =	vtrunc.f32 v32;
	v32 =	vor.u32 v12, v11  }
0x273: {  	v15 =	vtrunc.f32 v34;
	v11 =	vmul.f32 $4.096000000e+03, v30;
	v30 =	vor.u32 v0, v23;
	v22 =	vld.idx.msk [tilespmem:v22+s21+$0x0], $0xffff  }
0x274: {  	v34 =	vor.u32 v0, v19;
	v18 =	vtrunc.f32 v20;
	v12 =	vmul.f32 $2.560000000e+02, v28  }
.Ltmp4:
0x275: {  	v16 =	vtrunc.f32 v26;
	v17 =	vtrunc.f32 v29;
	v28 =	vor.u32 v0, v31;
	(pc) =	sbr.rel @p0 .LBB2_10-.Ltmp4, $4  }
0x276: {  	v26 =	vor.u32 v0, v24;
	v13 =	vtrunc.f32 v25;
	v14 =	vtrunc.f32 v14  }
0x277: {  	v24 =	vor.u32 v0, v21;
	v11 =	vtrunc.f32 v11;
	v12 =	vtrunc.f32 v12  }
0x278: {  	s31 =	sadd.s32 $0x80, s31;
	v21 =	vor.u32 v0, v37;
	v29 =	vcvt.f32.s32 v35;
	v23 =	vcvt.f32.s32 v27;
	v20 =	vld.idx.msk [tilespmem:v30+s21+$0x0], $0xffff  }
0x279: {  	s2 =	sadd.s32 $0x100, s2;
	v19 =	vcvt.f32.s32 v36;
	v25 =	vcvt.f32.s32 v33;
	v27 =	vor.u32 v0, v32;
	[tilespmem:s31+$0x30] =	vst v22;
	v22 =	vld.idx.msk [tilespmem:v34+s21+$0x0], $0xffff  }
0x27a: {  	v10 =	vcvt.f32.s32 v10  }
0x27b: {  	v15 =	vcvt.f32.s32 v15;
	v18 =	vcvt.f32.s32 v18  }
0x27c: {  	v9 =	vcvt.f32.s32 v9;
	v16 =	vcvt.f32.s32 v16  }
0x27d: {  	v29 =	vand.u32 $0xF00, v29;
	v17 =	vcvt.f32.s32 v17;
	v13 =	vcvt.f32.s32 v13  }
0x27e: {  	v23 =	vand.u32 $0xF0, v23;
	v14 =	vcvt.f32.s32 v14;
	v11 =	vcvt.f32.s32 v11  }
0x27f: {  	v12 =	vcvt.f32.s32 v12;
	v25 =	vand.u32 $0xF00, v25;
	v19 =	vand.u32 $0xF0, v19  }
0x280: {  	v23 =	vor.u32 v23, v29;
	v18 =	vand.u32 $0xF00, v18;
	v10 =	vand.u32 $0xF00, v10  }
0x281: {  	v15 =	vand.u32 $0xF0, v15;
	v9 =	vand.u32 $0xF0, v9;
	v16 =	vand.u32 $0xF00, v16  }
0x282: {  	v28 =	vld.idx.msk [tilespmem:v28+s21+$0x0], $0xffff;
	v17 =	vand.u32 $0xF0, v17;
	v19 =	vor.u32 v19, v25;
	v23 =	vor.u32 v0, v23  }
0x283: {  	v25 =	vld.idx.msk [tilespmem:v26+s21+$0x0], $0xffff;
	v13 =	vand.u32 $0xF00, v13;
	v10 =	vor.u32 v15, v10;
	v15 =	vor.u32 v0, v19  }
0x284: {  	v14 =	vand.u32 $0xF0, v14;
	v19 =	vld.idx.msk [tilespmem:v24+s21+$0x0], $0xffff;
	v9 =	vor.u32 v9, v18;
	v10 =	vor.u32 v0, v10  }
0x285: {  	v11 =	vand.u32 $0xF00, v11;
	v18 =	vld.idx.msk [tilespmem:v21+s21+$0x0], $0xffff;
	[tilespmem:s1+$0x0] =	vst v20;
	v16 =	vor.u32 v17, v16;
	v9 =	vor.u32 v0, v9  }
0x286: {  	v12 =	vand.u32 $0xF0, v12;
	v17 =	vld.idx.msk [tilespmem:v27+s21+$0x0], $0xffff;
	v13 =	vor.u32 v14, v13;
	[tilespmem:s1+$0x10] =	vst v22;
	v14 =	vor.u32 v0, v16  }
0x287: {  	v11 =	vor.u32 v12, v11;
	v12 =	vor.u32 v0, v13;
	[tilespmem:s1+$0x20] =	vst v28;
	v13 =	vld.idx.msk [tilespmem:v23+s21+$0x0], $0xffff  }
0x288: {  	v11 =	vor.u32 v0, v11;
	[tilespmem:s1+$0xFFFFFFC0] =	vst v25;
	v15 =	vld.idx.msk [tilespmem:v15+s21+$0x0], $0xffff  }
0x289: {  	[tilespmem:s1+$0xFFFFFFD0] =	vst v19;
	v10 =	vld.idx.msk [tilespmem:v10+s21+$0x0], $0xffff  }
0x28a: {  	[tilespmem:s1+$0xFFFFFFE0] =	vst v18;
	v9 =	vld.idx.msk [tilespmem:v9+s21+$0x0], $0xffff  }
0x28b: {  	[tilespmem:s1+$0xFFFFFFF0] =	vst v17;
	v14 =	vld.idx.msk [tilespmem:v14+s21+$0x0], $0xffff  }
0x28c: {  	v12 =	vld.idx.msk [tilespmem:v12+s21+$0x0], $0xffff;
	[tilespmem:s31+$0x0] =	vst v13  }
0x28d: {  	v11 =	vld.idx.msk [tilespmem:v11+s21+$0x0], $0xffff;
	[tilespmem:s31+$0x10] =	vst v15  }
0x28e: {  	[tilespmem:s31+$0x20] =	vst v10  }
0x28f: {  	[tilespmem:s31+$0xFFFFFFC0] =	vst v9  }
0x290: {  	[tilespmem:s31+$0xFFFFFFD0] =	vst v14  }
0x291: {  	[tilespmem:s31+$0xFFFFFFE0] =	vst v12  }
0x292: {  	s0 =	simm.s32 $0x0;
	[tilespmem:s31+$0xFFFFFFF0] =	vst v11  }
0x293: {  	[hbm4b:s15+s0] =	stream.linear.scatter [tilespmem:s25], [sflag:$0x2], $0x2000, $0x38;
	[tilespmem:$0xD000] =	vst v63  }
0x294: {  	_ =	swait.ge [sflag:s23], $0x4000  }
0x295: {  	[sflag:s23] =	ssyncset.done $0x0  }
0x296: {  	s4 =	simm.s32 $0xE0;
	v9 =	vor.u32 s0, v2;
	[sflag:s23] =	ssyncadd.s32 $0xFFFFC000  }
0x297: {  	v10 =	vor.u32 s4, v7;
	[tilespmem:s0], [sflag:$0x1] =	stream.linear.gather [hbm4b:s14+s0], $0x4000, $0x38;
	[tilespmem:$0xD000] =	vst v63  }
0x298: {  	s2 =	simm.s32 $0x80;
	v11 =	vor.u32 s4, v8;
	_ =	swait.ge [sflag:s29], $0x2000  }
0x299: {  	v12 =	vor.u32 s2, v1;
	[sflag:s29] =	ssyncset.done $0x0  }
0x29a: {  	s5 =	simm.s32 $0xA0;
	v13 =	vor.u32 s2, v2;
	[sflag:s29] =	ssyncadd.s32 $0xFFFFE000  }
0x29b: {  	v14 =	vor.u32 s5, v3;
	v9 =	vld.idx.msk [tilespmem:v9+s24+$0x0], $0xffff  }
0x29c: {  	s6 =	simm.s32 $0xC0;
	v15 =	vor.u32 s5, v4;
	v10 =	vld.idx.msk [tilespmem:v10+s24+$0x0], $0xffff  }
0x29d: {  	v16 =	vor.u32 s6, v5;
	v11 =	vld.idx.msk [tilespmem:v11+s24+$0x0], $0xffff  }
0x29e: {  	v17 =	vor.u32 s6, v6;
	v12 =	vld.idx.msk [tilespmem:v12+s24+$0x0], $0xffff  }
0x29f: {  	v18 =	vor.u32 s0, v1;
	v13 =	vld.idx.msk [tilespmem:v13+s24+$0x0], $0xffff  }
0x2a0: {  	v19 =	vor.u32 s0, v3;
	v14 =	vld.idx.msk [tilespmem:v14+s24+$0x0], $0xffff  }
0x2a1: {  	v20 =	vor.u32 s0, v4;
	v15 =	vld.idx.msk [tilespmem:v15+s24+$0x0], $0xffff  }
0x2a2: {  	v21 =	vor.u32 s0, v5;
	v16 =	vld.idx.msk [tilespmem:v16+s24+$0x0], $0xffff  }
0x2a3: {  	v22 =	vor.u32 s0, v6;
	v17 =	vld.idx.msk [tilespmem:v17+s24+$0x0], $0xffff  }
0x2a4: {  	v23 =	vor.u32 s0, v7;
	v18 =	vld.idx.msk [tilespmem:v18+s24+$0x0], $0xffff  }
0x2a5: {  	v24 =	vor.u32 s0, v8;
	s5 =	simm.s32 $0x1E0;
	v19 =	vld.idx.msk [tilespmem:v19+s24+$0x0], $0xffff  }
0x2a6: {  	v29 =	vor.u32 s5, v7;
	v20 =	vld.idx.msk [tilespmem:v20+s24+$0x0], $0xffff  }
0x2a7: {  	s6 =	simm.s32 $0x1C0;
	v32 =	vor.u32 s5, v8;
	v21 =	vld.idx.msk [tilespmem:v21+s24+$0x0], $0xffff  }
0x2a8: {  	v34 =	vor.u32 s6, v5;
	v22 =	vld.idx.msk [tilespmem:v22+s24+$0x0], $0xffff  }
0x2a9: {  	v35 =	vor.u32 s6, v6;
	v23 =	vld.idx.msk [tilespmem:v23+s24+$0x0], $0xffff  }
0x2aa: {  	v24 =	vld.idx.msk [tilespmem:v24+s24+$0x0], $0xffff;
	v9 =	vmul.f32 $2.560000000e+02, v9;
	v10 =	vmul.f32 $4.096000000e+03, v10  }
0x2ab: {  	v29 =	vld.idx.msk [tilespmem:v29+s24+$0x0], $0xffff;
	v11 =	vmul.f32 $2.560000000e+02, v11;
	v12 =	vmul.f32 $4.096000000e+03, v12  }
0x2ac: {  	v32 =	vld.idx.msk [tilespmem:v32+s24+$0x0], $0xffff;
	v13 =	vmul.f32 $2.560000000e+02, v13;
	v14 =	vmul.f32 $4.096000000e+03, v14  }
0x2ad: {  	v34 =	vld.idx.msk [tilespmem:v34+s24+$0x0], $0xffff;
	v15 =	vmul.f32 $2.560000000e+02, v15;
	v16 =	vmul.f32 $4.096000000e+03, v16  }
0x2ae: {  	v35 =	vld.idx.msk [tilespmem:v35+s24+$0x0], $0xffff;
	v17 =	vmul.f32 $2.560000000e+02, v17;
	v18 =	vmul.f32 $4.096000000e+03, v18  }
0x2af: {  	v19 =	vmul.f32 $4.096000000e+03, v19;
	v20 =	vmul.f32 $2.560000000e+02, v20  }
0x2b0: {  	v21 =	vmul.f32 $4.096000000e+03, v21;
	v22 =	vmul.f32 $2.560000000e+02, v22  }
0x2b1: {  	v23 =	vmul.f32 $4.096000000e+03, v23;
	v24 =	vmul.f32 $2.560000000e+02, v24  }
0x2b2: {  	v29 =	vmul.f32 $4.096000000e+03, v29;
	v32 =	vmul.f32 $2.560000000e+02, v32  }
0x2b3: {  	v54 =	vmul.f32 $4.096000000e+03, v34;
	v55 =	vmul.f32 $2.560000000e+02, v35  }
0x2b4: {  	s0 =	simm.s32 $0x100;
	v9 =	vtrunc.f32 v9;
	v10 =	vtrunc.f32 v10  }
0x2b5: {  	v25 =	vor.u32 s0, v3;
	v11 =	vtrunc.f32 v11;
	v12 =	vtrunc.f32 v12  }
0x2b6: {  	v13 =	vtrunc.f32 v13;
	v14 =	vtrunc.f32 v14  }
0x2b7: {  	s2 =	simm.s32 $0x180;
	v15 =	vtrunc.f32 v15;
	v16 =	vtrunc.f32 v16  }
0x2b8: {  	v27 =	vor.u32 s2, v1;
	v17 =	vtrunc.f32 v17;
	v18 =	vtrunc.f32 v18  }
0x2b9: {  	s4 =	simm.s32 $0x1A0;
	v28 =	vor.u32 s2, v2;
	v10 =	vcvt.f32.s32 v10;
	v11 =	vcvt.f32.s32 v11  }
0x2ba: {  	v30 =	vor.u32 s4, v3;
	v25 =	vld.idx.msk [tilespmem:v25+s24+$0x0], $0xffff;
	v19 =	vtrunc.f32 v19;
	v20 =	vtrunc.f32 v20  }
0x2bb: {  	v21 =	vtrunc.f32 v21;
	v10 =	vand.u32 $0xF00, v10;
	v11 =	vand.u32 $0xF0, v11  }
0x2bc: {  	v22 =	vtrunc.f32 v22;
	v23 =	vtrunc.f32 v23;
	v10 =	vor.u32 v11, v10  }
0x2bd: {  	v11 =	vcvt.f32.s32 v12;
	v12 =	vcvt.f32.s32 v13;
	v13 =	vor.u32 v0, v10  }
0x2be: {  	v10 =	vcvt.f32.s32 v14;
	v14 =	vcvt.f32.s32 v15;
	v15 =	vor.u32 s0, v2  }
0x2bf: {  	v31 =	vor.u32 s4, v4;
	v24 =	vtrunc.f32 v24;
	v25 =	vmul.f32 $4.096000000e+03, v25  }
0x2c0: {  	v26 =	vor.u32 s0, v4;
	v16 =	vcvt.f32.s32 v16;
	v17 =	vcvt.f32.s32 v17  }
0x2c1: {  	v33 =	vor.u32 s0, v5;
	v28 =	vld.idx.msk [tilespmem:v28+s24+$0x0], $0xffff;
	v18 =	vcvt.f32.s32 v18;
	v9 =	vcvt.f32.s32 v9  }
0x2c2: {  	v36 =	vor.u32 s0, v6;
	v30 =	vld.idx.msk [tilespmem:v30+s24+$0x0], $0xffff;
	v19 =	vcvt.f32.s32 v19;
	v20 =	vcvt.f32.s32 v20  }
0x2c3: {  	v37 =	vor.u32 s0, v7;
	v21 =	vcvt.f32.s32 v21;
	v22 =	vcvt.f32.s32 v22;
	v15 =	vld.idx.msk [tilespmem:v15+s24+$0x0], $0xffff  }
0x2c4: {  	v38 =	vor.u32 s0, v8;
	v31 =	vld.idx.msk [tilespmem:v31+s24+$0x0], $0xffff;
	v23 =	vcvt.f32.s32 v23;
	v24 =	vcvt.f32.s32 v24  }
0x2c5: {  	v27 =	vld.idx.msk [tilespmem:v27+s24+$0x0], $0xffff;
	v18 =	vand.u32 $0xF00, v18;
	v16 =	vand.u32 $0xF00, v16;
	v17 =	vand.u32 $0xF0, v17  }
0x2c6: {  	v39 =	vand.u32 $0xF0, v9;
	v11 =	vand.u32 $0xF00, v11;
	v12 =	vand.u32 $0xF0, v12  }
0x2c7: {  	v11 =	vor.u32 v12, v11;
	v10 =	vand.u32 $0xF00, v10;
	v14 =	vand.u32 $0xF0, v14  }
0x2c8: {  	v14 =	vor.u32 v14, v10;
	v10 =	vld.idx.msk [tilespmem:v26+s24+$0x0], $0xffff;
	v26 =	vmul.f32 $2.560000000e+02, v28;
	v15 =	vmul.f32 $2.560000000e+02, v15  }
0x2c9: {  	v28 =	vmul.f32 $4.096000000e+03, v30;
	v30 =	vor.u32 v17, v16;
	v17 =	vmul.f32 $2.560000000e+02, v31  }
0x2ca: {  	v12 =	vor.u32 s0, v1;
	v9 =	vtrunc.f32 v15;
	v15 =	vmul.f32 $4.096000000e+03, v27  }
0x2cb: {  	v19 =	vand.u32 $0xF00, v19;
	v31 =	vld.idx.msk [tilespmem:v36+s24+$0x0], $0xffff;
	v27 =	vtrunc.f32 v29;
	v29 =	vtrunc.f32 v32  }
0x2cc: {  	v21 =	vand.u32 $0xF00, v21;
	v27 =	vcvt.f32.s32 v27;
	v29 =	vcvt.f32.s32 v29  }
0x2cd: {  	v22 =	vand.u32 $0xF0, v22;
	v23 =	vand.u32 $0xF00, v23;
	v24 =	vand.u32 $0xF0, v24;
	v16 =	vld.idx.msk [tilespmem:v33+s24+$0x0], $0xffff  }
0x2ce: {  	v21 =	vor.u32 v22, v21;
	v27 =	vand.u32 $0xF00, v27;
	v29 =	vand.u32 $0xF0, v29  }
0x2cf: {  	v58 =	vtrunc.f32 v26;
	v60 =	vtrunc.f32 v28;
	v12 =	vld.idx.msk [tilespmem:v12+s24+$0x0], $0xffff;
	v27 =	vor.u32 v29, v27  }
0x2d0: {  	v22 =	vmul.f32 $2.560000000e+02, v31;
	v31 =	vor.u32 v24, v23;
	v23 =	vld.idx.msk [tilespmem:v13+s21+$0x0], $0xffff;
	v27 =	vor.u32 v0, v27  }
0x2d1: {  	v20 =	vand.u32 $0xF0, v20;
	v61 =	vtrunc.f32 v17;
	v59 =	vmul.f32 $2.560000000e+02, v10;
	v29 =	vld.idx.msk [tilespmem:v37+s24+$0x0], $0xffff  }
0x2d2: {  	v57 =	vld.idx.msk [tilespmem:v38+s24+$0x0], $0xffff;
	v19 =	vor.u32 v20, v19;
	v20 =	vmul.f32 $4.096000000e+03, v16;
	v10 =	vtrunc.f32 v54  }
0x2d3: {  	v62 =	vor.u32 v0, v11;
	v16 =	vtrunc.f32 v25;
	v25 =	vcvt.f32.s32 v60  }
0x2d4: {  	v63 =	vor.u32 v0, v14;
	v17 =	vtrunc.f32 v59;
	v13 =	vtrunc.f32 v20  }
0x2d5: {  	s1 =	simm.s32 $0xA040;
	v26 =	vor.u32 v39, v18;
	v14 =	vtrunc.f32 v22;
	v12 =	vmul.f32 $4.096000000e+03, v12;
	v27 =	vld.idx.msk [tilespmem:v27+s21+$0x0], $0xffff  }
0x2d6: {  	v28 =	vor.u32 v0, v30;
	[tilespmem:s1+$0x30] =	vst v23;
	v23 =	vcvt.f32.s32 v58;
	v24 =	vmul.f32 $4.096000000e+03, v29  }
0x2d7: {  	v26 =	vor.u32 v0, v26;
	v18 =	vtrunc.f32 v12;
	v12 =	vmul.f32 $2.560000000e+02, v57  }
0x2d8: {  	v56 =	vtrunc.f32 v15;
	v11 =	vtrunc.f32 v24;
	v24 =	vor.u32 v0, v19  }
0x2d9: {  	s31 =	simm.s32 $0xA0C0;
	v21 =	vor.u32 v0, v21;
	v20 =	vld.idx.msk [tilespmem:v62+s21+$0x0], $0xffff;
	v15 =	vtrunc.f32 v55;
	v12 =	vtrunc.f32 v12  }
0x2da: {  	s2 =	simm.s32 $0x200;
	s0 =	simm.s32 $0x8;
	v22 =	vld.idx.msk [tilespmem:v63+s21+$0x0], $0xffff;
	v29 =	vcvt.f32.s32 v56;
	v19 =	vcvt.f32.s32 v61;
	[tilespmem:s31+$0x30] =	vst v27;
	v27 =	vor.u32 v0, v31  }
.LBB2_12:
0x2db: {  	v30 =	vor.u32 s2, v2;
	v31 =	vor.u32 s2, v3;
	v32 =	vor.u32 s2, v4;
	s4 =	sadd.s32 $0x80, s2;
	s5 =	sadd.s32 $0xA0, s2;
	s6 =	sadd.s32 $0xE0, s2;
	v28 =	vld.idx.msk [tilespmem:v28+s21+$0x0], $0xffff  }
0x2dc: {  	s0 =	sadd.s32 $0x8, s0;
	v33 =	vor.u32 s4, v1;
	v34 =	vor.u32 s4, v2;
	s4 =	sadd.s32 $0xC0, s2;
	v35 =	vor.u32 s6, v7;
	v26 =	vld.idx.msk [tilespmem:v26+s21+$0x0], $0xffff  }
0x2dd: {  	v36 =	vor.u32 s5, v3;
	v37 =	vor.u32 s5, v4;
	v38 =	vor.u32 s6, v8;
	p0 =	slt.u32 s0, $0x1F8;
	v24 =	vld.idx.msk [tilespmem:v24+s21+$0x0], $0xffff  }
0x2de: {  	v39 =	vor.u32 s2, v5;
	v40 =	vor.u32 s4, v5;
	v41 =	vor.u32 s4, v6;
	v21 =	vld.idx.msk [tilespmem:v21+s21+$0x0], $0xffff  }
0x2df: {  	v42 =	vor.u32 s2, v6;
	v43 =	vor.u32 s2, v7;
	v44 =	vor.u32 s2, v8;
	v27 =	vld.idx.msk [tilespmem:v27+s21+$0x0], $0xffff;
	[tilespmem:s1+$0x0] =	vst v20  }
0x2e0: {  	v10 =	vcvt.f32.s32 v10;
	v15 =	vcvt.f32.s32 v15;
	v20 =	vor.u32 s2, v1;
	v30 =	vld.idx.msk [tilespmem:v30+s24+$0x0], $0xffff;
	[tilespmem:s1+$0x10] =	vst v22  }
0x2e1: {  	v18 =	vcvt.f32.s32 v18;
	v9 =	vcvt.f32.s32 v9;
	v29 =	vand.u32 $0xF00, v29;
	v22 =	vld.idx.msk [tilespmem:v35+s24+$0x0], $0xffff;
	[tilespmem:s1+$0x20] =	vst v28  }
0x2e2: {  	v16 =	vcvt.f32.s32 v16;
	v17 =	vcvt.f32.s32 v17;
	v23 =	vand.u32 $0xF0, v23;
	v28 =	vld.idx.msk [tilespmem:v38+s24+$0x0], $0xffff;
	[tilespmem:s1+$0xFFFFFFC0] =	vst v26  }
0x2e3: {  	v13 =	vcvt.f32.s32 v13;
	v14 =	vcvt.f32.s32 v14;
	v25 =	vand.u32 $0xF00, v25;
	v26 =	vld.idx.msk [tilespmem:v33+s24+$0x0], $0xffff;
	[tilespmem:s1+$0xFFFFFFD0] =	vst v24  }
0x2e4: {  	v11 =	vcvt.f32.s32 v11;
	v12 =	vcvt.f32.s32 v12;
	v19 =	vand.u32 $0xF0, v19;
	v24 =	vld.idx.msk [tilespmem:v34+s24+$0x0], $0xffff;
	[tilespmem:s1+$0xFFFFFFE0] =	vst v21  }
0x2e5: {  	v18 =	vand.u32 $0xF00, v18;
	v10 =	vand.u32 $0xF00, v10;
	v15 =	vand.u32 $0xF0, v15;
	v21 =	vld.idx.msk [tilespmem:v36+s24+$0x0], $0xffff;
	[tilespmem:s1+$0xFFFFFFF0] =	vst v27;
	s1 =	smov.u32 s31  }
0x2e6: {  	v16 =	vand.u32 $0xF00, v16;
	v33 =	vand.u32 $0xF0, v9;
	v27 =	vmul.f32 $2.560000000e+02, v30;
	v30 =	vld.idx.msk [tilespmem:v37+s24+$0x0], $0xffff  }
0x2e7: {  	v17 =	vand.u32 $0xF0, v17;
	v13 =	vand.u32 $0xF00, v13;
	v14 =	vand.u32 $0xF0, v14;
	v34 =	vld.idx.msk [tilespmem:v40+s24+$0x0], $0xffff  }
0x2e8: {  	v11 =	vand.u32 $0xF00, v11;
	v22 =	vmul.f32 $4.096000000e+03, v22;
	v28 =	vmul.f32 $2.560000000e+02, v28;
	v35 =	vld.idx.msk [tilespmem:v41+s24+$0x0], $0xffff  }
0x2e9: {  	v12 =	vand.u32 $0xF0, v12;
	v9 =	vtrunc.f32 v27;
	v26 =	vmul.f32 $4.096000000e+03, v26;
	v20 =	vld.idx.msk [tilespmem:v20+s24+$0x0], $0xffff  }
0x2ea: {  	v23 =	vor.u32 v23, v29;
	v22 =	vtrunc.f32 v22;
	v28 =	vtrunc.f32 v28;
	v27 =	vld.idx.msk [tilespmem:v31+s24+$0x0], $0xffff  }
0x2eb: {  	v19 =	vor.u32 v19, v25;
	v22 =	vcvt.f32.s32 v22;
	v28 =	vcvt.f32.s32 v28;
	v29 =	vld.idx.msk [tilespmem:v32+s24+$0x0], $0xffff  }
0x2ec: {  	v24 =	vmul.f32 $2.560000000e+02, v24;
	v21 =	vmul.f32 $4.096000000e+03, v21;
	v31 =	vor.u32 v15, v10;
	v25 =	vld.idx.msk [tilespmem:v39+s24+$0x0], $0xffff  }
0x2ed: {  	v15 =	vmul.f32 $2.560000000e+02, v30;
	v22 =	vand.u32 $0xF00, v22;
	v28 =	vand.u32 $0xF0, v28;
	v10 =	vld.idx.msk [tilespmem:v42+s24+$0x0], $0xffff  }
0x2ee: {  	v32 =	vmul.f32 $4.096000000e+03, v34;
	v34 =	vmul.f32 $2.560000000e+02, v35;
	v22 =	vor.u32 v28, v22;
	v30 =	vld.idx.msk [tilespmem:v43+s24+$0x0], $0xffff  }
0x2ef: {  	v35 =	vtrunc.f32 v26;
	v20 =	vmul.f32 $4.096000000e+03, v20;
	v22 =	vor.u32 v0, v22;
	v28 =	vld.idx.msk [tilespmem:v44+s24+$0x0], $0xffff  }
0x2f0: {  	v26 =	vmul.f32 $4.096000000e+03, v27;
	v27 =	vtrunc.f32 v24;
	v24 =	vor.u32 v33, v18  }
0x2f1: {  	v33 =	vtrunc.f32 v21;
	v21 =	vor.u32 v17, v16;
	v29 =	vmul.f32 $2.560000000e+02, v29  }
0x2f2: {  	v37 =	vor.u32 v14, v13;
	v36 =	vtrunc.f32 v15;
	v25 =	vmul.f32 $4.096000000e+03, v25  }
0x2f3: {  	v14 =	vmul.f32 $2.560000000e+02, v10;
	v10 =	vtrunc.f32 v32;
	v32 =	vor.u32 v12, v11  }
0x2f4: {  	v15 =	vtrunc.f32 v34;
	v11 =	vmul.f32 $4.096000000e+03, v30;
	v30 =	vor.u32 v0, v23;
	v22 =	vld.idx.msk [tilespmem:v22+s21+$0x0], $0xffff  }
0x2f5: {  	v34 =	vor.u32 v0, v19;
	v18 =	vtrunc.f32 v20;
	v12 =	vmul.f32 $2.560000000e+02, v28  }
.Ltmp5:
0x2f6: {  	v16 =	vtrunc.f32 v26;
	v17 =	vtrunc.f32 v29;
	v28 =	vor.u32 v0, v31;
	(pc) =	sbr.rel @p0 .LBB2_12-.Ltmp5, $4  }
0x2f7: {  	v26 =	vor.u32 v0, v24;
	v13 =	vtrunc.f32 v25;
	v14 =	vtrunc.f32 v14  }
0x2f8: {  	v24 =	vor.u32 v0, v21;
	v11 =	vtrunc.f32 v11;
	v12 =	vtrunc.f32 v12  }
0x2f9: {  	s31 =	sadd.s32 $0x80, s31;
	v21 =	vor.u32 v0, v37;
	v29 =	vcvt.f32.s32 v35;
	v23 =	vcvt.f32.s32 v27;
	v20 =	vld.idx.msk [tilespmem:v30+s21+$0x0], $0xffff  }
0x2fa: {  	s2 =	sadd.s32 $0x100, s2;
	v19 =	vcvt.f32.s32 v36;
	v25 =	vcvt.f32.s32 v33;
	v27 =	vor.u32 v0, v32;
	[tilespmem:s31+$0x30] =	vst v22;
	v22 =	vld.idx.msk [tilespmem:v34+s21+$0x0], $0xffff  }
0x2fb: {  	v10 =	vcvt.f32.s32 v10  }
0x2fc: {  	v15 =	vcvt.f32.s32 v15;
	v18 =	vcvt.f32.s32 v18  }
0x2fd: {  	v9 =	vcvt.f32.s32 v9;
	v16 =	vcvt.f32.s32 v16  }
0x2fe: {  	v29 =	vand.u32 $0xF00, v29;
	v17 =	vcvt.f32.s32 v17;
	v13 =	vcvt.f32.s32 v13  }
0x2ff: {  	v23 =	vand.u32 $0xF0, v23;
	v14 =	vcvt.f32.s32 v14;
	v11 =	vcvt.f32.s32 v11  }
0x300: {  	v12 =	vcvt.f32.s32 v12;
	v25 =	vand.u32 $0xF00, v25;
	v19 =	vand.u32 $0xF0, v19  }
0x301: {  	v23 =	vor.u32 v23, v29;
	v18 =	vand.u32 $0xF00, v18;
	v10 =	vand.u32 $0xF00, v10  }
0x302: {  	v15 =	vand.u32 $0xF0, v15;
	v9 =	vand.u32 $0xF0, v9;
	v16 =	vand.u32 $0xF00, v16  }
0x303: {  	v28 =	vld.idx.msk [tilespmem:v28+s21+$0x0], $0xffff;
	v17 =	vand.u32 $0xF0, v17;
	v19 =	vor.u32 v19, v25;
	v23 =	vor.u32 v0, v23  }
0x304: {  	v25 =	vld.idx.msk [tilespmem:v26+s21+$0x0], $0xffff;
	v13 =	vand.u32 $0xF00, v13;
	v10 =	vor.u32 v15, v10;
	v15 =	vor.u32 v0, v19  }
0x305: {  	v14 =	vand.u32 $0xF0, v14;
	v19 =	vld.idx.msk [tilespmem:v24+s21+$0x0], $0xffff;
	v9 =	vor.u32 v9, v18;
	v10 =	vor.u32 v0, v10  }
0x306: {  	v11 =	vand.u32 $0xF00, v11;
	v18 =	vld.idx.msk [tilespmem:v21+s21+$0x0], $0xffff;
	[tilespmem:s1+$0x0] =	vst v20;
	v16 =	vor.u32 v17, v16;
	v9 =	vor.u32 v0, v9  }
0x307: {  	v12 =	vand.u32 $0xF0, v12;
	v17 =	vld.idx.msk [tilespmem:v27+s21+$0x0], $0xffff;
	v13 =	vor.u32 v14, v13;
	[tilespmem:s1+$0x10] =	vst v22;
	v14 =	vor.u32 v0, v16  }
0x308: {  	v11 =	vor.u32 v12, v11;
	v12 =	vor.u32 v0, v13;
	[tilespmem:s1+$0x20] =	vst v28;
	v13 =	vld.idx.msk [tilespmem:v23+s21+$0x0], $0xffff  }
0x309: {  	v11 =	vor.u32 v0, v11;
	[tilespmem:s1+$0xFFFFFFC0] =	vst v25;
	v15 =	vld.idx.msk [tilespmem:v15+s21+$0x0], $0xffff  }
0x30a: {  	[tilespmem:s1+$0xFFFFFFD0] =	vst v19;
	v10 =	vld.idx.msk [tilespmem:v10+s21+$0x0], $0xffff  }
0x30b: {  	[tilespmem:s1+$0xFFFFFFE0] =	vst v18;
	v9 =	vld.idx.msk [tilespmem:v9+s21+$0x0], $0xffff  }
0x30c: {  	[tilespmem:s1+$0xFFFFFFF0] =	vst v17;
	v14 =	vld.idx.msk [tilespmem:v14+s21+$0x0], $0xffff  }
0x30d: {  	v12 =	vld.idx.msk [tilespmem:v12+s21+$0x0], $0xffff;
	[tilespmem:s31+$0x0] =	vst v13  }
0x30e: {  	v11 =	vld.idx.msk [tilespmem:v11+s21+$0x0], $0xffff;
	[tilespmem:s31+$0x10] =	vst v15  }
0x30f: {  	[tilespmem:s31+$0x20] =	vst v10  }
0x310: {  	[tilespmem:s31+$0xFFFFFFC0] =	vst v9  }
0x311: {  	[tilespmem:s31+$0xFFFFFFD0] =	vst v14  }
0x312: {  	[tilespmem:s31+$0xFFFFFFE0] =	vst v12  }
0x313: {  	s0 =	simm.s32 $0x0;
	[tilespmem:s31+$0xFFFFFFF0] =	vst v11  }
0x314: {  	[hbm4b:s16+s0] =	stream.linear.scatter [tilespmem:s26], [sflag:$0x3], $0x2000, $0x38;
	[tilespmem:$0xD000] =	vst v63  }
0x315: {  	_ =	swait.ge [sflag:s23], $0x4000  }
0x316: {  	[sflag:s23] =	ssyncset.done $0x0  }
0x317: {  	s4 =	simm.s32 $0xE0;
	v9 =	vor.u32 s0, v2;
	[sflag:s23] =	ssyncadd.s32 $0xFFFFC000  }
0x318: {  	v10 =	vor.u32 s4, v7;
	[tilespmem:s24], [sflag:$0x1] =	stream.linear.gather [hbm4b:s17+s0], $0x4000, $0x38;
	[tilespmem:$0xD000] =	vst v63  }
0x319: {  	s2 =	simm.s32 $0x80;
	v11 =	vor.u32 s4, v8;
	_ =	swait.ge [sflag:s28], $0x2000  }
0x31a: {  	v12 =	vor.u32 s2, v1;
	[sflag:s28] =	ssyncset.done $0x0  }
0x31b: {  	s5 =	simm.s32 $0xA0;
	v13 =	vor.u32 s2, v2;
	[sflag:s28] =	ssyncadd.s32 $0xFFFFE000  }
0x31c: {  	v14 =	vor.u32 s5, v3;
	v9 =	vld.idx.msk [tilespmem:v9+s3+$0x0], $0xffff  }
0x31d: {  	s6 =	simm.s32 $0xC0;
	v15 =	vor.u32 s5, v4;
	v10 =	vld.idx.msk [tilespmem:v10+s3+$0x0], $0xffff  }
0x31e: {  	v16 =	vor.u32 s6, v5;
	v11 =	vld.idx.msk [tilespmem:v11+s3+$0x0], $0xffff  }
0x31f: {  	v17 =	vor.u32 s6, v6;
	v12 =	vld.idx.msk [tilespmem:v12+s3+$0x0], $0xffff  }
0x320: {  	v18 =	vor.u32 s0, v1;
	v13 =	vld.idx.msk [tilespmem:v13+s3+$0x0], $0xffff  }
0x321: {  	v19 =	vor.u32 s0, v3;
	v14 =	vld.idx.msk [tilespmem:v14+s3+$0x0], $0xffff  }
0x322: {  	v20 =	vor.u32 s0, v4;
	v15 =	vld.idx.msk [tilespmem:v15+s3+$0x0], $0xffff  }
0x323: {  	v21 =	vor.u32 s0, v5;
	v16 =	vld.idx.msk [tilespmem:v16+s3+$0x0], $0xffff  }
0x324: {  	v22 =	vor.u32 s0, v6;
	v17 =	vld.idx.msk [tilespmem:v17+s3+$0x0], $0xffff  }
0x325: {  	v23 =	vor.u32 s0, v7;
	v18 =	vld.idx.msk [tilespmem:v18+s3+$0x0], $0xffff  }
0x326: {  	v24 =	vor.u32 s0, v8;
	s5 =	simm.s32 $0x1E0;
	v19 =	vld.idx.msk [tilespmem:v19+s3+$0x0], $0xffff  }
0x327: {  	v29 =	vor.u32 s5, v7;
	v20 =	vld.idx.msk [tilespmem:v20+s3+$0x0], $0xffff  }
0x328: {  	s6 =	simm.s32 $0x1C0;
	v32 =	vor.u32 s5, v8;
	v21 =	vld.idx.msk [tilespmem:v21+s3+$0x0], $0xffff  }
0x329: {  	v34 =	vor.u32 s6, v5;
	v22 =	vld.idx.msk [tilespmem:v22+s3+$0x0], $0xffff  }
0x32a: {  	v35 =	vor.u32 s6, v6;
	v23 =	vld.idx.msk [tilespmem:v23+s3+$0x0], $0xffff  }
0x32b: {  	v24 =	vld.idx.msk [tilespmem:v24+s3+$0x0], $0xffff;
	v9 =	vmul.f32 $2.560000000e+02, v9;
	v10 =	vmul.f32 $4.096000000e+03, v10  }
0x32c: {  	v29 =	vld.idx.msk [tilespmem:v29+s3+$0x0], $0xffff;
	v11 =	vmul.f32 $2.560000000e+02, v11;
	v12 =	vmul.f32 $4.096000000e+03, v12  }
0x32d: {  	v32 =	vld.idx.msk [tilespmem:v32+s3+$0x0], $0xffff;
	v13 =	vmul.f32 $2.560000000e+02, v13;
	v14 =	vmul.f32 $4.096000000e+03, v14  }
0x32e: {  	v34 =	vld.idx.msk [tilespmem:v34+s3+$0x0], $0xffff;
	v15 =	vmul.f32 $2.560000000e+02, v15;
	v16 =	vmul.f32 $4.096000000e+03, v16  }
0x32f: {  	v35 =	vld.idx.msk [tilespmem:v35+s3+$0x0], $0xffff;
	v17 =	vmul.f32 $2.560000000e+02, v17;
	v18 =	vmul.f32 $4.096000000e+03, v18  }
0x330: {  	v19 =	vmul.f32 $4.096000000e+03, v19;
	v20 =	vmul.f32 $2.560000000e+02, v20  }
0x331: {  	v21 =	vmul.f32 $4.096000000e+03, v21;
	v22 =	vmul.f32 $2.560000000e+02, v22  }
0x332: {  	v23 =	vmul.f32 $4.096000000e+03, v23;
	v24 =	vmul.f32 $2.560000000e+02, v24  }
0x333: {  	v29 =	vmul.f32 $4.096000000e+03, v29;
	v32 =	vmul.f32 $2.560000000e+02, v32  }
0x334: {  	v54 =	vmul.f32 $4.096000000e+03, v34;
	v55 =	vmul.f32 $2.560000000e+02, v35  }
0x335: {  	s0 =	simm.s32 $0x100;
	v9 =	vtrunc.f32 v9;
	v10 =	vtrunc.f32 v10  }
0x336: {  	v25 =	vor.u32 s0, v3;
	v11 =	vtrunc.f32 v11;
	v12 =	vtrunc.f32 v12  }
0x337: {  	v13 =	vtrunc.f32 v13;
	v14 =	vtrunc.f32 v14  }
0x338: {  	s2 =	simm.s32 $0x180;
	v15 =	vtrunc.f32 v15;
	v16 =	vtrunc.f32 v16  }
0x339: {  	v27 =	vor.u32 s2, v1;
	v17 =	vtrunc.f32 v17;
	v18 =	vtrunc.f32 v18  }
0x33a: {  	s4 =	simm.s32 $0x1A0;
	v28 =	vor.u32 s2, v2;
	v10 =	vcvt.f32.s32 v10;
	v11 =	vcvt.f32.s32 v11  }
0x33b: {  	v30 =	vor.u32 s4, v3;
	v25 =	vld.idx.msk [tilespmem:v25+s3+$0x0], $0xffff;
	v19 =	vtrunc.f32 v19;
	v20 =	vtrunc.f32 v20  }
0x33c: {  	v21 =	vtrunc.f32 v21;
	v10 =	vand.u32 $0xF00, v10;
	v11 =	vand.u32 $0xF0, v11  }
0x33d: {  	v22 =	vtrunc.f32 v22;
	v23 =	vtrunc.f32 v23;
	v10 =	vor.u32 v11, v10  }
0x33e: {  	v11 =	vcvt.f32.s32 v12;
	v12 =	vcvt.f32.s32 v13;
	v13 =	vor.u32 v0, v10  }
0x33f: {  	v10 =	vcvt.f32.s32 v14;
	v14 =	vcvt.f32.s32 v15;
	v15 =	vor.u32 s0, v2  }
0x340: {  	v31 =	vor.u32 s4, v4;
	v24 =	vtrunc.f32 v24;
	v25 =	vmul.f32 $4.096000000e+03, v25  }
0x341: {  	v26 =	vor.u32 s0, v4;
	v16 =	vcvt.f32.s32 v16;
	v17 =	vcvt.f32.s32 v17  }
0x342: {  	v33 =	vor.u32 s0, v5;
	v28 =	vld.idx.msk [tilespmem:v28+s3+$0x0], $0xffff;
	v18 =	vcvt.f32.s32 v18;
	v9 =	vcvt.f32.s32 v9  }
0x343: {  	v36 =	vor.u32 s0, v6;
	v30 =	vld.idx.msk [tilespmem:v30+s3+$0x0], $0xffff;
	v19 =	vcvt.f32.s32 v19;
	v20 =	vcvt.f32.s32 v20  }
0x344: {  	v37 =	vor.u32 s0, v7;
	v21 =	vcvt.f32.s32 v21;
	v22 =	vcvt.f32.s32 v22;
	v15 =	vld.idx.msk [tilespmem:v15+s3+$0x0], $0xffff  }
0x345: {  	v38 =	vor.u32 s0, v8;
	v31 =	vld.idx.msk [tilespmem:v31+s3+$0x0], $0xffff;
	v23 =	vcvt.f32.s32 v23;
	v24 =	vcvt.f32.s32 v24  }
0x346: {  	v27 =	vld.idx.msk [tilespmem:v27+s3+$0x0], $0xffff;
	v18 =	vand.u32 $0xF00, v18;
	v16 =	vand.u32 $0xF00, v16;
	v17 =	vand.u32 $0xF0, v17  }
0x347: {  	v39 =	vand.u32 $0xF0, v9;
	v11 =	vand.u32 $0xF00, v11;
	v12 =	vand.u32 $0xF0, v12  }
0x348: {  	v11 =	vor.u32 v12, v11;
	v10 =	vand.u32 $0xF00, v10;
	v14 =	vand.u32 $0xF0, v14  }
0x349: {  	v14 =	vor.u32 v14, v10;
	v10 =	vld.idx.msk [tilespmem:v26+s3+$0x0], $0xffff;
	v26 =	vmul.f32 $2.560000000e+02, v28;
	v15 =	vmul.f32 $2.560000000e+02, v15  }
0x34a: {  	v28 =	vmul.f32 $4.096000000e+03, v30;
	v30 =	vor.u32 v17, v16;
	v17 =	vmul.f32 $2.560000000e+02, v31  }
0x34b: {  	v12 =	vor.u32 s0, v1;
	v9 =	vtrunc.f32 v15;
	v15 =	vmul.f32 $4.096000000e+03, v27  }
0x34c: {  	v19 =	vand.u32 $0xF00, v19;
	v31 =	vld.idx.msk [tilespmem:v36+s3+$0x0], $0xffff;
	v27 =	vtrunc.f32 v29;
	v29 =	vtrunc.f32 v32  }
0x34d: {  	v21 =	vand.u32 $0xF00, v21;
	v27 =	vcvt.f32.s32 v27;
	v29 =	vcvt.f32.s32 v29  }
0x34e: {  	v22 =	vand.u32 $0xF0, v22;
	v23 =	vand.u32 $0xF00, v23;
	v24 =	vand.u32 $0xF0, v24;
	v16 =	vld.idx.msk [tilespmem:v33+s3+$0x0], $0xffff  }
0x34f: {  	v21 =	vor.u32 v22, v21;
	v27 =	vand.u32 $0xF00, v27;
	v29 =	vand.u32 $0xF0, v29  }
0x350: {  	v58 =	vtrunc.f32 v26;
	v60 =	vtrunc.f32 v28;
	v12 =	vld.idx.msk [tilespmem:v12+s3+$0x0], $0xffff;
	v27 =	vor.u32 v29, v27  }
0x351: {  	v22 =	vmul.f32 $2.560000000e+02, v31;
	v31 =	vor.u32 v24, v23;
	v23 =	vld.idx.msk [tilespmem:v13+s21+$0x0], $0xffff;
	v27 =	vor.u32 v0, v27  }
0x352: {  	v20 =	vand.u32 $0xF0, v20;
	v61 =	vtrunc.f32 v17;
	v59 =	vmul.f32 $2.560000000e+02, v10;
	v29 =	vld.idx.msk [tilespmem:v37+s3+$0x0], $0xffff  }
0x353: {  	v57 =	vld.idx.msk [tilespmem:v38+s3+$0x0], $0xffff;
	v19 =	vor.u32 v20, v19;
	v20 =	vmul.f32 $4.096000000e+03, v16;
	v10 =	vtrunc.f32 v54  }
0x354: {  	v62 =	vor.u32 v0, v11;
	v16 =	vtrunc.f32 v25;
	v25 =	vcvt.f32.s32 v60  }
0x355: {  	v63 =	vor.u32 v0, v14;
	v17 =	vtrunc.f32 v59;
	v13 =	vtrunc.f32 v20  }
0x356: {  	s1 =	simm.s32 $0x8040;
	v26 =	vor.u32 v39, v18;
	v14 =	vtrunc.f32 v22;
	v12 =	vmul.f32 $4.096000000e+03, v12;
	v27 =	vld.idx.msk [tilespmem:v27+s21+$0x0], $0xffff  }
0x357: {  	v28 =	vor.u32 v0, v30;
	[tilespmem:s1+$0x30] =	vst v23;
	v23 =	vcvt.f32.s32 v58;
	v24 =	vmul.f32 $4.096000000e+03, v29  }
0x358: {  	v26 =	vor.u32 v0, v26;
	v18 =	vtrunc.f32 v12;
	v12 =	vmul.f32 $2.560000000e+02, v57  }
0x359: {  	v56 =	vtrunc.f32 v15;
	v11 =	vtrunc.f32 v24;
	v24 =	vor.u32 v0, v19  }
0x35a: {  	s31 =	simm.s32 $0x80C0;
	v21 =	vor.u32 v0, v21;
	v20 =	vld.idx.msk [tilespmem:v62+s21+$0x0], $0xffff;
	v15 =	vtrunc.f32 v55;
	v12 =	vtrunc.f32 v12  }
0x35b: {  	s2 =	simm.s32 $0x200;
	s0 =	simm.s32 $0x8;
	v22 =	vld.idx.msk [tilespmem:v63+s21+$0x0], $0xffff;
	v29 =	vcvt.f32.s32 v56;
	v19 =	vcvt.f32.s32 v61;
	[tilespmem:s31+$0x30] =	vst v27;
	v27 =	vor.u32 v0, v31  }
.LBB2_14:
0x35c: {  	v30 =	vor.u32 s2, v2;
	v31 =	vor.u32 s2, v3;
	v32 =	vor.u32 s2, v4;
	s4 =	sadd.s32 $0x80, s2;
	s5 =	sadd.s32 $0xA0, s2;
	s6 =	sadd.s32 $0xE0, s2;
	v28 =	vld.idx.msk [tilespmem:v28+s21+$0x0], $0xffff  }
0x35d: {  	s0 =	sadd.s32 $0x8, s0;
	v33 =	vor.u32 s4, v1;
	v34 =	vor.u32 s4, v2;
	s4 =	sadd.s32 $0xC0, s2;
	v35 =	vor.u32 s6, v7;
	v26 =	vld.idx.msk [tilespmem:v26+s21+$0x0], $0xffff  }
0x35e: {  	v36 =	vor.u32 s5, v3;
	v37 =	vor.u32 s5, v4;
	v38 =	vor.u32 s6, v8;
	p0 =	slt.u32 s0, $0x1F8;
	v24 =	vld.idx.msk [tilespmem:v24+s21+$0x0], $0xffff  }
0x35f: {  	v39 =	vor.u32 s2, v5;
	v40 =	vor.u32 s4, v5;
	v41 =	vor.u32 s4, v6;
	v21 =	vld.idx.msk [tilespmem:v21+s21+$0x0], $0xffff  }
0x360: {  	v42 =	vor.u32 s2, v6;
	v43 =	vor.u32 s2, v7;
	v44 =	vor.u32 s2, v8;
	v27 =	vld.idx.msk [tilespmem:v27+s21+$0x0], $0xffff;
	[tilespmem:s1+$0x0] =	vst v20  }
0x361: {  	v10 =	vcvt.f32.s32 v10;
	v15 =	vcvt.f32.s32 v15;
	v20 =	vor.u32 s2, v1;
	v30 =	vld.idx.msk [tilespmem:v30+s3+$0x0], $0xffff;
	[tilespmem:s1+$0x10] =	vst v22  }
0x362: {  	v18 =	vcvt.f32.s32 v18;
	v9 =	vcvt.f32.s32 v9;
	v29 =	vand.u32 $0xF00, v29;
	v22 =	vld.idx.msk [tilespmem:v35+s3+$0x0], $0xffff;
	[tilespmem:s1+$0x20] =	vst v28  }
0x363: {  	v16 =	vcvt.f32.s32 v16;
	v17 =	vcvt.f32.s32 v17;
	v23 =	vand.u32 $0xF0, v23;
	v28 =	vld.idx.msk [tilespmem:v38+s3+$0x0], $0xffff;
	[tilespmem:s1+$0xFFFFFFC0] =	vst v26  }
0x364: {  	v13 =	vcvt.f32.s32 v13;
	v14 =	vcvt.f32.s32 v14;
	v25 =	vand.u32 $0xF00, v25;
	v26 =	vld.idx.msk [tilespmem:v33+s3+$0x0], $0xffff;
	[tilespmem:s1+$0xFFFFFFD0] =	vst v24  }
0x365: {  	v11 =	vcvt.f32.s32 v11;
	v12 =	vcvt.f32.s32 v12;
	v19 =	vand.u32 $0xF0, v19;
	v24 =	vld.idx.msk [tilespmem:v34+s3+$0x0], $0xffff;
	[tilespmem:s1+$0xFFFFFFE0] =	vst v21  }
0x366: {  	v18 =	vand.u32 $0xF00, v18;
	v10 =	vand.u32 $0xF00, v10;
	v15 =	vand.u32 $0xF0, v15;
	v21 =	vld.idx.msk [tilespmem:v36+s3+$0x0], $0xffff;
	[tilespmem:s1+$0xFFFFFFF0] =	vst v27;
	s1 =	smov.u32 s31  }
0x367: {  	v16 =	vand.u32 $0xF00, v16;
	v33 =	vand.u32 $0xF0, v9;
	v27 =	vmul.f32 $2.560000000e+02, v30;
	v30 =	vld.idx.msk [tilespmem:v37+s3+$0x0], $0xffff  }
0x368: {  	v17 =	vand.u32 $0xF0, v17;
	v13 =	vand.u32 $0xF00, v13;
	v14 =	vand.u32 $0xF0, v14;
	v34 =	vld.idx.msk [tilespmem:v40+s3+$0x0], $0xffff  }
0x369: {  	v11 =	vand.u32 $0xF00, v11;
	v22 =	vmul.f32 $4.096000000e+03, v22;
	v28 =	vmul.f32 $2.560000000e+02, v28;
	v35 =	vld.idx.msk [tilespmem:v41+s3+$0x0], $0xffff  }
0x36a: {  	v12 =	vand.u32 $0xF0, v12;
	v9 =	vtrunc.f32 v27;
	v26 =	vmul.f32 $4.096000000e+03, v26;
	v20 =	vld.idx.msk [tilespmem:v20+s3+$0x0], $0xffff  }
0x36b: {  	v23 =	vor.u32 v23, v29;
	v22 =	vtrunc.f32 v22;
	v28 =	vtrunc.f32 v28;
	v27 =	vld.idx.msk [tilespmem:v31+s3+$0x0], $0xffff  }
0x36c: {  	v19 =	vor.u32 v19, v25;
	v22 =	vcvt.f32.s32 v22;
	v28 =	vcvt.f32.s32 v28;
	v29 =	vld.idx.msk [tilespmem:v32+s3+$0x0], $0xffff  }
0x36d: {  	v24 =	vmul.f32 $2.560000000e+02, v24;
	v21 =	vmul.f32 $4.096000000e+03, v21;
	v31 =	vor.u32 v15, v10;
	v25 =	vld.idx.msk [tilespmem:v39+s3+$0x0], $0xffff  }
0x36e: {  	v15 =	vmul.f32 $2.560000000e+02, v30;
	v22 =	vand.u32 $0xF00, v22;
	v28 =	vand.u32 $0xF0, v28;
	v10 =	vld.idx.msk [tilespmem:v42+s3+$0x0], $0xffff  }
0x36f: {  	v32 =	vmul.f32 $4.096000000e+03, v34;
	v34 =	vmul.f32 $2.560000000e+02, v35;
	v22 =	vor.u32 v28, v22;
	v30 =	vld.idx.msk [tilespmem:v43+s3+$0x0], $0xffff  }
0x370: {  	v35 =	vtrunc.f32 v26;
	v20 =	vmul.f32 $4.096000000e+03, v20;
	v22 =	vor.u32 v0, v22;
	v28 =	vld.idx.msk [tilespmem:v44+s3+$0x0], $0xffff  }
0x371: {  	v26 =	vmul.f32 $4.096000000e+03, v27;
	v27 =	vtrunc.f32 v24;
	v24 =	vor.u32 v33, v18  }
0x372: {  	v33 =	vtrunc.f32 v21;
	v21 =	vor.u32 v17, v16;
	v29 =	vmul.f32 $2.560000000e+02, v29  }
0x373: {  	v37 =	vor.u32 v14, v13;
	v36 =	vtrunc.f32 v15;
	v25 =	vmul.f32 $4.096000000e+03, v25  }
0x374: {  	v14 =	vmul.f32 $2.560000000e+02, v10;
	v10 =	vtrunc.f32 v32;
	v32 =	vor.u32 v12, v11  }
0x375: {  	v15 =	vtrunc.f32 v34;
	v11 =	vmul.f32 $4.096000000e+03, v30;
	v30 =	vor.u32 v0, v23;
	v22 =	vld.idx.msk [tilespmem:v22+s21+$0x0], $0xffff  }
0x376: {  	v34 =	vor.u32 v0, v19;
	v18 =	vtrunc.f32 v20;
	v12 =	vmul.f32 $2.560000000e+02, v28  }
.Ltmp6:
0x377: {  	v16 =	vtrunc.f32 v26;
	v17 =	vtrunc.f32 v29;
	v28 =	vor.u32 v0, v31;
	(pc) =	sbr.rel @p0 .LBB2_14-.Ltmp6, $4  }
0x378: {  	v26 =	vor.u32 v0, v24;
	v13 =	vtrunc.f32 v25;
	v14 =	vtrunc.f32 v14  }
0x379: {  	v24 =	vor.u32 v0, v21;
	v11 =	vtrunc.f32 v11;
	v12 =	vtrunc.f32 v12  }
0x37a: {  	s31 =	sadd.s32 $0x80, s31;
	v21 =	vor.u32 v0, v37;
	v29 =	vcvt.f32.s32 v35;
	v23 =	vcvt.f32.s32 v27;
	v20 =	vld.idx.msk [tilespmem:v30+s21+$0x0], $0xffff  }
0x37b: {  	s2 =	sadd.s32 $0x100, s2;
	v19 =	vcvt.f32.s32 v36;
	v25 =	vcvt.f32.s32 v33;
	v27 =	vor.u32 v0, v32;
	[tilespmem:s31+$0x30] =	vst v22;
	v22 =	vld.idx.msk [tilespmem:v34+s21+$0x0], $0xffff  }
0x37c: {  	v10 =	vcvt.f32.s32 v10  }
0x37d: {  	v15 =	vcvt.f32.s32 v15;
	v18 =	vcvt.f32.s32 v18  }
0x37e: {  	v9 =	vcvt.f32.s32 v9;
	v16 =	vcvt.f32.s32 v16  }
0x37f: {  	v29 =	vand.u32 $0xF00, v29;
	v17 =	vcvt.f32.s32 v17;
	v13 =	vcvt.f32.s32 v13  }
0x380: {  	v23 =	vand.u32 $0xF0, v23;
	v14 =	vcvt.f32.s32 v14;
	v11 =	vcvt.f32.s32 v11  }
0x381: {  	v12 =	vcvt.f32.s32 v12;
	v25 =	vand.u32 $0xF00, v25;
	v19 =	vand.u32 $0xF0, v19  }
0x382: {  	v23 =	vor.u32 v23, v29;
	v18 =	vand.u32 $0xF00, v18;
	v10 =	vand.u32 $0xF00, v10  }
0x383: {  	v15 =	vand.u32 $0xF0, v15;
	v9 =	vand.u32 $0xF0, v9;
	v16 =	vand.u32 $0xF00, v16  }
0x384: {  	v28 =	vld.idx.msk [tilespmem:v28+s21+$0x0], $0xffff;
	v17 =	vand.u32 $0xF0, v17;
	v19 =	vor.u32 v19, v25;
	v23 =	vor.u32 v0, v23  }
0x385: {  	v25 =	vld.idx.msk [tilespmem:v26+s21+$0x0], $0xffff;
	v13 =	vand.u32 $0xF00, v13;
	v10 =	vor.u32 v15, v10;
	v15 =	vor.u32 v0, v19  }
0x386: {  	v14 =	vand.u32 $0xF0, v14;
	v19 =	vld.idx.msk [tilespmem:v24+s21+$0x0], $0xffff;
	v9 =	vor.u32 v9, v18;
	v10 =	vor.u32 v0, v10  }
0x387: {  	v11 =	vand.u32 $0xF00, v11;
	v18 =	vld.idx.msk [tilespmem:v21+s21+$0x0], $0xffff;
	[tilespmem:s1+$0x0] =	vst v20;
	v16 =	vor.u32 v17, v16;
	v9 =	vor.u32 v0, v9  }
0x388: {  	v12 =	vand.u32 $0xF0, v12;
	v17 =	vld.idx.msk [tilespmem:v27+s21+$0x0], $0xffff;
	v13 =	vor.u32 v14, v13;
	[tilespmem:s1+$0x10] =	vst v22;
	v14 =	vor.u32 v0, v16  }
0x389: {  	v11 =	vor.u32 v12, v11;
	v12 =	vor.u32 v0, v13;
	[tilespmem:s1+$0x20] =	vst v28;
	v13 =	vld.idx.msk [tilespmem:v23+s21+$0x0], $0xffff  }
0x38a: {  	v11 =	vor.u32 v0, v11;
	[tilespmem:s1+$0xFFFFFFC0] =	vst v25;
	v15 =	vld.idx.msk [tilespmem:v15+s21+$0x0], $0xffff  }
0x38b: {  	[tilespmem:s1+$0xFFFFFFD0] =	vst v19;
	v10 =	vld.idx.msk [tilespmem:v10+s21+$0x0], $0xffff  }
0x38c: {  	[tilespmem:s1+$0xFFFFFFE0] =	vst v18;
	v9 =	vld.idx.msk [tilespmem:v9+s21+$0x0], $0xffff  }
0x38d: {  	[tilespmem:s1+$0xFFFFFFF0] =	vst v17;
	v14 =	vld.idx.msk [tilespmem:v14+s21+$0x0], $0xffff  }
0x38e: {  	v12 =	vld.idx.msk [tilespmem:v12+s21+$0x0], $0xffff;
	[tilespmem:s31+$0x0] =	vst v13  }
0x38f: {  	v11 =	vld.idx.msk [tilespmem:v11+s21+$0x0], $0xffff;
	[tilespmem:s31+$0x10] =	vst v15  }
0x390: {  	[tilespmem:s31+$0x20] =	vst v10  }
0x391: {  	[tilespmem:s31+$0xFFFFFFC0] =	vst v9  }
0x392: {  	[tilespmem:s31+$0xFFFFFFD0] =	vst v14  }
0x393: {  	[tilespmem:s31+$0xFFFFFFE0] =	vst v12  }
0x394: {  	s0 =	simm.s32 $0x0;
	[tilespmem:s31+$0xFFFFFFF0] =	vst v11  }
0x395: {  	[hbm4b:s18+s0] =	stream.linear.scatter [tilespmem:s25], [sflag:$0x2], $0x2000, $0x38;
	[tilespmem:$0xD000] =	vst v63  }
0x396: {  	_ =	swait.ge [sflag:s23], $0x4000  }
0x397: {  	s4 =	simm.s32 $0xE0;
	v9 =	vor.u32 s0, v2;
	[sflag:s23] =	ssyncset.done $0x0  }
0x398: {  	v10 =	vor.u32 s4, v7;
	[sflag:s23] =	ssyncadd.s32 $0xFFFFC000  }
0x399: {  	s2 =	simm.s32 $0x80;
	v11 =	vor.u32 s4, v8;
	_ =	swait.ge [sflag:s29], $0x2000  }
0x39a: {  	v12 =	vor.u32 s2, v1;
	[sflag:s29] =	ssyncset.done $0x0  }
0x39b: {  	s5 =	simm.s32 $0xA0;
	v13 =	vor.u32 s2, v2;
	[sflag:s29] =	ssyncadd.s32 $0xFFFFE000  }
0x39c: {  	v14 =	vor.u32 s5, v3;
	v9 =	vld.idx.msk [tilespmem:v9+s24+$0x0], $0xffff  }
0x39d: {  	s6 =	simm.s32 $0xC0;
	v15 =	vor.u32 s5, v4;
	v10 =	vld.idx.msk [tilespmem:v10+s24+$0x0], $0xffff  }
0x39e: {  	v16 =	vor.u32 s6, v5;
	v11 =	vld.idx.msk [tilespmem:v11+s24+$0x0], $0xffff  }
0x39f: {  	v17 =	vor.u32 s6, v6;
	v12 =	vld.idx.msk [tilespmem:v12+s24+$0x0], $0xffff  }
0x3a0: {  	v18 =	vor.u32 s0, v1;
	v13 =	vld.idx.msk [tilespmem:v13+s24+$0x0], $0xffff  }
0x3a1: {  	v19 =	vor.u32 s0, v3;
	v14 =	vld.idx.msk [tilespmem:v14+s24+$0x0], $0xffff  }
0x3a2: {  	v20 =	vor.u32 s0, v4;
	v15 =	vld.idx.msk [tilespmem:v15+s24+$0x0], $0xffff  }
0x3a3: {  	v21 =	vor.u32 s0, v5;
	v16 =	vld.idx.msk [tilespmem:v16+s24+$0x0], $0xffff  }
0x3a4: {  	v22 =	vor.u32 s0, v6;
	v17 =	vld.idx.msk [tilespmem:v17+s24+$0x0], $0xffff  }
0x3a5: {  	v23 =	vor.u32 s0, v7;
	v18 =	vld.idx.msk [tilespmem:v18+s24+$0x0], $0xffff  }
0x3a6: {  	v24 =	vor.u32 s0, v8;
	s5 =	simm.s32 $0x1E0;
	v19 =	vld.idx.msk [tilespmem:v19+s24+$0x0], $0xffff  }
0x3a7: {  	v29 =	vor.u32 s5, v7;
	v20 =	vld.idx.msk [tilespmem:v20+s24+$0x0], $0xffff  }
0x3a8: {  	s6 =	simm.s32 $0x1C0;
	v32 =	vor.u32 s5, v8;
	v21 =	vld.idx.msk [tilespmem:v21+s24+$0x0], $0xffff  }
0x3a9: {  	v34 =	vor.u32 s6, v5;
	v22 =	vld.idx.msk [tilespmem:v22+s24+$0x0], $0xffff  }
0x3aa: {  	v35 =	vor.u32 s6, v6;
	s0 =	simm.s32 $0x100;
	v23 =	vld.idx.msk [tilespmem:v23+s24+$0x0], $0xffff  }
0x3ab: {  	v25 =	vor.u32 s0, v3;
	v24 =	vld.idx.msk [tilespmem:v24+s24+$0x0], $0xffff;
	v9 =	vmul.f32 $2.560000000e+02, v9;
	v10 =	vmul.f32 $4.096000000e+03, v10  }
0x3ac: {  	v29 =	vld.idx.msk [tilespmem:v29+s24+$0x0], $0xffff;
	v11 =	vmul.f32 $2.560000000e+02, v11;
	v12 =	vmul.f32 $4.096000000e+03, v12  }
0x3ad: {  	v32 =	vld.idx.msk [tilespmem:v32+s24+$0x0], $0xffff;
	v13 =	vmul.f32 $2.560000000e+02, v13;
	v14 =	vmul.f32 $4.096000000e+03, v14  }
0x3ae: {  	v34 =	vld.idx.msk [tilespmem:v34+s24+$0x0], $0xffff;
	v15 =	vmul.f32 $2.560000000e+02, v15;
	v16 =	vmul.f32 $4.096000000e+03, v16  }
0x3af: {  	v35 =	vld.idx.msk [tilespmem:v35+s24+$0x0], $0xffff;
	v17 =	vmul.f32 $2.560000000e+02, v17;
	v18 =	vmul.f32 $4.096000000e+03, v18  }
0x3b0: {  	v25 =	vld.idx.msk [tilespmem:v25+s24+$0x0], $0xffff;
	v19 =	vmul.f32 $4.096000000e+03, v19;
	v20 =	vmul.f32 $2.560000000e+02, v20  }
0x3b1: {  	v21 =	vmul.f32 $4.096000000e+03, v21;
	v22 =	vmul.f32 $2.560000000e+02, v22  }
0x3b2: {  	v23 =	vmul.f32 $4.096000000e+03, v23;
	v24 =	vmul.f32 $2.560000000e+02, v24  }
0x3b3: {  	v29 =	vmul.f32 $4.096000000e+03, v29;
	v32 =	vmul.f32 $2.560000000e+02, v32  }
0x3b4: {  	v54 =	vmul.f32 $4.096000000e+03, v34;
	v55 =	vmul.f32 $2.560000000e+02, v35  }
0x3b5: {  	v25 =	vmul.f32 $4.096000000e+03, v25;
	v9 =	vtrunc.f32 v9  }
0x3b6: {  	v10 =	vtrunc.f32 v10;
	v11 =	vtrunc.f32 v11  }
0x3b7: {  	v12 =	vtrunc.f32 v12;
	v13 =	vtrunc.f32 v13  }
0x3b8: {  	s2 =	simm.s32 $0x180;
	v14 =	vtrunc.f32 v14;
	v15 =	vtrunc.f32 v15  }
0x3b9: {  	v27 =	vor.u32 s2, v1;
	v16 =	vtrunc.f32 v16;
	v17 =	vtrunc.f32 v17  }
0x3ba: {  	s4 =	simm.s32 $0x1A0;
	v28 =	vor.u32 s2, v2;
	v10 =	vcvt.f32.s32 v10;
	v11 =	vcvt.f32.s32 v11  }
0x3bb: {  	v30 =	vor.u32 s4, v3;
	v18 =	vtrunc.f32 v18;
	v19 =	vtrunc.f32 v19  }
0x3bc: {  	v20 =	vtrunc.f32 v20;
	v10 =	vand.u32 $0xF00, v10;
	v11 =	vand.u32 $0xF0, v11  }
0x3bd: {  	v21 =	vtrunc.f32 v21;
	v22 =	vtrunc.f32 v22;
	v10 =	vor.u32 v11, v10  }
0x3be: {  	v11 =	vcvt.f32.s32 v12;
	v12 =	vcvt.f32.s32 v13;
	v13 =	vor.u32 v0, v10  }
0x3bf: {  	v10 =	vcvt.f32.s32 v14;
	v14 =	vcvt.f32.s32 v15;
	v15 =	vor.u32 s0, v2  }
0x3c0: {  	v31 =	vor.u32 s4, v4;
	v23 =	vtrunc.f32 v23;
	v24 =	vtrunc.f32 v24  }
0x3c1: {  	v26 =	vor.u32 s0, v4;
	v16 =	vcvt.f32.s32 v16;
	v17 =	vcvt.f32.s32 v17  }
0x3c2: {  	v33 =	vor.u32 s0, v5;
	v28 =	vld.idx.msk [tilespmem:v28+s24+$0x0], $0xffff;
	v18 =	vcvt.f32.s32 v18;
	v9 =	vcvt.f32.s32 v9  }
0x3c3: {  	v36 =	vor.u32 s0, v6;
	v30 =	vld.idx.msk [tilespmem:v30+s24+$0x0], $0xffff;
	v19 =	vcvt.f32.s32 v19;
	v20 =	vcvt.f32.s32 v20  }
0x3c4: {  	v37 =	vor.u32 s0, v7;
	v21 =	vcvt.f32.s32 v21;
	v22 =	vcvt.f32.s32 v22;
	v15 =	vld.idx.msk [tilespmem:v15+s24+$0x0], $0xffff  }
0x3c5: {  	v38 =	vor.u32 s0, v8;
	v31 =	vld.idx.msk [tilespmem:v31+s24+$0x0], $0xffff;
	v23 =	vcvt.f32.s32 v23;
	v24 =	vcvt.f32.s32 v24  }
0x3c6: {  	v27 =	vld.idx.msk [tilespmem:v27+s24+$0x0], $0xffff;
	v18 =	vand.u32 $0xF00, v18;
	v16 =	vand.u32 $0xF00, v16;
	v17 =	vand.u32 $0xF0, v17  }
0x3c7: {  	v39 =	vand.u32 $0xF0, v9;
	v11 =	vand.u32 $0xF00, v11;
	v12 =	vand.u32 $0xF0, v12  }
0x3c8: {  	v11 =	vor.u32 v12, v11;
	v10 =	vand.u32 $0xF00, v10;
	v14 =	vand.u32 $0xF0, v14  }
0x3c9: {  	v14 =	vor.u32 v14, v10;
	v10 =	vld.idx.msk [tilespmem:v26+s24+$0x0], $0xffff;
	v26 =	vmul.f32 $2.560000000e+02, v28;
	v15 =	vmul.f32 $2.560000000e+02, v15  }
0x3ca: {  	v28 =	vmul.f32 $4.096000000e+03, v30;
	v30 =	vor.u32 v17, v16;
	v17 =	vmul.f32 $2.560000000e+02, v31  }
0x3cb: {  	v12 =	vor.u32 s0, v1;
	v9 =	vtrunc.f32 v15;
	v15 =	vmul.f32 $4.096000000e+03, v27  }
0x3cc: {  	v19 =	vand.u32 $0xF00, v19;
	v31 =	vld.idx.msk [tilespmem:v36+s24+$0x0], $0xffff;
	v27 =	vtrunc.f32 v29;
	v29 =	vtrunc.f32 v32  }
0x3cd: {  	v21 =	vand.u32 $0xF00, v21;
	v27 =	vcvt.f32.s32 v27;
	v29 =	vcvt.f32.s32 v29  }
0x3ce: {  	v22 =	vand.u32 $0xF0, v22;
	v23 =	vand.u32 $0xF00, v23;
	v24 =	vand.u32 $0xF0, v24;
	v16 =	vld.idx.msk [tilespmem:v33+s24+$0x0], $0xffff  }
0x3cf: {  	v21 =	vor.u32 v22, v21;
	v27 =	vand.u32 $0xF00, v27;
	v29 =	vand.u32 $0xF0, v29  }
0x3d0: {  	v58 =	vtrunc.f32 v26;
	v60 =	vtrunc.f32 v28;
	v12 =	vld.idx.msk [tilespmem:v12+s24+$0x0], $0xffff;
	v27 =	vor.u32 v29, v27  }
0x3d1: {  	v22 =	vmul.f32 $2.560000000e+02, v31;
	v31 =	vor.u32 v24, v23;
	v23 =	vld.idx.msk [tilespmem:v13+s21+$0x0], $0xffff;
	v27 =	vor.u32 v0, v27  }
0x3d2: {  	v20 =	vand.u32 $0xF0, v20;
	v61 =	vtrunc.f32 v17;
	v59 =	vmul.f32 $2.560000000e+02, v10;
	v29 =	vld.idx.msk [tilespmem:v37+s24+$0x0], $0xffff  }
0x3d3: {  	v57 =	vld.idx.msk [tilespmem:v38+s24+$0x0], $0xffff;
	v19 =	vor.u32 v20, v19;
	v20 =	vmul.f32 $4.096000000e+03, v16;
	v10 =	vtrunc.f32 v54  }
0x3d4: {  	v62 =	vor.u32 v0, v11;
	v16 =	vtrunc.f32 v25;
	v25 =	vcvt.f32.s32 v60  }
0x3d5: {  	v63 =	vor.u32 v0, v14;
	v17 =	vtrunc.f32 v59;
	v13 =	vtrunc.f32 v20  }
0x3d6: {  	s1 =	simm.s32 $0xA040;
	v26 =	vor.u32 v39, v18;
	v14 =	vtrunc.f32 v22;
	v12 =	vmul.f32 $4.096000000e+03, v12;
	v27 =	vld.idx.msk [tilespmem:v27+s21+$0x0], $0xffff  }
0x3d7: {  	v28 =	vor.u32 v0, v30;
	[tilespmem:s1+$0x30] =	vst v23;
	v23 =	vcvt.f32.s32 v58;
	v24 =	vmul.f32 $4.096000000e+03, v29  }
0x3d8: {  	v26 =	vor.u32 v0, v26;
	v18 =	vtrunc.f32 v12;
	v12 =	vmul.f32 $2.560000000e+02, v57  }
0x3d9: {  	v56 =	vtrunc.f32 v15;
	v11 =	vtrunc.f32 v24;
	v24 =	vor.u32 v0, v19  }
0x3da: {  	s31 =	simm.s32 $0xA0C0;
	v21 =	vor.u32 v0, v21;
	v20 =	vld.idx.msk [tilespmem:v62+s21+$0x0], $0xffff;
	v15 =	vtrunc.f32 v55;
	v12 =	vtrunc.f32 v12  }
0x3db: {  	s2 =	simm.s32 $0x200;
	s0 =	simm.s32 $0x8;
	v22 =	vld.idx.msk [tilespmem:v63+s21+$0x0], $0xffff;
	v29 =	vcvt.f32.s32 v56;
	v19 =	vcvt.f32.s32 v61;
	[tilespmem:s31+$0x30] =	vst v27;
	v27 =	vor.u32 v0, v31  }
.LBB2_16:
0x3dc: {  	v30 =	vor.u32 s2, v2;
	v31 =	vor.u32 s2, v3;
	v32 =	vor.u32 s2, v4;
	s4 =	sadd.s32 $0x80, s2;
	s5 =	sadd.s32 $0xA0, s2;
	s6 =	sadd.s32 $0xE0, s2;
	v28 =	vld.idx.msk [tilespmem:v28+s21+$0x0], $0xffff  }
0x3dd: {  	s0 =	sadd.s32 $0x8, s0;
	v33 =	vor.u32 s4, v1;
	v34 =	vor.u32 s4, v2;
	s4 =	sadd.s32 $0xC0, s2;
	v35 =	vor.u32 s6, v7;
	v26 =	vld.idx.msk [tilespmem:v26+s21+$0x0], $0xffff  }
0x3de: {  	v36 =	vor.u32 s5, v3;
	v37 =	vor.u32 s5, v4;
	v38 =	vor.u32 s6, v8;
	p0 =	slt.u32 s0, $0x1F8;
	v24 =	vld.idx.msk [tilespmem:v24+s21+$0x0], $0xffff  }
0x3df: {  	v39 =	vor.u32 s2, v5;
	v40 =	vor.u32 s4, v5;
	v41 =	vor.u32 s4, v6;
	v21 =	vld.idx.msk [tilespmem:v21+s21+$0x0], $0xffff  }
0x3e0: {  	v42 =	vor.u32 s2, v6;
	v43 =	vor.u32 s2, v7;
	v44 =	vor.u32 s2, v8;
	v27 =	vld.idx.msk [tilespmem:v27+s21+$0x0], $0xffff;
	[tilespmem:s1+$0x0] =	vst v20  }
0x3e1: {  	v10 =	vcvt.f32.s32 v10;
	v15 =	vcvt.f32.s32 v15;
	v20 =	vor.u32 s2, v1;
	v30 =	vld.idx.msk [tilespmem:v30+s24+$0x0], $0xffff;
	[tilespmem:s1+$0x10] =	vst v22  }
0x3e2: {  	v18 =	vcvt.f32.s32 v18;
	v9 =	vcvt.f32.s32 v9;
	v29 =	vand.u32 $0xF00, v29;
	v22 =	vld.idx.msk [tilespmem:v35+s24+$0x0], $0xffff;
	[tilespmem:s1+$0x20] =	vst v28  }
0x3e3: {  	v16 =	vcvt.f32.s32 v16;
	v17 =	vcvt.f32.s32 v17;
	v23 =	vand.u32 $0xF0, v23;
	v28 =	vld.idx.msk [tilespmem:v38+s24+$0x0], $0xffff;
	[tilespmem:s1+$0xFFFFFFC0] =	vst v26  }
0x3e4: {  	v13 =	vcvt.f32.s32 v13;
	v14 =	vcvt.f32.s32 v14;
	v25 =	vand.u32 $0xF00, v25;
	v26 =	vld.idx.msk [tilespmem:v33+s24+$0x0], $0xffff;
	[tilespmem:s1+$0xFFFFFFD0] =	vst v24  }
0x3e5: {  	v11 =	vcvt.f32.s32 v11;
	v12 =	vcvt.f32.s32 v12;
	v19 =	vand.u32 $0xF0, v19;
	v24 =	vld.idx.msk [tilespmem:v34+s24+$0x0], $0xffff;
	[tilespmem:s1+$0xFFFFFFE0] =	vst v21  }
0x3e6: {  	v18 =	vand.u32 $0xF00, v18;
	v10 =	vand.u32 $0xF00, v10;
	v15 =	vand.u32 $0xF0, v15;
	v21 =	vld.idx.msk [tilespmem:v36+s24+$0x0], $0xffff;
	[tilespmem:s1+$0xFFFFFFF0] =	vst v27;
	s1 =	smov.u32 s31  }
0x3e7: {  	v16 =	vand.u32 $0xF00, v16;
	v33 =	vand.u32 $0xF0, v9;
	v27 =	vmul.f32 $2.560000000e+02, v30;
	v30 =	vld.idx.msk [tilespmem:v37+s24+$0x0], $0xffff  }
0x3e8: {  	v17 =	vand.u32 $0xF0, v17;
	v13 =	vand.u32 $0xF00, v13;
	v14 =	vand.u32 $0xF0, v14;
	v34 =	vld.idx.msk [tilespmem:v40+s24+$0x0], $0xffff  }
0x3e9: {  	v11 =	vand.u32 $0xF00, v11;
	v22 =	vmul.f32 $4.096000000e+03, v22;
	v28 =	vmul.f32 $2.560000000e+02, v28;
	v35 =	vld.idx.msk [tilespmem:v41+s24+$0x0], $0xffff  }
0x3ea: {  	v12 =	vand.u32 $0xF0, v12;
	v9 =	vtrunc.f32 v27;
	v26 =	vmul.f32 $4.096000000e+03, v26;
	v20 =	vld.idx.msk [tilespmem:v20+s24+$0x0], $0xffff  }
0x3eb: {  	v23 =	vor.u32 v23, v29;
	v22 =	vtrunc.f32 v22;
	v28 =	vtrunc.f32 v28;
	v27 =	vld.idx.msk [tilespmem:v31+s24+$0x0], $0xffff  }
0x3ec: {  	v19 =	vor.u32 v19, v25;
	v22 =	vcvt.f32.s32 v22;
	v28 =	vcvt.f32.s32 v28;
	v29 =	vld.idx.msk [tilespmem:v32+s24+$0x0], $0xffff  }
0x3ed: {  	v24 =	vmul.f32 $2.560000000e+02, v24;
	v21 =	vmul.f32 $4.096000000e+03, v21;
	v31 =	vor.u32 v15, v10;
	v25 =	vld.idx.msk [tilespmem:v39+s24+$0x0], $0xffff  }
0x3ee: {  	v15 =	vmul.f32 $2.560000000e+02, v30;
	v22 =	vand.u32 $0xF00, v22;
	v28 =	vand.u32 $0xF0, v28;
	v10 =	vld.idx.msk [tilespmem:v42+s24+$0x0], $0xffff  }
0x3ef: {  	v32 =	vmul.f32 $4.096000000e+03, v34;
	v34 =	vmul.f32 $2.560000000e+02, v35;
	v22 =	vor.u32 v28, v22;
	v30 =	vld.idx.msk [tilespmem:v43+s24+$0x0], $0xffff  }
0x3f0: {  	v35 =	vtrunc.f32 v26;
	v20 =	vmul.f32 $4.096000000e+03, v20;
	v22 =	vor.u32 v0, v22;
	v28 =	vld.idx.msk [tilespmem:v44+s24+$0x0], $0xffff  }
0x3f1: {  	v26 =	vmul.f32 $4.096000000e+03, v27;
	v27 =	vtrunc.f32 v24;
	v24 =	vor.u32 v33, v18  }
0x3f2: {  	v33 =	vtrunc.f32 v21;
	v21 =	vor.u32 v17, v16;
	v29 =	vmul.f32 $2.560000000e+02, v29  }
0x3f3: {  	v37 =	vor.u32 v14, v13;
	v36 =	vtrunc.f32 v15;
	v25 =	vmul.f32 $4.096000000e+03, v25  }
0x3f4: {  	v14 =	vmul.f32 $2.560000000e+02, v10;
	v10 =	vtrunc.f32 v32;
	v32 =	vor.u32 v12, v11  }
0x3f5: {  	v15 =	vtrunc.f32 v34;
	v11 =	vmul.f32 $4.096000000e+03, v30;
	v30 =	vor.u32 v0, v23;
	v22 =	vld.idx.msk [tilespmem:v22+s21+$0x0], $0xffff  }
0x3f6: {  	v34 =	vor.u32 v0, v19;
	v18 =	vtrunc.f32 v20;
	v12 =	vmul.f32 $2.560000000e+02, v28  }
.Ltmp7:
0x3f7: {  	v16 =	vtrunc.f32 v26;
	v17 =	vtrunc.f32 v29;
	v28 =	vor.u32 v0, v31;
	(pc) =	sbr.rel @p0 .LBB2_16-.Ltmp7, $4  }
0x3f8: {  	v26 =	vor.u32 v0, v24;
	v13 =	vtrunc.f32 v25;
	v14 =	vtrunc.f32 v14  }
0x3f9: {  	v24 =	vor.u32 v0, v21;
	v11 =	vtrunc.f32 v11;
	v12 =	vtrunc.f32 v12  }
0x3fa: {  	s31 =	sadd.s32 $0x80, s31;
	v21 =	vor.u32 v0, v37;
	v29 =	vcvt.f32.s32 v35;
	v23 =	vcvt.f32.s32 v27;
	v20 =	vld.idx.msk [tilespmem:v30+s21+$0x0], $0xffff  }
0x3fb: {  	s2 =	sadd.s32 $0x100, s2;
	v19 =	vcvt.f32.s32 v36;
	v25 =	vcvt.f32.s32 v33;
	v27 =	vor.u32 v0, v32;
	[tilespmem:s31+$0x30] =	vst v22;
	v22 =	vld.idx.msk [tilespmem:v34+s21+$0x0], $0xffff  }
0x3fc: {  	v10 =	vcvt.f32.s32 v10  }
0x3fd: {  	v15 =	vcvt.f32.s32 v15;
	v18 =	vcvt.f32.s32 v18  }
0x3fe: {  	v9 =	vcvt.f32.s32 v9;
	v16 =	vcvt.f32.s32 v16  }
0x3ff: {  	v29 =	vand.u32 $0xF00, v29;
	v17 =	vcvt.f32.s32 v17;
	v13 =	vcvt.f32.s32 v13  }
0x400: {  	v23 =	vand.u32 $0xF0, v23;
	v14 =	vcvt.f32.s32 v14;
	v11 =	vcvt.f32.s32 v11  }
0x401: {  	v12 =	vcvt.f32.s32 v12;
	v25 =	vand.u32 $0xF00, v25;
	v19 =	vand.u32 $0xF0, v19  }
0x402: {  	v23 =	vor.u32 v23, v29;
	v18 =	vand.u32 $0xF00, v18;
	v10 =	vand.u32 $0xF00, v10  }
0x403: {  	v15 =	vand.u32 $0xF0, v15;
	v9 =	vand.u32 $0xF0, v9;
	v16 =	vand.u32 $0xF00, v16  }
0x404: {  	v28 =	vld.idx.msk [tilespmem:v28+s21+$0x0], $0xffff;
	v17 =	vand.u32 $0xF0, v17;
	v19 =	vor.u32 v19, v25;
	v23 =	vor.u32 v0, v23  }
0x405: {  	v56 =	vld.idx.msk [tilespmem:v26+s21+$0x0], $0xffff;
	v13 =	vand.u32 $0xF00, v13;
	v10 =	vor.u32 v15, v10;
	v57 =	vor.u32 v0, v19  }
0x406: {  	v58 =	vld.idx.msk [tilespmem:v24+s21+$0x0], $0xffff;
	v14 =	vand.u32 $0xF0, v14;
	v9 =	vor.u32 v9, v18;
	v10 =	vor.u32 v0, v10  }
0x407: {  	v59 =	vld.idx.msk [tilespmem:v21+s21+$0x0], $0xffff;
	v11 =	vand.u32 $0xF00, v11;
	[tilespmem:s1+$0x0] =	vst v20;
	v16 =	vor.u32 v17, v16;
	v9 =	vor.u32 v0, v9  }
0x408: {  	v60 =	vld.idx.msk [tilespmem:v27+s21+$0x0], $0xffff;
	v12 =	vand.u32 $0xF0, v12;
	v13 =	vor.u32 v14, v13;
	[tilespmem:s1+$0x10] =	vst v22;
	v61 =	vor.u32 v0, v16  }
0x409: {  	v11 =	vor.u32 v12, v11;
	v62 =	vor.u32 v0, v13;
	[tilespmem:s1+$0x20] =	vst v28;
	v63 =	vld.idx.msk [tilespmem:v23+s21+$0x0], $0xffff  }
0x40a: {  	v11 =	vor.u32 v0, v11;
	[tilespmem:s1+$0xFFFFFFC0] =	vst v56;
	v15 =	vld.idx.msk [tilespmem:v57+s21+$0x0], $0xffff  }
0x40b: {  	[tilespmem:s1+$0xFFFFFFD0] =	vst v58;
	v10 =	vld.idx.msk [tilespmem:v10+s21+$0x0], $0xffff  }
0x40c: {  	[tilespmem:s1+$0xFFFFFFE0] =	vst v59;
	v9 =	vld.idx.msk [tilespmem:v9+s21+$0x0], $0xffff  }
0x40d: {  	[tilespmem:s1+$0xFFFFFFF0] =	vst v60;
	v14 =	vld.idx.msk [tilespmem:v61+s21+$0x0], $0xffff  }
0x40e: {  	v12 =	vld.idx.msk [tilespmem:v62+s21+$0x0], $0xffff;
	[tilespmem:s31+$0x0] =	vst v63  }
0x40f: {  	v11 =	vld.idx.msk [tilespmem:v11+s21+$0x0], $0xffff;
	[tilespmem:s31+$0x10] =	vst v15  }
0x410: {  	[tilespmem:s31+$0x20] =	vst v10  }
0x411: {  	[tilespmem:s31+$0xFFFFFFC0] =	vst v9  }
0x412: {  	[tilespmem:s31+$0xFFFFFFD0] =	vst v14  }
0x413: {  	[tilespmem:s31+$0xFFFFFFE0] =	vst v12  }
0x414: {  	s30 =	sadd.s32 $0x1, s30;
	[tilespmem:s31+$0xFFFFFFF0] =	vst v11  }
0x415: {  	[hbm4b:s19+s3] =	stream.linear.scatter [tilespmem:s26], [sflag:$0x3], $0x2000, $0x38;
	[tilespmem:$0xD000] =	vst v63  }
0x416: {  	p0 =	sne.s32 s30, s20;
	_ =	swait.ge [sflag:s28], $0x2000  }
.Ltmp8:
0x417: {  	[sflag:s28] =	ssyncset.done $0x0;
	(pc) =	sbr.rel @p0 .LBB2_1-.Ltmp8, $4  }
0x418: {  	[sflag:s28] =	ssyncadd.s32 $0xFFFFE000  }
0x419: {  	_ =	swait.ge [sflag:s29], $0x2000  }
0x41a: {  	[sflag:s29] =	ssyncset.done $0x0  }
0x41b: {  	[sflag:s29] =	ssyncadd.s32 $0xFFFFE000  }
0x41c: {  	_ =	sfence.sel $0x180000  }
0x41d: {  	[bflag:$0x0] =	sbarrier.arrive $0xFFFF  }
0x41e: {  	_ =	strace $0x90000047  }
0x41f: {  	s0 =	stileid.u32;
	[bflag:$0x2] =	sbarrier.arrive $0xFFFF  }
0x420: {  	p0 =	sne.s32 s0, $0x0;
	s0 =	rddreg [dreg:$0x2]  }
0x421: {  	s0 =	sadd.s32 @!p0 $0x100000, s0  }
0x422: {  	[sflag:s0] =	ssyncadd.tile.s32 @!p0 $0x1;
	_ =	shalt  }
.Lfunc_end2:
_tile_overlayer_lowered:
.L_overlay_start_2:
0x423: {  	(tag) =	ssettag $0x2  }
0x424: {  	s0 =	rddreg [dreg:$0x0];
	s2 =	stileid.u32  }
0x425: {  	s1 =	rddreg [dreg:$0x1];
	p0 =	sne.s32 s2, $0x0  }
0x426: {  	s3 =	rddreg [dreg:$0x2];
	[bflag:$0x3] =	sbarrier.arrive $0xFFFF;
	s2 =	simm.s32 @!p0 $0x1C04  }
0x427: {  	[timem:s3], [sflag:s2] =	dma.local @!p0 [hbm:s0], s1  }
0x428: {  	s0 =	simm.s32 @!p0 $0x4  }
0x429: {  	_ =	swait.ge @!p0 [sflag:s0], s1  }
0x42a: {  	s1 =	ssub.s32 @!p0 $0x0, s1;
	[sflag:s0] =	ssyncset.done @!p0 $0x0  }
0x42b: {  	[sflag:s0] =	ssyncadd.s32 @!p0 s1  }
0x42c: {  	[bflag:$0x3] =	sbarrier.arrive $0xFFFF  }
0x42d: {  	_ =	shalt  }

</sc_bundles>
